<compile_context>
chip_gen: v7x
topology: tpu7x:2x2x1
jax: 0.10.2.dev20260603
libtpu: 0.0.44.dev20260713+nightly
codegen_flags: <defaults>
</compile_context>

<pallas_src>
import functools

import jax
import jax.numpy as jnp
from jax import lax
from jax.experimental import pallas as pl
from jax.experimental.pallas import tpu as pltpu
from jax.experimental.pallas import tpu_sc as plsc

NUM_ROWS = 1000000
DIM = 32
N = 16384
J = 26
B_TOTAL = N * J

NC = 2
NS = 16
NW = NC * NS
NPW = N // NW
BPW = NPW * J
TPW = NPW // 128
UNITS = J * TPW


def _make_kernel():
  mesh = plsc.VectorSubcoreMesh(core_axis_name="c", subcore_axis_name="s")

  @functools.partial(
      pl.kernel,
      mesh=mesh,
      compiler_params=pltpu.CompilerParams(
          use_tc_tiling_on_sc=False, needs_layout_passes=False),
      out_type=jax.ShapeDtypeStruct((J, DIM // 8, N // 128, 8, 128),
                                    jnp.float32),
      scratch_types=[
          pltpu.VMEM((BPW,), jnp.int32),
          pltpu.VMEM((128,), jnp.int32),
          pltpu.VMEM((128,), jnp.int32),
          pltpu.VMEM((128, DIM), jnp.float32),
          pltpu.VMEM((128, DIM), jnp.float32),
          pltpu.VMEM((DIM // 8, 8, 128), jnp.float32),
          pltpu.VMEM((DIM // 8, 8, 128), jnp.float32),
          pltpu.SemaphoreType.DMA,
          pltpu.SemaphoreType.DMA,
          pltpu.SemaphoreType.DMA,
          pltpu.SemaphoreType.DMA,
      ],
  )
  def gather_kernel(idx_hbm, table_hbm, out_hbm, idxv, ul0, ul1, gr0, gr1,
                    ot0, ot1, g0, g1, s0, s1):
    wid = lax.axis_index("s") * NC + lax.axis_index("c")
    ulist = (ul0, ul1)
    grows = (gr0, gr1)
    otile = (ot0, ot1)
    gsem = (g0, g1)
    ssem = (s0, s1)

    lane = jax.lax.iota(jnp.int32, 16)
    lane_j = lane * J

    pltpu.sync_copy(idx_hbm.at[pl.ds(wid * BPW, BPW)], idxv)

    def build_ulist(b, u):
      j = u // TPW
      tl = u - j * TPW
      base = tl * (128 * J) + j
      for v in range(8):
        pos = lane_j + (base + v * 16 * J)
        vals = plsc.load_gather(idxv, [pos])
        ulist[b][pl.ds(v * 16, 16)] = vals

    def start_gather(b):
      return pltpu.async_copy(table_hbm.at[ulist[b]], grows[b], gsem[b])

    def wait_gather(b):
      pltpu.make_async_copy(table_hbm.at[ulist[b]], grows[b], gsem[b]).wait()

    def transpose(b):
      otf = otile[b]

      def istep(i, carry):
        diag = (lane + i) & 15
        for half in range(2):
          m = diag + (half * 16)
          a = m >> 3
          r = m & 7
          for v in range(8):
            rowv = lane + (v * 16)
            vals = plsc.load_gather(grows[b], [rowv, m])
            plsc.store_scatter(otf, [a, r, rowv], vals)
        return carry

      lax.fori_loop(0, 16, istep, 0)

    def start_store(b, u):
      j = u // TPW
      tl = u - j * TPW
      tc = wid * TPW + tl
      return pltpu.async_copy(otile[b], out_hbm.at[j, :, tc], ssem[b])

    def wait_store(b, u):
      j = u // TPW
      tl = u - j * TPW
      tc = wid * TPW + tl
      pltpu.make_async_copy(otile[b], out_hbm.at[j, :, tc], ssem[b]).wait()

    build_ulist(0, 0)
    start_gather(0)
    build_ulist(1, 1)
    start_gather(1)
    for u in (0, 1):
      b = u & 1
      wait_gather(b)
      transpose(b)
      start_store(b, u)
      build_ulist(b, u + 2)
      start_gather(b)

    def body(o, carry):
      for b in range(2):
        u = 2 * o + b
        wait_gather(b)
        wait_store(b, u)
        transpose(b)
        start_store(b, u)
        build_ulist(b, u + 2)
        start_gather(b)
      return carry

    lax.fori_loop(1, (UNITS - 2) // 2, body, 0)

    for u in (UNITS - 2, UNITS - 1):
      b = u & 1
      wait_gather(b)
      wait_store(b, u)
      transpose(b)
      start_store(b, u)
    for u in (UNITS - 2, UNITS - 1):
      wait_store(u & 1, u)

  return gather_kernel


_gather = _make_kernel()


@jax.jit
def kernel(idx, embeddings):
  idx_flat = idx.reshape(B_TOTAL)
  out5 = _gather(idx_flat, embeddings)
  return out5.transpose(2, 4, 0, 1, 3).reshape(N, J, DIM)

# --- scband reference (transcript-rebuilt; emitter-appended) ---
"""Pipeline reference for scband-embedding-72524817760712 (READ-ONLY COPY).

The authoritative reference and input builder live on the scoring server;
editing this copy changes nothing except your own understanding.
"""

import jax, jax.numpy as jnp
import numpy as np

NUM_EMBEDDINGS = 1000000
EMBEDDING_DIM = 32

def setup_inputs(seed: int = 0) -> dict:
    key = jax.random.key(seed)
    k_idx, k_tab = jax.random.split(key)
    idx = jax.random.randint(k_idx, (16384, 26), 0, NUM_EMBEDDINGS, dtype=jnp.int64) if jax.config.jax_enable_x64 else jax.random.randint(k_idx, (16384, 26), 0, NUM_EMBEDDINGS, dtype=jnp.int32)
    embeddings = jax.random.normal(k_tab, (NUM_EMBEDDINGS, EMBEDDING_DIM), dtype=jnp.float32)
    return {"idx": idx, "embeddings": embeddings}

def reference(idx, embeddings):
    # F.embedding(idx, embeddings) -> gather rows of the table
    return jnp.take(embeddings, idx, axis=0)

if __name__ == "__main__":
    import jax
    _d = setup_inputs()
    print(jax.jit(kernel)(*tuple(_d.values())))

</pallas_src>

<mosaic_0001>
#map = affine_map<(d0, d1) -> (0)>
#map1 = affine_map<(d0, d1) -> (0, 0)>
#map2 = affine_map<(d0, d1) -> (0, 0, 0, 0, 0)>
module attributes {stable_mosaic.version = 14 : i64} {
  func.func @gather_kernel(%arg0: i32, %arg1: i32, %arg2: memref<425984xi32, #tpu.memory_space<hbm>>, %arg3: memref<1000000x32xf32, #tpu.memory_space<hbm>>, %arg4: memref<26x4x128x8x128xf32, #tpu.memory_space<hbm>>, %arg5: memref<13312xi32, #tpu.memory_space<vmem>>, %arg6: memref<128xi32, #tpu.memory_space<vmem>>, %arg7: memref<128xi32, #tpu.memory_space<vmem>>, %arg8: memref<128x32xf32, #tpu.memory_space<vmem>>, %arg9: memref<128x32xf32, #tpu.memory_space<vmem>>, %arg10: memref<4x8x128xf32, #tpu.memory_space<vmem>>, %arg11: memref<4x8x128xf32, #tpu.memory_space<vmem>>, %arg12: memref<!tpu.dma_semaphore, #tpu.memory_space<semaphore_mem>>, %arg13: memref<!tpu.dma_semaphore, #tpu.memory_space<semaphore_mem>>, %arg14: memref<!tpu.dma_semaphore, #tpu.memory_space<semaphore_mem>>, %arg15: memref<!tpu.dma_semaphore, #tpu.memory_space<semaphore_mem>>) attributes {dimension_semantics = [#tpu.dimension_semantics<core_parallel>, #tpu.dimension_semantics<subcore_parallel>], iteration_bounds = array<i64: 2, 16>, scalar_prefetch = 0 : i64, scratch_operands = 11 : i64, tpu.core_type = #tpu.core_type<sc_vector_subcore>, window_params = [{transform_indices = #map}, {transform_indices = #map1}, {transform_indices = #map2}]} {
    %mul3A = arith.constant 2 : i32
    %mul3A_0 = arith.muli %arg1, %mul3A : i32
    %add3A = arith.addi %mul3A_0, %arg0 : i32
    %iota3A = tpu.iota {dimensions = array<i32: 0>} : vector<16xi32>
    %mul3A_1 = arith.constant 26 : i32
    %mul3A_2 = vector.broadcast %mul3A_1 : i32 to vector<16xi32>
    %mul3A_3 = arith.muli %iota3A, %mul3A_2 : vector<16xi32>
    %mul3A_4 = arith.constant 13312 : i32
    %mul3A_5 = arith.muli %add3A, %mul3A_4 : i32
    "tpu.region"() ({
      %run_scoped3A = tpu.sem_alloc : memref<!tpu.dma_semaphore, #tpu.memory_space<semaphore_mem>>
      %dma_start3A_367 = tpu.memref_slice %arg2[%mul3A_5] : memref<425984xi32, #tpu.memory_space<hbm>> -> memref<13312xi32, #tpu.memory_space<hbm>>
      %dma_start3A_368 = tpu.memref_slice %arg2[%mul3A_5] : memref<425984xi32, #tpu.memory_space<hbm>> -> memref<13312xi32, #tpu.memory_space<hbm>>
      tpu.enqueue_dma source(%dma_start3A_368 : memref<13312xi32, #tpu.memory_space<hbm>>) target(%arg5 : memref<13312xi32, #tpu.memory_space<vmem>>) target_semaphore(%run_scoped3A : memref<!tpu.dma_semaphore, #tpu.memory_space<semaphore_mem>>)
      %dma_wait3A_369 = tpu.memref_slice %arg2[%mul3A_5] : memref<425984xi32, #tpu.memory_space<hbm>> -> memref<13312xi32, #tpu.memory_space<hbm>>
      %dma_wait3A_370 = tpu.memref_slice %arg2[%mul3A_5] : memref<425984xi32, #tpu.memory_space<hbm>> -> memref<13312xi32, #tpu.memory_space<hbm>>
      tpu.wait_dma2 semaphore(%run_scoped3A : memref<!tpu.dma_semaphore, #tpu.memory_space<semaphore_mem>>) src(%dma_wait3A_370 : memref<13312xi32, #tpu.memory_space<hbm>>) dst(%arg5 : memref<13312xi32, #tpu.memory_space<vmem>>)
      tpu.yield
    }) : () -> ()
    %add3A_6 = arith.constant 0 : i32
    %add3A_7 = vector.broadcast %add3A_6 : i32 to vector<16xi32>
    %add3A_8 = arith.addi %mul3A_3, %add3A_7 : vector<16xi32>
    %gather3A = tpu.vector_load_idx %arg5[%add3A_8] : memref<13312xi32, #tpu.memory_space<vmem>>[vector<16xi32>], vector<16xi32>,
    %swap3A = arith.constant 0 : index
    %swap3A_9 = tpu.vector_load %arg6[%swap3A] {strides = array<i32>} : memref<128xi32, #tpu.memory_space<vmem>>, vector<16xi32>,
    tpu.vector_store %arg6[%swap3A], %gather3A {strides = array<i32>} : memref<128xi32, #tpu.memory_space<vmem>>, vector<16xi32>,
    %add3A_10 = arith.constant 416 : i32
    %add3A_11 = vector.broadcast %add3A_10 : i32 to vector<16xi32>
    %add3A_12 = arith.addi %mul3A_3, %add3A_11 : vector<16xi32>
    %gather3A_13 = tpu.vector_load_idx %arg5[%add3A_12] : memref<13312xi32, #tpu.memory_space<vmem>>[vector<16xi32>], vector<16xi32>,
    %swap3A_14 = arith.constant 16 : index
    %swap3A_15 = tpu.vector_load %arg6[%swap3A_14] {strides = array<i32>} : memref<128xi32, #tpu.memory_space<vmem>>, vector<16xi32>,
    tpu.vector_store %arg6[%swap3A_14], %gather3A_13 {strides = array<i32>} : memref<128xi32, #tpu.memory_space<vmem>>, vector<16xi32>,
    %add3A_16 = arith.constant 832 : i32
    %add3A_17 = vector.broadcast %add3A_16 : i32 to vector<16xi32>
    %add3A_18 = arith.addi %mul3A_3, %add3A_17 : vector<16xi32>
    %gather3A_19 = tpu.vector_load_idx %arg5[%add3A_18] : memref<13312xi32, #tpu.memory_space<vmem>>[vector<16xi32>], vector<16xi32>,
    %swap3A_20 = arith.constant 32 : index
    %swap3A_21 = tpu.vector_load %arg6[%swap3A_20] {strides = array<i32>} : memref<128xi32, #tpu.memory_space<vmem>>, vector<16xi32>,
    tpu.vector_store %arg6[%swap3A_20], %gather3A_19 {strides = array<i32>} : memref<128xi32, #tpu.memory_space<vmem>>, vector<16xi32>,
    %add3A_22 = arith.constant 1248 : i32
    %add3A_23 = vector.broadcast %add3A_22 : i32 to vector<16xi32>
    %add3A_24 = arith.addi %mul3A_3, %add3A_23 : vector<16xi32>
    %gather3A_25 = tpu.vector_load_idx %arg5[%add3A_24] : memref<13312xi32, #tpu.memory_space<vmem>>[vector<16xi32>], vector<16xi32>,
    %swap3A_26 = arith.constant 48 : index
    %swap3A_27 = tpu.vector_load %arg6[%swap3A_26] {strides = array<i32>} : memref<128xi32, #tpu.memory_space<vmem>>, vector<16xi32>,
    tpu.vector_store %arg6[%swap3A_26], %gather3A_25 {strides = array<i32>} : memref<128xi32, #tpu.memory_space<vmem>>, vector<16xi32>,
    %add3A_28 = arith.constant 1664 : i32
    %add3A_29 = vector.broadcast %add3A_28 : i32 to vector<16xi32>
    %add3A_30 = arith.addi %mul3A_3, %add3A_29 : vector<16xi32>
    %gather3A_31 = tpu.vector_load_idx %arg5[%add3A_30] : memref<13312xi32, #tpu.memory_space<vmem>>[vector<16xi32>], vector<16xi32>,
    %swap3A_32 = arith.constant 64 : index
    %swap3A_33 = tpu.vector_load %arg6[%swap3A_32] {strides = array<i32>} : memref<128xi32, #tpu.memory_space<vmem>>, vector<16xi32>,
    tpu.vector_store %arg6[%swap3A_32], %gather3A_31 {strides = array<i32>} : memref<128xi32, #tpu.memory_space<vmem>>, vector<16xi32>,
    %add3A_34 = arith.constant 2080 : i32
    %add3A_35 = vector.broadcast %add3A_34 : i32 to vector<16xi32>
    %add3A_36 = arith.addi %mul3A_3, %add3A_35 : vector<16xi32>
    %gather3A_37 = tpu.vector_load_idx %arg5[%add3A_36] : memref<13312xi32, #tpu.memory_space<vmem>>[vector<16xi32>], vector<16xi32>,
    %swap3A_38 = arith.constant 80 : index
    %swap3A_39 = tpu.vector_load %arg6[%swap3A_38] {strides = array<i32>} : memref<128xi32, #tpu.memory_space<vmem>>, vector<16xi32>,
    tpu.vector_store %arg6[%swap3A_38], %gather3A_37 {strides = array<i32>} : memref<128xi32, #tpu.memory_space<vmem>>, vector<16xi32>,
    %add3A_40 = arith.constant 2496 : i32
    %add3A_41 = vector.broadcast %add3A_40 : i32 to vector<16xi32>
    %add3A_42 = arith.addi %mul3A_3, %add3A_41 : vector<16xi32>
    %gather3A_43 = tpu.vector_load_idx %arg5[%add3A_42] : memref<13312xi32, #tpu.memory_space<vmem>>[vector<16xi32>], vector<16xi32>,
    %swap3A_44 = arith.constant 96 : index
    %swap3A_45 = tpu.vector_load %arg6[%swap3A_44] {strides = array<i32>} : memref<128xi32, #tpu.memory_space<vmem>>, vector<16xi32>,
    tpu.vector_store %arg6[%swap3A_44], %gather3A_43 {strides = array<i32>} : memref<128xi32, #tpu.memory_space<vmem>>, vector<16xi32>,
    %add3A_46 = arith.constant 2912 : i32
    %add3A_47 = vector.broadcast %add3A_46 : i32 to vector<16xi32>
    %add3A_48 = arith.addi %mul3A_3, %add3A_47 : vector<16xi32>
    %gather3A_49 = tpu.vector_load_idx %arg5[%add3A_48] : memref<13312xi32, #tpu.memory_space<vmem>>[vector<16xi32>], vector<16xi32>,
    %swap3A_50 = arith.constant 112 : index
    %swap3A_51 = tpu.vector_load %arg6[%swap3A_50] {strides = array<i32>} : memref<128xi32, #tpu.memory_space<vmem>>, vector<16xi32>,
    tpu.vector_store %arg6[%swap3A_50], %gather3A_49 {strides = array<i32>} : memref<128xi32, #tpu.memory_space<vmem>>, vector<16xi32>,
    %dma_start3A = arith.constant 0 : i32
    %dma_start3A_52 = arith.constant 0 : i32
    %dma_start3A_53 = tpu.memref_slice %arg3[%dma_start3A, %dma_start3A_52] : memref<1000000x32xf32, #tpu.memory_space<hbm>> -> memref<1000000x32xf32, #tpu.memory_space<hbm>>
    tpu.enqueue_indirect_dma source(%dma_start3A_53 : memref<1000000x32xf32, #tpu.memory_space<hbm>>) target(%arg8 : memref<128x32xf32, #tpu.memory_space<vmem>>) offsets(%arg6 : memref<128xi32, #tpu.memory_space<vmem>>) semaphore(%arg12 : memref<!tpu.dma_semaphore, #tpu.memory_space<semaphore_mem>>)
    %add3A_54 = arith.constant 3328 : i32
    %add3A_55 = vector.broadcast %add3A_54 : i32 to vector<16xi32>
    %add3A_56 = arith.addi %mul3A_3, %add3A_55 : vector<16xi32>
    %gather3A_57 = tpu.vector_load_idx %arg5[%add3A_56] : memref<13312xi32, #tpu.memory_space<vmem>>[vector<16xi32>], vector<16xi32>,
    %swap3A_58 = arith.constant 0 : index
    %swap3A_59 = tpu.vector_load %arg7[%swap3A_58] {strides = array<i32>} : memref<128xi32, #tpu.memory_space<vmem>>, vector<16xi32>,
    tpu.vector_store %arg7[%swap3A_58], %gather3A_57 {strides = array<i32>} : memref<128xi32, #tpu.memory_space<vmem>>, vector<16xi32>,
    %add3A_60 = arith.constant 3744 : i32
    %add3A_61 = vector.broadcast %add3A_60 : i32 to vector<16xi32>
    %add3A_62 = arith.addi %mul3A_3, %add3A_61 : vector<16xi32>
    %gather3A_63 = tpu.vector_load_idx %arg5[%add3A_62] : memref<13312xi32, #tpu.memory_space<vmem>>[vector<16xi32>], vector<16xi32>,
    %swap3A_64 = arith.constant 16 : index
    %swap3A_65 = tpu.vector_load %arg7[%swap3A_64] {strides = array<i32>} : memref<128xi32, #tpu.memory_space<vmem>>, vector<16xi32>,
    tpu.vector_store %arg7[%swap3A_64], %gather3A_63 {strides = array<i32>} : memref<128xi32, #tpu.memory_space<vmem>>, vector<16xi32>,
    %add3A_66 = arith.constant 4160 : i32
    %add3A_67 = vector.broadcast %add3A_66 : i32 to vector<16xi32>
    %add3A_68 = arith.addi %mul3A_3, %add3A_67 : vector<16xi32>
    %gather3A_69 = tpu.vector_load_idx %arg5[%add3A_68] : memref<13312xi32, #tpu.memory_space<vmem>>[vector<16xi32>], vector<16xi32>,
    %swap3A_70 = arith.constant 32 : index
    %swap3A_71 = tpu.vector_load %arg7[%swap3A_70] {strides = array<i32>} : memref<128xi32, #tpu.memory_space<vmem>>, vector<16xi32>,
    tpu.vector_store %arg7[%swap3A_70], %gather3A_69 {strides = array<i32>} : memref<128xi32, #tpu.memory_space<vmem>>, vector<16xi32>,
    %add3A_72 = arith.constant 4576 : i32
    %add3A_73 = vector.broadcast %add3A_72 : i32 to vector<16xi32>
    %add3A_74 = arith.addi %mul3A_3, %add3A_73 : vector<16xi32>
    %gather3A_75 = tpu.vector_load_idx %arg5[%add3A_74] : memref<13312xi32, #tpu.memory_space<vmem>>[vector<16xi32>], vector<16xi32>,
    %swap3A_76 = arith.constant 48 : index
    %swap3A_77 = tpu.vector_load %arg7[%swap3A_76] {strides = array<i32>} : memref<128xi32, #tpu.memory_space<vmem>>, vector<16xi32>,
    tpu.vector_store %arg7[%swap3A_76], %gather3A_75 {strides = array<i32>} : memref<128xi32, #tpu.memory_space<vmem>>, vector<16xi32>,
    %add3A_78 = arith.constant 4992 : i32
    %add3A_79 = vector.broadcast %add3A_78 : i32 to vector<16xi32>
    %add3A_80 = arith.addi %mul3A_3, %add3A_79 : vector<16xi32>
    %gather3A_81 = tpu.vector_load_idx %arg5[%add3A_80] : memref<13312xi32, #tpu.memory_space<vmem>>[vector<16xi32>], vector<16xi32>,
    %swap3A_82 = arith.constant 64 : index
    %swap3A_83 = tpu.vector_load %arg7[%swap3A_82] {strides = array<i32>} : memref<128xi32, #tpu.memory_space<vmem>>, vector<16xi32>,
    tpu.vector_store %arg7[%swap3A_82], %gather3A_81 {strides = array<i32>} : memref<128xi32, #tpu.memory_space<vmem>>, vector<16xi32>,
    %add3A_84 = arith.constant 5408 : i32
    %add3A_85 = vector.broadcast %add3A_84 : i32 to vector<16xi32>
    %add3A_86 = arith.addi %mul3A_3, %add3A_85 : vector<16xi32>
    %gather3A_87 = tpu.vector_load_idx %arg5[%add3A_86] : memref<13312xi32, #tpu.memory_space<vmem>>[vector<16xi32>], vector<16xi32>,
    %swap3A_88 = arith.constant 80 : index
    %swap3A_89 = tpu.vector_load %arg7[%swap3A_88] {strides = array<i32>} : memref<128xi32, #tpu.memory_space<vmem>>, vector<16xi32>,
    tpu.vector_store %arg7[%swap3A_88], %gather3A_87 {strides = array<i32>} : memref<128xi32, #tpu.memory_space<vmem>>, vector<16xi32>,
    %add3A_90 = arith.constant 5824 : i32
    %add3A_91 = vector.broadcast %add3A_90 : i32 to vector<16xi32>
    %add3A_92 = arith.addi %mul3A_3, %add3A_91 : vector<16xi32>
    %gather3A_93 = tpu.vector_load_idx %arg5[%add3A_92] : memref<13312xi32, #tpu.memory_space<vmem>>[vector<16xi32>], vector<16xi32>,
    %swap3A_94 = arith.constant 96 : index
    %swap3A_95 = tpu.vector_load %arg7[%swap3A_94] {strides = array<i32>} : memref<128xi32, #tpu.memory_space<vmem>>, vector<16xi32>,
    tpu.vector_store %arg7[%swap3A_94], %gather3A_93 {strides = array<i32>} : memref<128xi32, #tpu.memory_space<vmem>>, vector<16xi32>,
    %add3A_96 = arith.constant 6240 : i32
    %add3A_97 = vector.broadcast %add3A_96 : i32 to vector<16xi32>
    %add3A_98 = arith.addi %mul3A_3, %add3A_97 : vector<16xi32>
    %gather3A_99 = tpu.vector_load_idx %arg5[%add3A_98] : memref<13312xi32, #tpu.memory_space<vmem>>[vector<16xi32>], vector<16xi32>,
    %swap3A_100 = arith.constant 112 : index
    %swap3A_101 = tpu.vector_load %arg7[%swap3A_100] {strides = array<i32>} : memref<128xi32, #tpu.memory_space<vmem>>, vector<16xi32>,
    tpu.vector_store %arg7[%swap3A_100], %gather3A_99 {strides = array<i32>} : memref<128xi32, #tpu.memory_space<vmem>>, vector<16xi32>,
    %dma_start3A_102 = arith.constant 0 : i32
    %dma_start3A_103 = arith.constant 0 : i32
    %dma_start3A_104 = tpu.memref_slice %arg3[%dma_start3A_102, %dma_start3A_103] : memref<1000000x32xf32, #tpu.memory_space<hbm>> -> memref<1000000x32xf32, #tpu.memory_space<hbm>>
    tpu.enqueue_indirect_dma source(%dma_start3A_104 : memref<1000000x32xf32, #tpu.memory_space<hbm>>) target(%arg9 : memref<128x32xf32, #tpu.memory_space<vmem>>) offsets(%arg7 : memref<128xi32, #tpu.memory_space<vmem>>) semaphore(%arg13 : memref<!tpu.dma_semaphore, #tpu.memory_space<semaphore_mem>>)
    %dma_wait3A = arith.constant 0 : i32
    %dma_wait3A_105 = arith.constant 0 : i32
    %dma_wait3A_106 = tpu.memref_slice %arg3[%dma_wait3A, %dma_wait3A_105] : memref<1000000x32xf32, #tpu.memory_space<hbm>> -> memref<1000000x32xf32, #tpu.memory_space<hbm>>
    tpu.wait_indirect_dma semaphore(%arg12 : memref<!tpu.dma_semaphore, #tpu.memory_space<semaphore_mem>>) src(%dma_wait3A_106 : memref<1000000x32xf32, #tpu.memory_space<hbm>>) dst(%arg8 : memref<128x32xf32, #tpu.memory_space<vmem>>)
    %scan3A = arith.constant 0 : i32
    %scan3A_107 = arith.constant 0 : i32
    %scan3A_108 = arith.constant 16 : i32
    %scan3A_109 = arith.addi %scan3A_107, %scan3A_108 : i32
    %scan3A_110 = arith.constant 1 : i32
    scf.for %scan3A_367 = %scan3A_107 to %scan3A_109 step %scan3A_110  : i32 {
      %add3A_368 = vector.broadcast %scan3A_367 : i32 to vector<16xi32>
      %add3A_369 = arith.addi %iota3A, %add3A_368 : vector<16xi32>
      %and3A = arith.constant 15 : i32
      %and3A_370 = vector.broadcast %and3A : i32 to vector<16xi32>
      %and3A_371 = arith.andi %add3A_369, %and3A_370 : vector<16xi32>
      %add3A_372 = arith.constant 0 : i32
      %add3A_373 = vector.broadcast %add3A_372 : i32 to vector<16xi32>
      %add3A_374 = arith.addi %and3A_371, %add3A_373 : vector<16xi32>
      %shift_right_arithmetic3A = arith.constant 3 : i32
      %shift_right_arithmetic3A_375 = vector.broadcast %shift_right_arithmetic3A : i32 to vector<16xi32>
      %shift_right_arithmetic3A_376 = arith.shrsi %add3A_374, %shift_right_arithmetic3A_375 : vector<16xi32>
      %and3A_377 = arith.constant 7 : i32
      %and3A_378 = vector.broadcast %and3A_377 : i32 to vector<16xi32>
      %and3A_379 = arith.andi %add3A_374, %and3A_378 : vector<16xi32>
      %add3A_380 = arith.constant 0 : i32
      %add3A_381 = vector.broadcast %add3A_380 : i32 to vector<16xi32>
      %add3A_382 = arith.addi %iota3A, %add3A_381 : vector<16xi32>
      %gather3A_383 = tpu.vector_load_idx %arg8[%add3A_382, %add3A_374] : memref<128x32xf32, #tpu.memory_space<vmem>>[vector<16xi32>, vector<16xi32>], vector<16xf32>,
      tpu.vector_store_idx %arg10[%shift_right_arithmetic3A_376, %and3A_379, %add3A_382], %gather3A_383 : memref<4x8x128xf32, #tpu.memory_space<vmem>>[vector<16xi32>, vector<16xi32>, vector<16xi32>], vector<16xf32>,
      %add3A_384 = arith.constant 16 : i32
      %add3A_385 = vector.broadcast %add3A_384 : i32 to vector<16xi32>
      %add3A_386 = arith.addi %iota3A, %add3A_385 : vector<16xi32>
      %gather3A_387 = tpu.vector_load_idx %arg8[%add3A_386, %add3A_374] : memref<128x32xf32, #tpu.memory_space<vmem>>[vector<16xi32>, vector<16xi32>], vector<16xf32>,
      tpu.vector_store_idx %arg10[%shift_right_arithmetic3A_376, %and3A_379, %add3A_386], %gather3A_387 : memref<4x8x128xf32, #tpu.memory_space<vmem>>[vector<16xi32>, vector<16xi32>, vector<16xi32>], vector<16xf32>,
      %add3A_388 = arith.constant 32 : i32
      %add3A_389 = vector.broadcast %add3A_388 : i32 to vector<16xi32>
      %add3A_390 = arith.addi %iota3A, %add3A_389 : vector<16xi32>
      %gather3A_391 = tpu.vector_load_idx %arg8[%add3A_390, %add3A_374] : memref<128x32xf32, #tpu.memory_space<vmem>>[vector<16xi32>, vector<16xi32>], vector<16xf32>,
      tpu.vector_store_idx %arg10[%shift_right_arithmetic3A_376, %and3A_379, %add3A_390], %gather3A_391 : memref<4x8x128xf32, #tpu.memory_space<vmem>>[vector<16xi32>, vector<16xi32>, vector<16xi32>], vector<16xf32>,
      %add3A_392 = arith.constant 48 : i32
      %add3A_393 = vector.broadcast %add3A_392 : i32 to vector<16xi32>
      %add3A_394 = arith.addi %iota3A, %add3A_393 : vector<16xi32>
      %gather3A_395 = tpu.vector_load_idx %arg8[%add3A_394, %add3A_374] : memref<128x32xf32, #tpu.memory_space<vmem>>[vector<16xi32>, vector<16xi32>], vector<16xf32>,
      tpu.vector_store_idx %arg10[%shift_right_arithmetic3A_376, %and3A_379, %add3A_394], %gather3A_395 : memref<4x8x128xf32, #tpu.memory_space<vmem>>[vector<16xi32>, vector<16xi32>, vector<16xi32>], vector<16xf32>,
      %add3A_396 = arith.constant 64 : i32
      %add3A_397 = vector.broadcast %add3A_396 : i32 to vector<16xi32>
      %add3A_398 = arith.addi %iota3A, %add3A_397 : vector<16xi32>
      %gather3A_399 = tpu.vector_load_idx %arg8[%add3A_398, %add3A_374] : memref<128x32xf32, #tpu.memory_space<vmem>>[vector<16xi32>, vector<16xi32>], vector<16xf32>,
      tpu.vector_store_idx %arg10[%shift_right_arithmetic3A_376, %and3A_379, %add3A_398], %gather3A_399 : memref<4x8x128xf32, #tpu.memory_space<vmem>>[vector<16xi32>, vector<16xi32>, vector<16xi32>], vector<16xf32>,
      %add3A_400 = arith.constant 80 : i32
      %add3A_401 = vector.broadcast %add3A_400 : i32 to vector<16xi32>
      %add3A_402 = arith.addi %iota3A, %add3A_401 : vector<16xi32>
      %gather3A_403 = tpu.vector_load_idx %arg8[%add3A_402, %add3A_374] : memref<128x32xf32, #tpu.memory_space<vmem>>[vector<16xi32>, vector<16xi32>], vector<16xf32>,
      tpu.vector_store_idx %arg10[%shift_right_arithmetic3A_376, %and3A_379, %add3A_402], %gather3A_403 : memref<4x8x128xf32, #tpu.memory_space<vmem>>[vector<16xi32>, vector<16xi32>, vector<16xi32>], vector<16xf32>,
      %add3A_404 = arith.constant 96 : i32
      %add3A_405 = vector.broadcast %add3A_404 : i32 to vector<16xi32>
      %add3A_406 = arith.addi %iota3A, %add3A_405 : vector<16xi32>
      %gather3A_407 = tpu.vector_load_idx %arg8[%add3A_406, %add3A_374] : memref<128x32xf32, #tpu.memory_space<vmem>>[vector<16xi32>, vector<16xi32>], vector<16xf32>,
      tpu.vector_store_idx %arg10[%shift_right_arithmetic3A_376, %and3A_379, %add3A_406], %gather3A_407 : memref<4x8x128xf32, #tpu.memory_space<vmem>>[vector<16xi32>, vector<16xi32>, vector<16xi32>], vector<16xf32>,
      %add3A_408 = arith.constant 112 : i32
      %add3A_409 = vector.broadcast %add3A_408 : i32 to vector<16xi32>
      %add3A_410 = arith.addi %iota3A, %add3A_409 : vector<16xi32>
      %gather3A_411 = tpu.vector_load_idx %arg8[%add3A_410, %add3A_374] : memref<128x32xf32, #tpu.memory_space<vmem>>[vector<16xi32>, vector<16xi32>], vector<16xf32>,
      tpu.vector_store_idx %arg10[%shift_right_arithmetic3A_376, %and3A_379, %add3A_410], %gather3A_411 : memref<4x8x128xf32, #tpu.memory_space<vmem>>[vector<16xi32>, vector<16xi32>, vector<16xi32>], vector<16xf32>,
      %add3A_412 = arith.constant 16 : i32
      %add3A_413 = vector.broadcast %add3A_412 : i32 to vector<16xi32>
      %add3A_414 = arith.addi %and3A_371, %add3A_413 : vector<16xi32>
      %shift_right_arithmetic3A_415 = arith.constant 3 : i32
      %shift_right_arithmetic3A_416 = vector.broadcast %shift_right_arithmetic3A_415 : i32 to vector<16xi32>
      %shift_right_arithmetic3A_417 = arith.shrsi %add3A_414, %shift_right_arithmetic3A_416 : vector<16xi32>
      %and3A_418 = arith.constant 7 : i32
      %and3A_419 = vector.broadcast %and3A_418 : i32 to vector<16xi32>
      %and3A_420 = arith.andi %add3A_414, %and3A_419 : vector<16xi32>
      %add3A_421 = arith.constant 0 : i32
      %add3A_422 = vector.broadcast %add3A_421 : i32 to vector<16xi32>
      %add3A_423 = arith.addi %iota3A, %add3A_422 : vector<16xi32>
      %gather3A_424 = tpu.vector_load_idx %arg8[%add3A_423, %add3A_414] : memref<128x32xf32, #tpu.memory_space<vmem>>[vector<16xi32>, vector<16xi32>], vector<16xf32>,
      tpu.vector_store_idx %arg10[%shift_right_arithmetic3A_417, %and3A_420, %add3A_423], %gather3A_424 : memref<4x8x128xf32, #tpu.memory_space<vmem>>[vector<16xi32>, vector<16xi32>, vector<16xi32>], vector<16xf32>,
      %add3A_425 = arith.constant 16 : i32
      %add3A_426 = vector.broadcast %add3A_425 : i32 to vector<16xi32>
      %add3A_427 = arith.addi %iota3A, %add3A_426 : vector<16xi32>
      %gather3A_428 = tpu.vector_load_idx %arg8[%add3A_427, %add3A_414] : memref<128x32xf32, #tpu.memory_space<vmem>>[vector<16xi32>, vector<16xi32>], vector<16xf32>,
      tpu.vector_store_idx %arg10[%shift_right_arithmetic3A_417, %and3A_420, %add3A_427], %gather3A_428 : memref<4x8x128xf32, #tpu.memory_space<vmem>>[vector<16xi32>, vector<16xi32>, vector<16xi32>], vector<16xf32>,
      %add3A_429 = arith.constant 32 : i32
      %add3A_430 = vector.broadcast %add3A_429 : i32 to vector<16xi32>
      %add3A_431 = arith.addi %iota3A, %add3A_430 : vector<16xi32>
      %gather3A_432 = tpu.vector_load_idx %arg8[%add3A_431, %add3A_414] : memref<128x32xf32, #tpu.memory_space<vmem>>[vector<16xi32>, vector<16xi32>], vector<16xf32>,
      tpu.vector_store_idx %arg10[%shift_right_arithmetic3A_417, %and3A_420, %add3A_431], %gather3A_432 : memref<4x8x128xf32, #tpu.memory_space<vmem>>[vector<16xi32>, vector<16xi32>, vector<16xi32>], vector<16xf32>,
      %add3A_433 = arith.constant 48 : i32
      %add3A_434 = vector.broadcast %add3A_433 : i32 to vector<16xi32>
      %add3A_435 = arith.addi %iota3A, %add3A_434 : vector<16xi32>
      %gather3A_436 = tpu.vector_load_idx %arg8[%add3A_435, %add3A_414] : memref<128x32xf32, #tpu.memory_space<vmem>>[vector<16xi32>, vector<16xi32>], vector<16xf32>,
      tpu.vector_store_idx %arg10[%shift_right_arithmetic3A_417, %and3A_420, %add3A_435], %gather3A_436 : memref<4x8x128xf32, #tpu.memory_space<vmem>>[vector<16xi32>, vector<16xi32>, vector<16xi32>], vector<16xf32>,
      %add3A_437 = arith.constant 64 : i32
      %add3A_438 = vector.broadcast %add3A_437 : i32 to vector<16xi32>
      %add3A_439 = arith.addi %iota3A, %add3A_438 : vector<16xi32>
      %gather3A_440 = tpu.vector_load_idx %arg8[%add3A_439, %add3A_414] : memref<128x32xf32, #tpu.memory_space<vmem>>[vector<16xi32>, vector<16xi32>], vector<16xf32>,
      tpu.vector_store_idx %arg10[%shift_right_arithmetic3A_417, %and3A_420, %add3A_439], %gather3A_440 : memref<4x8x128xf32, #tpu.memory_space<vmem>>[vector<16xi32>, vector<16xi32>, vector<16xi32>], vector<16xf32>,
      %add3A_441 = arith.constant 80 : i32
      %add3A_442 = vector.broadcast %add3A_441 : i32 to vector<16xi32>
      %add3A_443 = arith.addi %iota3A, %add3A_442 : vector<16xi32>
      %gather3A_444 = tpu.vector_load_idx %arg8[%add3A_443, %add3A_414] : memref<128x32xf32, #tpu.memory_space<vmem>>[vector<16xi32>, vector<16xi32>], vector<16xf32>,
      tpu.vector_store_idx %arg10[%shift_right_arithmetic3A_417, %and3A_420, %add3A_443], %gather3A_444 : memref<4x8x128xf32, #tpu.memory_space<vmem>>[vector<16xi32>, vector<16xi32>, vector<16xi32>], vector<16xf32>,
      %add3A_445 = arith.constant 96 : i32
      %add3A_446 = vector.broadcast %add3A_445 : i32 to vector<16xi32>
      %add3A_447 = arith.addi %iota3A, %add3A_446 : vector<16xi32>
      %gather3A_448 = tpu.vector_load_idx %arg8[%add3A_447, %add3A_414] : memref<128x32xf32, #tpu.memory_space<vmem>>[vector<16xi32>, vector<16xi32>], vector<16xf32>,
      tpu.vector_store_idx %arg10[%shift_right_arithmetic3A_417, %and3A_420, %add3A_447], %gather3A_448 : memref<4x8x128xf32, #tpu.memory_space<vmem>>[vector<16xi32>, vector<16xi32>, vector<16xi32>], vector<16xf32>,
      %add3A_449 = arith.constant 112 : i32
      %add3A_450 = vector.broadcast %add3A_449 : i32 to vector<16xi32>
      %add3A_451 = arith.addi %iota3A, %add3A_450 : vector<16xi32>
      %gather3A_452 = tpu.vector_load_idx %arg8[%add3A_451, %add3A_414] : memref<128x32xf32, #tpu.memory_space<vmem>>[vector<16xi32>, vector<16xi32>], vector<16xf32>,
      tpu.vector_store_idx %arg10[%shift_right_arithmetic3A_417, %and3A_420, %add3A_451], %gather3A_452 : memref<4x8x128xf32, #tpu.memory_space<vmem>>[vector<16xi32>, vector<16xi32>, vector<16xi32>], vector<16xf32>,
    }
    %scan3A_111 = arith.constant 16 : i32
    %mul3A_112 = arith.constant 4 : i32
    %mul3A_113 = arith.muli %add3A, %mul3A_112 : i32
    %add3A_114 = arith.constant 0 : i32
    %add3A_115 = arith.addi %mul3A_113, %add3A_114 : i32
    %dma_start3A_116 = arith.constant 0 : i32
    %dma_start3A_117 = arith.constant 0 : i32
    %dma_start3A_118 = arith.constant 0 : i32
    %dma_start3A_119 = arith.constant 0 : i32
    %dma_start3A_120 = tpu.memref_slice %arg4[%dma_start3A_116, %dma_start3A_117, %add3A_115, %dma_start3A_118, %dma_start3A_119] : memref<26x4x128x8x128xf32, #tpu.memory_space<hbm>> -> memref<1x4x1x8x128xf32, #tpu.memory_space<hbm>>
    %dma_start3A_121 = tpu.memref_squeeze %dma_start3A_120 : memref<1x4x1x8x128xf32, #tpu.memory_space<hbm>> -> memref<4x8x128xf32, #tpu.memory_space<hbm>>
    %dma_start3A_122 = arith.constant 0 : i32
    %dma_start3A_123 = arith.constant 0 : i32
    %dma_start3A_124 = arith.constant 0 : i32
    %dma_start3A_125 = tpu.memref_slice %arg4[%dma_start3A_116, %dma_start3A_122, %add3A_115, %dma_start3A_123, %dma_start3A_124] : memref<26x4x128x8x128xf32, #tpu.memory_space<hbm>> -> memref<1x4x1x8x128xf32, #tpu.memory_space<hbm>>
    %dma_start3A_126 = tpu.memref_squeeze %dma_start3A_125 : memref<1x4x1x8x128xf32, #tpu.memory_space<hbm>> -> memref<4x8x128xf32, #tpu.memory_space<hbm>>
    tpu.enqueue_dma source(%arg10 : memref<4x8x128xf32, #tpu.memory_space<vmem>>) target(%dma_start3A_126 : memref<4x8x128xf32, #tpu.memory_space<hbm>>) target_semaphore(%arg14 : memref<!tpu.dma_semaphore, #tpu.memory_space<semaphore_mem>>)
    %add3A_127 = arith.constant 6656 : i32
    %add3A_128 = vector.broadcast %add3A_127 : i32 to vector<16xi32>
    %add3A_129 = arith.addi %mul3A_3, %add3A_128 : vector<16xi32>
    %gather3A_130 = tpu.vector_load_idx %arg5[%add3A_129] : memref<13312xi32, #tpu.memory_space<vmem>>[vector<16xi32>], vector<16xi32>,
    %swap3A_131 = arith.constant 0 : index
    %swap3A_132 = tpu.vector_load %arg6[%swap3A_131] {strides = array<i32>} : memref<128xi32, #tpu.memory_space<vmem>>, vector<16xi32>,
    tpu.vector_store %arg6[%swap3A_131], %gather3A_130 {strides = array<i32>} : memref<128xi32, #tpu.memory_space<vmem>>, vector<16xi32>,
    %add3A_133 = arith.constant 7072 : i32
    %add3A_134 = vector.broadcast %add3A_133 : i32 to vector<16xi32>
    %add3A_135 = arith.addi %mul3A_3, %add3A_134 : vector<16xi32>
    %gather3A_136 = tpu.vector_load_idx %arg5[%add3A_135] : memref<13312xi32, #tpu.memory_space<vmem>>[vector<16xi32>], vector<16xi32>,
    %swap3A_137 = arith.constant 16 : index
    %swap3A_138 = tpu.vector_load %arg6[%swap3A_137] {strides = array<i32>} : memref<128xi32, #tpu.memory_space<vmem>>, vector<16xi32>,
    tpu.vector_store %arg6[%swap3A_137], %gather3A_136 {strides = array<i32>} : memref<128xi32, #tpu.memory_space<vmem>>, vector<16xi32>,
    %add3A_139 = arith.constant 7488 : i32
    %add3A_140 = vector.broadcast %add3A_139 : i32 to vector<16xi32>
    %add3A_141 = arith.addi %mul3A_3, %add3A_140 : vector<16xi32>
    %gather3A_142 = tpu.vector_load_idx %arg5[%add3A_141] : memref<13312xi32, #tpu.memory_space<vmem>>[vector<16xi32>], vector<16xi32>,
    %swap3A_143 = arith.constant 32 : index
    %swap3A_144 = tpu.vector_load %arg6[%swap3A_143] {strides = array<i32>} : memref<128xi32, #tpu.memory_space<vmem>>, vector<16xi32>,
    tpu.vector_store %arg6[%swap3A_143], %gather3A_142 {strides = array<i32>} : memref<128xi32, #tpu.memory_space<vmem>>, vector<16xi32>,
    %add3A_145 = arith.constant 7904 : i32
    %add3A_146 = vector.broadcast %add3A_145 : i32 to vector<16xi32>
    %add3A_147 = arith.addi %mul3A_3, %add3A_146 : vector<16xi32>
    %gather3A_148 = tpu.vector_load_idx %arg5[%add3A_147] : memref<13312xi32, #tpu.memory_space<vmem>>[vector<16xi32>], vector<16xi32>,
    %swap3A_149 = arith.constant 48 : index
    %swap3A_150 = tpu.vector_load %arg6[%swap3A_149] {strides = array<i32>} : memref<128xi32, #tpu.memory_space<vmem>>, vector<16xi32>,
    tpu.vector_store %arg6[%swap3A_149], %gather3A_148 {strides = array<i32>} : memref<128xi32, #tpu.memory_space<vmem>>, vector<16xi32>,
    %add3A_151 = arith.constant 8320 : i32
    %add3A_152 = vector.broadcast %add3A_151 : i32 to vector<16xi32>
    %add3A_153 = arith.addi %mul3A_3, %add3A_152 : vector<16xi32>
    %gather3A_154 = tpu.vector_load_idx %arg5[%add3A_153] : memref<13312xi32, #tpu.memory_space<vmem>>[vector<16xi32>], vector<16xi32>,
    %swap3A_155 = arith.constant 64 : index
    %swap3A_156 = tpu.vector_load %arg6[%swap3A_155] {strides = array<i32>} : memref<128xi32, #tpu.memory_space<vmem>>, vector<16xi32>,
    tpu.vector_store %arg6[%swap3A_155], %gather3A_154 {strides = array<i32>} : memref<128xi32, #tpu.memory_space<vmem>>, vector<16xi32>,
    %add3A_157 = arith.constant 8736 : i32
    %add3A_158 = vector.broadcast %add3A_157 : i32 to vector<16xi32>
    %add3A_159 = arith.addi %mul3A_3, %add3A_158 : vector<16xi32>
    %gather3A_160 = tpu.vector_load_idx %arg5[%add3A_159] : memref<13312xi32, #tpu.memory_space<vmem>>[vector<16xi32>], vector<16xi32>,
    %swap3A_161 = arith.constant 80 : index
    %swap3A_162 = tpu.vector_load %arg6[%swap3A_161] {strides = array<i32>} : memref<128xi32, #tpu.memory_space<vmem>>, vector<16xi32>,
    tpu.vector_store %arg6[%swap3A_161], %gather3A_160 {strides = array<i32>} : memref<128xi32, #tpu.memory_space<vmem>>, vector<16xi32>,
    %add3A_163 = arith.constant 9152 : i32
    %add3A_164 = vector.broadcast %add3A_163 : i32 to vector<16xi32>
    %add3A_165 = arith.addi %mul3A_3, %add3A_164 : vector<16xi32>
    %gather3A_166 = tpu.vector_load_idx %arg5[%add3A_165] : memref<13312xi32, #tpu.memory_space<vmem>>[vector<16xi32>], vector<16xi32>,
    %swap3A_167 = arith.constant 96 : index
    %swap3A_168 = tpu.vector_load %arg6[%swap3A_167] {strides = array<i32>} : memref<128xi32, #tpu.memory_space<vmem>>, vector<16xi32>,
    tpu.vector_store %arg6[%swap3A_167], %gather3A_166 {strides = array<i32>} : memref<128xi32, #tpu.memory_space<vmem>>, vector<16xi32>,
    %add3A_169 = arith.constant 9568 : i32
    %add3A_170 = vector.broadcast %add3A_169 : i32 to vector<16xi32>
    %add3A_171 = arith.addi %mul3A_3, %add3A_170 : vector<16xi32>
    %gather3A_172 = tpu.vector_load_idx %arg5[%add3A_171] : memref<13312xi32, #tpu.memory_space<vmem>>[vector<16xi32>], vector<16xi32>,
    %swap3A_173 = arith.constant 112 : index
    %swap3A_174 = tpu.vector_load %arg6[%swap3A_173] {strides = array<i32>} : memref<128xi32, #tpu.memory_space<vmem>>, vector<16xi32>,
    tpu.vector_store %arg6[%swap3A_173], %gather3A_172 {strides = array<i32>} : memref<128xi32, #tpu.memory_space<vmem>>, vector<16xi32>,
    %dma_start3A_175 = arith.constant 0 : i32
    %dma_start3A_176 = arith.constant 0 : i32
    %dma_start3A_177 = tpu.memref_slice %arg3[%dma_start3A_175, %dma_start3A_176] : memref<1000000x32xf32, #tpu.memory_space<hbm>> -> memref<1000000x32xf32, #tpu.memory_space<hbm>>
    tpu.enqueue_indirect_dma source(%dma_start3A_177 : memref<1000000x32xf32, #tpu.memory_space<hbm>>) target(%arg8 : memref<128x32xf32, #tpu.memory_space<vmem>>) offsets(%arg6 : memref<128xi32, #tpu.memory_space<vmem>>) semaphore(%arg12 : memref<!tpu.dma_semaphore, #tpu.memory_space<semaphore_mem>>)
    %dma_wait3A_178 = arith.constant 0 : i32
    %dma_wait3A_179 = arith.constant 0 : i32
    %dma_wait3A_180 = tpu.memref_slice %arg3[%dma_wait3A_178, %dma_wait3A_179] : memref<1000000x32xf32, #tpu.memory_space<hbm>> -> memref<1000000x32xf32, #tpu.memory_space<hbm>>
    tpu.wait_indirect_dma semaphore(%arg13 : memref<!tpu.dma_semaphore, #tpu.memory_space<semaphore_mem>>) src(%dma_wait3A_180 : memref<1000000x32xf32, #tpu.memory_space<hbm>>) dst(%arg9 : memref<128x32xf32, #tpu.memory_space<vmem>>)
    %scan3A_181 = arith.constant 0 : i32
    %scan3A_182 = arith.constant 0 : i32
    %scan3A_183 = arith.constant 16 : i32
    %scan3A_184 = arith.addi %scan3A_182, %scan3A_183 : i32
    %scan3A_185 = arith.constant 1 : i32
    scf.for %scan3A_367 = %scan3A_182 to %scan3A_184 step %scan3A_185  : i32 {
      %add3A_368 = vector.broadcast %scan3A_367 : i32 to vector<16xi32>
      %add3A_369 = arith.addi %iota3A, %add3A_368 : vector<16xi32>
      %and3A = arith.constant 15 : i32
      %and3A_370 = vector.broadcast %and3A : i32 to vector<16xi32>
      %and3A_371 = arith.andi %add3A_369, %and3A_370 : vector<16xi32>
      %add3A_372 = arith.constant 0 : i32
      %add3A_373 = vector.broadcast %add3A_372 : i32 to vector<16xi32>
      %add3A_374 = arith.addi %and3A_371, %add3A_373 : vector<16xi32>
      %shift_right_arithmetic3A = arith.constant 3 : i32
      %shift_right_arithmetic3A_375 = vector.broadcast %shift_right_arithmetic3A : i32 to vector<16xi32>
      %shift_right_arithmetic3A_376 = arith.shrsi %add3A_374, %shift_right_arithmetic3A_375 : vector<16xi32>
      %and3A_377 = arith.constant 7 : i32
      %and3A_378 = vector.broadcast %and3A_377 : i32 to vector<16xi32>
      %and3A_379 = arith.andi %add3A_374, %and3A_378 : vector<16xi32>
      %add3A_380 = arith.constant 0 : i32
      %add3A_381 = vector.broadcast %add3A_380 : i32 to vector<16xi32>
      %add3A_382 = arith.addi %iota3A, %add3A_381 : vector<16xi32>
      %gather3A_383 = tpu.vector_load_idx %arg9[%add3A_382, %add3A_374] : memref<128x32xf32, #tpu.memory_space<vmem>>[vector<16xi32>, vector<16xi32>], vector<16xf32>,
      tpu.vector_store_idx %arg11[%shift_right_arithmetic3A_376, %and3A_379, %add3A_382], %gather3A_383 : memref<4x8x128xf32, #tpu.memory_space<vmem>>[vector<16xi32>, vector<16xi32>, vector<16xi32>], vector<16xf32>,
      %add3A_384 = arith.constant 16 : i32
      %add3A_385 = vector.broadcast %add3A_384 : i32 to vector<16xi32>
      %add3A_386 = arith.addi %iota3A, %add3A_385 : vector<16xi32>
      %gather3A_387 = tpu.vector_load_idx %arg9[%add3A_386, %add3A_374] : memref<128x32xf32, #tpu.memory_space<vmem>>[vector<16xi32>, vector<16xi32>], vector<16xf32>,
      tpu.vector_store_idx %arg11[%shift_right_arithmetic3A_376, %and3A_379, %add3A_386], %gather3A_387 : memref<4x8x128xf32, #tpu.memory_space<vmem>>[vector<16xi32>, vector<16xi32>, vector<16xi32>], vector<16xf32>,
      %add3A_388 = arith.constant 32 : i32
      %add3A_389 = vector.broadcast %add3A_388 : i32 to vector<16xi32>
      %add3A_390 = arith.addi %iota3A, %add3A_389 : vector<16xi32>
      %gather3A_391 = tpu.vector_load_idx %arg9[%add3A_390, %add3A_374] : memref<128x32xf32, #tpu.memory_space<vmem>>[vector<16xi32>, vector<16xi32>], vector<16xf32>,
      tpu.vector_store_idx %arg11[%shift_right_arithmetic3A_376, %and3A_379, %add3A_390], %gather3A_391 : memref<4x8x128xf32, #tpu.memory_space<vmem>>[vector<16xi32>, vector<16xi32>, vector<16xi32>], vector<16xf32>,
      %add3A_392 = arith.constant 48 : i32
      %add3A_393 = vector.broadcast %add3A_392 : i32 to vector<16xi32>
      %add3A_394 = arith.addi %iota3A, %add3A_393 : vector<16xi32>
      %gather3A_395 = tpu.vector_load_idx %arg9[%add3A_394, %add3A_374] : memref<128x32xf32, #tpu.memory_space<vmem>>[vector<16xi32>, vector<16xi32>], vector<16xf32>,
      tpu.vector_store_idx %arg11[%shift_right_arithmetic3A_376, %and3A_379, %add3A_394], %gather3A_395 : memref<4x8x128xf32, #tpu.memory_space<vmem>>[vector<16xi32>, vector<16xi32>, vector<16xi32>], vector<16xf32>,
      %add3A_396 = arith.constant 64 : i32
      %add3A_397 = vector.broadcast %add3A_396 : i32 to vector<16xi32>
      %add3A_398 = arith.addi %iota3A, %add3A_397 : vector<16xi32>
      %gather3A_399 = tpu.vector_load_idx %arg9[%add3A_398, %add3A_374] : memref<128x32xf32, #tpu.memory_space<vmem>>[vector<16xi32>, vector<16xi32>], vector<16xf32>,
      tpu.vector_store_idx %arg11[%shift_right_arithmetic3A_376, %and3A_379, %add3A_398], %gather3A_399 : memref<4x8x128xf32, #tpu.memory_space<vmem>>[vector<16xi32>, vector<16xi32>, vector<16xi32>], vector<16xf32>,
      %add3A_400 = arith.constant 80 : i32
      %add3A_401 = vector.broadcast %add3A_400 : i32 to vector<16xi32>
      %add3A_402 = arith.addi %iota3A, %add3A_401 : vector<16xi32>
      %gather3A_403 = tpu.vector_load_idx %arg9[%add3A_402, %add3A_374] : memref<128x32xf32, #tpu.memory_space<vmem>>[vector<16xi32>, vector<16xi32>], vector<16xf32>,
      tpu.vector_store_idx %arg11[%shift_right_arithmetic3A_376, %and3A_379, %add3A_402], %gather3A_403 : memref<4x8x128xf32, #tpu.memory_space<vmem>>[vector<16xi32>, vector<16xi32>, vector<16xi32>], vector<16xf32>,
      %add3A_404 = arith.constant 96 : i32
      %add3A_405 = vector.broadcast %add3A_404 : i32 to vector<16xi32>
      %add3A_406 = arith.addi %iota3A, %add3A_405 : vector<16xi32>
      %gather3A_407 = tpu.vector_load_idx %arg9[%add3A_406, %add3A_374] : memref<128x32xf32, #tpu.memory_space<vmem>>[vector<16xi32>, vector<16xi32>], vector<16xf32>,
      tpu.vector_store_idx %arg11[%shift_right_arithmetic3A_376, %and3A_379, %add3A_406], %gather3A_407 : memref<4x8x128xf32, #tpu.memory_space<vmem>>[vector<16xi32>, vector<16xi32>, vector<16xi32>], vector<16xf32>,
      %add3A_408 = arith.constant 112 : i32
      %add3A_409 = vector.broadcast %add3A_408 : i32 to vector<16xi32>
      %add3A_410 = arith.addi %iota3A, %add3A_409 : vector<16xi32>
      %gather3A_411 = tpu.vector_load_idx %arg9[%add3A_410, %add3A_374] : memref<128x32xf32, #tpu.memory_space<vmem>>[vector<16xi32>, vector<16xi32>], vector<16xf32>,
      tpu.vector_store_idx %arg11[%shift_right_arithmetic3A_376, %and3A_379, %add3A_410], %gather3A_411 : memref<4x8x128xf32, #tpu.memory_space<vmem>>[vector<16xi32>, vector<16xi32>, vector<16xi32>], vector<16xf32>,
      %add3A_412 = arith.constant 16 : i32
      %add3A_413 = vector.broadcast %add3A_412 : i32 to vector<16xi32>
      %add3A_414 = arith.addi %and3A_371, %add3A_413 : vector<16xi32>
      %shift_right_arithmetic3A_415 = arith.constant 3 : i32
      %shift_right_arithmetic3A_416 = vector.broadcast %shift_right_arithmetic3A_415 : i32 to vector<16xi32>
      %shift_right_arithmetic3A_417 = arith.shrsi %add3A_414, %shift_right_arithmetic3A_416 : vector<16xi32>
      %and3A_418 = arith.constant 7 : i32
      %and3A_419 = vector.broadcast %and3A_418 : i32 to vector<16xi32>
      %and3A_420 = arith.andi %add3A_414, %and3A_419 : vector<16xi32>
      %add3A_421 = arith.constant 0 : i32
      %add3A_422 = vector.broadcast %add3A_421 : i32 to vector<16xi32>
      %add3A_423 = arith.addi %iota3A, %add3A_422 : vector<16xi32>
      %gather3A_424 = tpu.vector_load_idx %arg9[%add3A_423, %add3A_414] : memref<128x32xf32, #tpu.memory_space<vmem>>[vector<16xi32>, vector<16xi32>], vector<16xf32>,
      tpu.vector_store_idx %arg11[%shift_right_arithmetic3A_417, %and3A_420, %add3A_423], %gather3A_424 : memref<4x8x128xf32, #tpu.memory_space<vmem>>[vector<16xi32>, vector<16xi32>, vector<16xi32>], vector<16xf32>,
      %add3A_425 = arith.constant 16 : i32
      %add3A_426 = vector.broadcast %add3A_425 : i32 to vector<16xi32>
      %add3A_427 = arith.addi %iota3A, %add3A_426 : vector<16xi32>
      %gather3A_428 = tpu.vector_load_idx %arg9[%add3A_427, %add3A_414] : memref<128x32xf32, #tpu.memory_space<vmem>>[vector<16xi32>, vector<16xi32>], vector<16xf32>,
      tpu.vector_store_idx %arg11[%shift_right_arithmetic3A_417, %and3A_420, %add3A_427], %gather3A_428 : memref<4x8x128xf32, #tpu.memory_space<vmem>>[vector<16xi32>, vector<16xi32>, vector<16xi32>], vector<16xf32>,
      %add3A_429 = arith.constant 32 : i32
      %add3A_430 = vector.broadcast %add3A_429 : i32 to vector<16xi32>
      %add3A_431 = arith.addi %iota3A, %add3A_430 : vector<16xi32>
      %gather3A_432 = tpu.vector_load_idx %arg9[%add3A_431, %add3A_414] : memref<128x32xf32, #tpu.memory_space<vmem>>[vector<16xi32>, vector<16xi32>], vector<16xf32>,
      tpu.vector_store_idx %arg11[%shift_right_arithmetic3A_417, %and3A_420, %add3A_431], %gather3A_432 : memref<4x8x128xf32, #tpu.memory_space<vmem>>[vector<16xi32>, vector<16xi32>, vector<16xi32>], vector<16xf32>,
      %add3A_433 = arith.constant 48 : i32
      %add3A_434 = vector.broadcast %add3A_433 : i32 to vector<16xi32>
      %add3A_435 = arith.addi %iota3A, %add3A_434 : vector<16xi32>
      %gather3A_436 = tpu.vector_load_idx %arg9[%add3A_435, %add3A_414] : memref<128x32xf32, #tpu.memory_space<vmem>>[vector<16xi32>, vector<16xi32>], vector<16xf32>,
      tpu.vector_store_idx %arg11[%shift_right_arithmetic3A_417, %and3A_420, %add3A_435], %gather3A_436 : memref<4x8x128xf32, #tpu.memory_space<vmem>>[vector<16xi32>, vector<16xi32>, vector<16xi32>], vector<16xf32>,
      %add3A_437 = arith.constant 64 : i32
      %add3A_438 = vector.broadcast %add3A_437 : i32 to vector<16xi32>
      %add3A_439 = arith.addi %iota3A, %add3A_438 : vector<16xi32>
      %gather3A_440 = tpu.vector_load_idx %arg9[%add3A_439, %add3A_414] : memref<128x32xf32, #tpu.memory_space<vmem>>[vector<16xi32>, vector<16xi32>], vector<16xf32>,
      tpu.vector_store_idx %arg11[%shift_right_arithmetic3A_417, %and3A_420, %add3A_439], %gather3A_440 : memref<4x8x128xf32, #tpu.memory_space<vmem>>[vector<16xi32>, vector<16xi32>, vector<16xi32>], vector<16xf32>,
      %add3A_441 = arith.constant 80 : i32
      %add3A_442 = vector.broadcast %add3A_441 : i32 to vector<16xi32>
      %add3A_443 = arith.addi %iota3A, %add3A_442 : vector<16xi32>
      %gather3A_444 = tpu.vector_load_idx %arg9[%add3A_443, %add3A_414] : memref<128x32xf32, #tpu.memory_space<vmem>>[vector<16xi32>, vector<16xi32>], vector<16xf32>,
      tpu.vector_store_idx %arg11[%shift_right_arithmetic3A_417, %and3A_420, %add3A_443], %gather3A_444 : memref<4x8x128xf32, #tpu.memory_space<vmem>>[vector<16xi32>, vector<16xi32>, vector<16xi32>], vector<16xf32>,
      %add3A_445 = arith.constant 96 : i32
      %add3A_446 = vector.broadcast %add3A_445 : i32 to vector<16xi32>
      %add3A_447 = arith.addi %iota3A, %add3A_446 : vector<16xi32>
      %gather3A_448 = tpu.vector_load_idx %arg9[%add3A_447, %add3A_414] : memref<128x32xf32, #tpu.memory_space<vmem>>[vector<16xi32>, vector<16xi32>], vector<16xf32>,
      tpu.vector_store_idx %arg11[%shift_right_arithmetic3A_417, %and3A_420, %add3A_447], %gather3A_448 : memref<4x8x128xf32, #tpu.memory_space<vmem>>[vector<16xi32>, vector<16xi32>, vector<16xi32>], vector<16xf32>,
      %add3A_449 = arith.constant 112 : i32
      %add3A_450 = vector.broadcast %add3A_449 : i32 to vector<16xi32>
      %add3A_451 = arith.addi %iota3A, %add3A_450 : vector<16xi32>
      %gather3A_452 = tpu.vector_load_idx %arg9[%add3A_451, %add3A_414] : memref<128x32xf32, #tpu.memory_space<vmem>>[vector<16xi32>, vector<16xi32>], vector<16xf32>,
      tpu.vector_store_idx %arg11[%shift_right_arithmetic3A_417, %and3A_420, %add3A_451], %gather3A_452 : memref<4x8x128xf32, #tpu.memory_space<vmem>>[vector<16xi32>, vector<16xi32>, vector<16xi32>], vector<16xf32>,
    }
    %scan3A_186 = arith.constant 16 : i32
    %mul3A_187 = arith.constant 4 : i32
    %mul3A_188 = arith.muli %add3A, %mul3A_187 : i32
    %add3A_189 = arith.constant 1 : i32
    %add3A_190 = arith.addi %mul3A_188, %add3A_189 : i32
    %dma_start3A_191 = arith.constant 0 : i32
    %dma_start3A_192 = arith.constant 0 : i32
    %dma_start3A_193 = arith.constant 0 : i32
    %dma_start3A_194 = arith.constant 0 : i32
    %dma_start3A_195 = tpu.memref_slice %arg4[%dma_start3A_191, %dma_start3A_192, %add3A_190, %dma_start3A_193, %dma_start3A_194] : memref<26x4x128x8x128xf32, #tpu.memory_space<hbm>> -> memref<1x4x1x8x128xf32, #tpu.memory_space<hbm>>
    %dma_start3A_196 = tpu.memref_squeeze %dma_start3A_195 : memref<1x4x1x8x128xf32, #tpu.memory_space<hbm>> -> memref<4x8x128xf32, #tpu.memory_space<hbm>>
    %dma_start3A_197 = arith.constant 0 : i32
    %dma_start3A_198 = arith.constant 0 : i32
    %dma_start3A_199 = arith.constant 0 : i32
    %dma_start3A_200 = tpu.memref_slice %arg4[%dma_start3A_191, %dma_start3A_197, %add3A_190, %dma_start3A_198, %dma_start3A_199] : memref<26x4x128x8x128xf32, #tpu.memory_space<hbm>> -> memref<1x4x1x8x128xf32, #tpu.memory_space<hbm>>
    %dma_start3A_201 = tpu.memref_squeeze %dma_start3A_200 : memref<1x4x1x8x128xf32, #tpu.memory_space<hbm>> -> memref<4x8x128xf32, #tpu.memory_space<hbm>>
    tpu.enqueue_dma source(%arg11 : memref<4x8x128xf32, #tpu.memory_space<vmem>>) target(%dma_start3A_201 : memref<4x8x128xf32, #tpu.memory_space<hbm>>) target_semaphore(%arg15 : memref<!tpu.dma_semaphore, #tpu.memory_space<semaphore_mem>>)
    %add3A_202 = arith.constant 9984 : i32
    %add3A_203 = vector.broadcast %add3A_202 : i32 to vector<16xi32>
    %add3A_204 = arith.addi %mul3A_3, %add3A_203 : vector<16xi32>
    %gather3A_205 = tpu.vector_load_idx %arg5[%add3A_204] : memref<13312xi32, #tpu.memory_space<vmem>>[vector<16xi32>], vector<16xi32>,
    %swap3A_206 = arith.constant 0 : index
    %swap3A_207 = tpu.vector_load %arg7[%swap3A_206] {strides = array<i32>} : memref<128xi32, #tpu.memory_space<vmem>>, vector<16xi32>,
    tpu.vector_store %arg7[%swap3A_206], %gather3A_205 {strides = array<i32>} : memref<128xi32, #tpu.memory_space<vmem>>, vector<16xi32>,
    %add3A_208 = arith.constant 10400 : i32
    %add3A_209 = vector.broadcast %add3A_208 : i32 to vector<16xi32>
    %add3A_210 = arith.addi %mul3A_3, %add3A_209 : vector<16xi32>
    %gather3A_211 = tpu.vector_load_idx %arg5[%add3A_210] : memref<13312xi32, #tpu.memory_space<vmem>>[vector<16xi32>], vector<16xi32>,
    %swap3A_212 = arith.constant 16 : index
    %swap3A_213 = tpu.vector_load %arg7[%swap3A_212] {strides = array<i32>} : memref<128xi32, #tpu.memory_space<vmem>>, vector<16xi32>,
    tpu.vector_store %arg7[%swap3A_212], %gather3A_211 {strides = array<i32>} : memref<128xi32, #tpu.memory_space<vmem>>, vector<16xi32>,
    %add3A_214 = arith.constant 10816 : i32
    %add3A_215 = vector.broadcast %add3A_214 : i32 to vector<16xi32>
    %add3A_216 = arith.addi %mul3A_3, %add3A_215 : vector<16xi32>
    %gather3A_217 = tpu.vector_load_idx %arg5[%add3A_216] : memref<13312xi32, #tpu.memory_space<vmem>>[vector<16xi32>], vector<16xi32>,
    %swap3A_218 = arith.constant 32 : index
    %swap3A_219 = tpu.vector_load %arg7[%swap3A_218] {strides = array<i32>} : memref<128xi32, #tpu.memory_space<vmem>>, vector<16xi32>,
    tpu.vector_store %arg7[%swap3A_218], %gather3A_217 {strides = array<i32>} : memref<128xi32, #tpu.memory_space<vmem>>, vector<16xi32>,
    %add3A_220 = arith.constant 11232 : i32
    %add3A_221 = vector.broadcast %add3A_220 : i32 to vector<16xi32>
    %add3A_222 = arith.addi %mul3A_3, %add3A_221 : vector<16xi32>
    %gather3A_223 = tpu.vector_load_idx %arg5[%add3A_222] : memref<13312xi32, #tpu.memory_space<vmem>>[vector<16xi32>], vector<16xi32>,
    %swap3A_224 = arith.constant 48 : index
    %swap3A_225 = tpu.vector_load %arg7[%swap3A_224] {strides = array<i32>} : memref<128xi32, #tpu.memory_space<vmem>>, vector<16xi32>,
    tpu.vector_store %arg7[%swap3A_224], %gather3A_223 {strides = array<i32>} : memref<128xi32, #tpu.memory_space<vmem>>, vector<16xi32>,
    %add3A_226 = arith.constant 11648 : i32
    %add3A_227 = vector.broadcast %add3A_226 : i32 to vector<16xi32>
    %add3A_228 = arith.addi %mul3A_3, %add3A_227 : vector<16xi32>
    %gather3A_229 = tpu.vector_load_idx %arg5[%add3A_228] : memref<13312xi32, #tpu.memory_space<vmem>>[vector<16xi32>], vector<16xi32>,
    %swap3A_230 = arith.constant 64 : index
    %swap3A_231 = tpu.vector_load %arg7[%swap3A_230] {strides = array<i32>} : memref<128xi32, #tpu.memory_space<vmem>>, vector<16xi32>,
    tpu.vector_store %arg7[%swap3A_230], %gather3A_229 {strides = array<i32>} : memref<128xi32, #tpu.memory_space<vmem>>, vector<16xi32>,
    %add3A_232 = arith.constant 12064 : i32
    %add3A_233 = vector.broadcast %add3A_232 : i32 to vector<16xi32>
    %add3A_234 = arith.addi %mul3A_3, %add3A_233 : vector<16xi32>
    %gather3A_235 = tpu.vector_load_idx %arg5[%add3A_234] : memref<13312xi32, #tpu.memory_space<vmem>>[vector<16xi32>], vector<16xi32>,
    %swap3A_236 = arith.constant 80 : index
    %swap3A_237 = tpu.vector_load %arg7[%swap3A_236] {strides = array<i32>} : memref<128xi32, #tpu.memory_space<vmem>>, vector<16xi32>,
    tpu.vector_store %arg7[%swap3A_236], %gather3A_235 {strides = array<i32>} : memref<128xi32, #tpu.memory_space<vmem>>, vector<16xi32>,
    %add3A_238 = arith.constant 12480 : i32
    %add3A_239 = vector.broadcast %add3A_238 : i32 to vector<16xi32>
    %add3A_240 = arith.addi %mul3A_3, %add3A_239 : vector<16xi32>
    %gather3A_241 = tpu.vector_load_idx %arg5[%add3A_240] : memref<13312xi32, #tpu.memory_space<vmem>>[vector<16xi32>], vector<16xi32>,
    %swap3A_242 = arith.constant 96 : index
    %swap3A_243 = tpu.vector_load %arg7[%swap3A_242] {strides = array<i32>} : memref<128xi32, #tpu.memory_space<vmem>>, vector<16xi32>,
    tpu.vector_store %arg7[%swap3A_242], %gather3A_241 {strides = array<i32>} : memref<128xi32, #tpu.memory_space<vmem>>, vector<16xi32>,
    %add3A_244 = arith.constant 12896 : i32
    %add3A_245 = vector.broadcast %add3A_244 : i32 to vector<16xi32>
    %add3A_246 = arith.addi %mul3A_3, %add3A_245 : vector<16xi32>
    %gather3A_247 = tpu.vector_load_idx %arg5[%add3A_246] : memref<13312xi32, #tpu.memory_space<vmem>>[vector<16xi32>], vector<16xi32>,
    %swap3A_248 = arith.constant 112 : index
    %swap3A_249 = tpu.vector_load %arg7[%swap3A_248] {strides = array<i32>} : memref<128xi32, #tpu.memory_space<vmem>>, vector<16xi32>,
    tpu.vector_store %arg7[%swap3A_248], %gather3A_247 {strides = array<i32>} : memref<128xi32, #tpu.memory_space<vmem>>, vector<16xi32>,
    %dma_start3A_250 = arith.constant 0 : i32
    %dma_start3A_251 = arith.constant 0 : i32
    %dma_start3A_252 = tpu.memref_slice %arg3[%dma_start3A_250, %dma_start3A_251] : memref<1000000x32xf32, #tpu.memory_space<hbm>> -> memref<1000000x32xf32, #tpu.memory_space<hbm>>
    tpu.enqueue_indirect_dma source(%dma_start3A_252 : memref<1000000x32xf32, #tpu.memory_space<hbm>>) target(%arg9 : memref<128x32xf32, #tpu.memory_space<vmem>>) offsets(%arg7 : memref<128xi32, #tpu.memory_space<vmem>>) semaphore(%arg13 : memref<!tpu.dma_semaphore, #tpu.memory_space<semaphore_mem>>)
    %scan3A_253 = arith.constant 0 : i32
    %scan3A_254 = arith.constant 1 : i32
    %scan3A_255 = arith.constant 50 : i32
    %scan3A_256 = arith.addi %scan3A_254, %scan3A_255 : i32
    %scan3A_257 = arith.constant 1 : i32
    scf.for %scan3A_367 = %scan3A_254 to %scan3A_256 step %scan3A_257  : i32 {
      %mul3A_368 = arith.constant 2 : i32
      %mul3A_369 = arith.muli %mul3A_368, %scan3A_367 : i32
      %add3A_370 = arith.constant 0 : i32
      %add3A_371 = arith.addi %mul3A_369, %add3A_370 : i32
      %dma_wait3A_372 = arith.constant 0 : i32
      %dma_wait3A_373 = arith.constant 0 : i32
      %dma_wait3A_374 = tpu.memref_slice %arg3[%dma_wait3A_372, %dma_wait3A_373] : memref<1000000x32xf32, #tpu.memory_space<hbm>> -> memref<1000000x32xf32, #tpu.memory_space<hbm>>
      tpu.wait_indirect_dma semaphore(%arg12 : memref<!tpu.dma_semaphore, #tpu.memory_space<semaphore_mem>>) src(%dma_wait3A_374 : memref<1000000x32xf32, #tpu.memory_space<hbm>>) dst(%arg8 : memref<128x32xf32, #tpu.memory_space<vmem>>)
      %jit3A = arith.constant 4 : i32
      %div3A = arith.divsi %add3A_371, %jit3A : i32
      %sign3A = arith.constant 0 : i32
      %sign3A_375 = arith.cmpi sgt, %add3A_371, %sign3A : i32
      %sign3A_376 = arith.extui %sign3A_375 : i1 to i32
      %sign3A_377 = arith.constant 0 : i32
      %sign3A_378 = arith.cmpi slt, %add3A_371, %sign3A_377 : i32
      %sign3A_379 = arith.extui %sign3A_378 : i1 to i32
      %sign3A_380 = arith.subi %sign3A_376, %sign3A_379 : i32
      %sign3A_381 = arith.constant 0 : i32
      %sign3A_382 = arith.cmpi sgt, %jit3A, %sign3A_381 : i32
      %sign3A_383 = arith.extui %sign3A_382 : i1 to i32
      %sign3A_384 = arith.constant 0 : i32
      %sign3A_385 = arith.cmpi slt, %jit3A, %sign3A_384 : i32
      %sign3A_386 = arith.extui %sign3A_385 : i1 to i32
      %sign3A_387 = arith.subi %sign3A_383, %sign3A_386 : i32
      %ne3A = arith.cmpi ne, %sign3A_380, %sign3A_387 : i32
      %rem3A = arith.remsi %add3A_371, %jit3A : i32
      %ne3A_388 = arith.constant 0 : i32
      %ne3A_389 = arith.cmpi ne, %rem3A, %ne3A_388 : i32
      %and3A = arith.andi %ne3A, %ne3A_389 : i1
      %sub3A = arith.constant 1 : i32
      %sub3A_390 = arith.subi %div3A, %sub3A : i32
      %select_n3A = arith.select %and3A, %sub3A_390, %div3A : i32
      %mul3A_391 = arith.constant 4 : i32
      %mul3A_392 = arith.muli %select_n3A, %mul3A_391 : i32
      %sub3A_393 = arith.subi %add3A_371, %mul3A_392 : i32
      %mul3A_394 = arith.constant 4 : i32
      %mul3A_395 = arith.muli %add3A, %mul3A_394 : i32
      %add3A_396 = arith.addi %mul3A_395, %sub3A_393 : i32
      %dma_wait3A_397 = arith.constant 0 : i32
      %dma_wait3A_398 = arith.constant 0 : i32
      %dma_wait3A_399 = arith.constant 0 : i32
      %dma_wait3A_400 = tpu.memref_slice %arg4[%select_n3A, %dma_wait3A_397, %add3A_396, %dma_wait3A_398, %dma_wait3A_399] : memref<26x4x128x8x128xf32, #tpu.memory_space<hbm>> -> memref<1x4x1x8x128xf32, #tpu.memory_space<hbm>>
      %dma_wait3A_401 = tpu.memref_squeeze %dma_wait3A_400 : memref<1x4x1x8x128xf32, #tpu.memory_space<hbm>> -> memref<4x8x128xf32, #tpu.memory_space<hbm>>
      %dma_wait3A_402 = arith.constant 0 : i32
      %dma_wait3A_403 = arith.constant 0 : i32
      %dma_wait3A_404 = arith.constant 0 : i32
      %dma_wait3A_405 = tpu.memref_slice %arg4[%select_n3A, %dma_wait3A_402, %add3A_396, %dma_wait3A_403, %dma_wait3A_404] : memref<26x4x128x8x128xf32, #tpu.memory_space<hbm>> -> memref<1x4x1x8x128xf32, #tpu.memory_space<hbm>>
      %dma_wait3A_406 = tpu.memref_squeeze %dma_wait3A_405 : memref<1x4x1x8x128xf32, #tpu.memory_space<hbm>> -> memref<4x8x128xf32, #tpu.memory_space<hbm>>
      tpu.wait_dma2 semaphore(%arg14 : memref<!tpu.dma_semaphore, #tpu.memory_space<semaphore_mem>>) src(%arg10 : memref<4x8x128xf32, #tpu.memory_space<vmem>>) dst(%dma_wait3A_406 : memref<4x8x128xf32, #tpu.memory_space<hbm>>)
      %scan3A_407 = arith.constant 0 : i32
      %scan3A_408 = arith.constant 0 : i32
      %scan3A_409 = arith.constant 16 : i32
      %scan3A_410 = arith.addi %scan3A_408, %scan3A_409 : i32
      %scan3A_411 = arith.constant 1 : i32
      scf.for %scan3A_728 = %scan3A_408 to %scan3A_410 step %scan3A_411  : i32 {
        %add3A_729 = vector.broadcast %scan3A_728 : i32 to vector<16xi32>
        %add3A_730 = arith.addi %iota3A, %add3A_729 : vector<16xi32>
        %and3A_731 = arith.constant 15 : i32
        %and3A_732 = vector.broadcast %and3A_731 : i32 to vector<16xi32>
        %and3A_733 = arith.andi %add3A_730, %and3A_732 : vector<16xi32>
        %add3A_734 = arith.constant 0 : i32
        %add3A_735 = vector.broadcast %add3A_734 : i32 to vector<16xi32>
        %add3A_736 = arith.addi %and3A_733, %add3A_735 : vector<16xi32>
        %shift_right_arithmetic3A = arith.constant 3 : i32
        %shift_right_arithmetic3A_737 = vector.broadcast %shift_right_arithmetic3A : i32 to vector<16xi32>
        %shift_right_arithmetic3A_738 = arith.shrsi %add3A_736, %shift_right_arithmetic3A_737 : vector<16xi32>
        %and3A_739 = arith.constant 7 : i32
        %and3A_740 = vector.broadcast %and3A_739 : i32 to vector<16xi32>
        %and3A_741 = arith.andi %add3A_736, %and3A_740 : vector<16xi32>
        %add3A_742 = arith.constant 0 : i32
        %add3A_743 = vector.broadcast %add3A_742 : i32 to vector<16xi32>
        %add3A_744 = arith.addi %iota3A, %add3A_743 : vector<16xi32>
        %gather3A_745 = tpu.vector_load_idx %arg8[%add3A_744, %add3A_736] : memref<128x32xf32, #tpu.memory_space<vmem>>[vector<16xi32>, vector<16xi32>], vector<16xf32>,
        tpu.vector_store_idx %arg10[%shift_right_arithmetic3A_738, %and3A_741, %add3A_744], %gather3A_745 : memref<4x8x128xf32, #tpu.memory_space<vmem>>[vector<16xi32>, vector<16xi32>, vector<16xi32>], vector<16xf32>,
        %add3A_746 = arith.constant 16 : i32
        %add3A_747 = vector.broadcast %add3A_746 : i32 to vector<16xi32>
        %add3A_748 = arith.addi %iota3A, %add3A_747 : vector<16xi32>
        %gather3A_749 = tpu.vector_load_idx %arg8[%add3A_748, %add3A_736] : memref<128x32xf32, #tpu.memory_space<vmem>>[vector<16xi32>, vector<16xi32>], vector<16xf32>,
        tpu.vector_store_idx %arg10[%shift_right_arithmetic3A_738, %and3A_741, %add3A_748], %gather3A_749 : memref<4x8x128xf32, #tpu.memory_space<vmem>>[vector<16xi32>, vector<16xi32>, vector<16xi32>], vector<16xf32>,
        %add3A_750 = arith.constant 32 : i32
        %add3A_751 = vector.broadcast %add3A_750 : i32 to vector<16xi32>
        %add3A_752 = arith.addi %iota3A, %add3A_751 : vector<16xi32>
        %gather3A_753 = tpu.vector_load_idx %arg8[%add3A_752, %add3A_736] : memref<128x32xf32, #tpu.memory_space<vmem>>[vector<16xi32>, vector<16xi32>], vector<16xf32>,
        tpu.vector_store_idx %arg10[%shift_right_arithmetic3A_738, %and3A_741, %add3A_752], %gather3A_753 : memref<4x8x128xf32, #tpu.memory_space<vmem>>[vector<16xi32>, vector<16xi32>, vector<16xi32>], vector<16xf32>,
        %add3A_754 = arith.constant 48 : i32
        %add3A_755 = vector.broadcast %add3A_754 : i32 to vector<16xi32>
        %add3A_756 = arith.addi %iota3A, %add3A_755 : vector<16xi32>
        %gather3A_757 = tpu.vector_load_idx %arg8[%add3A_756, %add3A_736] : memref<128x32xf32, #tpu.memory_space<vmem>>[vector<16xi32>, vector<16xi32>], vector<16xf32>,
        tpu.vector_store_idx %arg10[%shift_right_arithmetic3A_738, %and3A_741, %add3A_756], %gather3A_757 : memref<4x8x128xf32, #tpu.memory_space<vmem>>[vector<16xi32>, vector<16xi32>, vector<16xi32>], vector<16xf32>,
        %add3A_758 = arith.constant 64 : i32
        %add3A_759 = vector.broadcast %add3A_758 : i32 to vector<16xi32>
        %add3A_760 = arith.addi %iota3A, %add3A_759 : vector<16xi32>
        %gather3A_761 = tpu.vector_load_idx %arg8[%add3A_760, %add3A_736] : memref<128x32xf32, #tpu.memory_space<vmem>>[vector<16xi32>, vector<16xi32>], vector<16xf32>,
        tpu.vector_store_idx %arg10[%shift_right_arithmetic3A_738, %and3A_741, %add3A_760], %gather3A_761 : memref<4x8x128xf32, #tpu.memory_space<vmem>>[vector<16xi32>, vector<16xi32>, vector<16xi32>], vector<16xf32>,
        %add3A_762 = arith.constant 80 : i32
        %add3A_763 = vector.broadcast %add3A_762 : i32 to vector<16xi32>
        %add3A_764 = arith.addi %iota3A, %add3A_763 : vector<16xi32>
        %gather3A_765 = tpu.vector_load_idx %arg8[%add3A_764, %add3A_736] : memref<128x32xf32, #tpu.memory_space<vmem>>[vector<16xi32>, vector<16xi32>], vector<16xf32>,
        tpu.vector_store_idx %arg10[%shift_right_arithmetic3A_738, %and3A_741, %add3A_764], %gather3A_765 : memref<4x8x128xf32, #tpu.memory_space<vmem>>[vector<16xi32>, vector<16xi32>, vector<16xi32>], vector<16xf32>,
        %add3A_766 = arith.constant 96 : i32
        %add3A_767 = vector.broadcast %add3A_766 : i32 to vector<16xi32>
        %add3A_768 = arith.addi %iota3A, %add3A_767 : vector<16xi32>
        %gather3A_769 = tpu.vector_load_idx %arg8[%add3A_768, %add3A_736] : memref<128x32xf32, #tpu.memory_space<vmem>>[vector<16xi32>, vector<16xi32>], vector<16xf32>,
        tpu.vector_store_idx %arg10[%shift_right_arithmetic3A_738, %and3A_741, %add3A_768], %gather3A_769 : memref<4x8x128xf32, #tpu.memory_space<vmem>>[vector<16xi32>, vector<16xi32>, vector<16xi32>], vector<16xf32>,
        %add3A_770 = arith.constant 112 : i32
        %add3A_771 = vector.broadcast %add3A_770 : i32 to vector<16xi32>
        %add3A_772 = arith.addi %iota3A, %add3A_771 : vector<16xi32>
        %gather3A_773 = tpu.vector_load_idx %arg8[%add3A_772, %add3A_736] : memref<128x32xf32, #tpu.memory_space<vmem>>[vector<16xi32>, vector<16xi32>], vector<16xf32>,
        tpu.vector_store_idx %arg10[%shift_right_arithmetic3A_738, %and3A_741, %add3A_772], %gather3A_773 : memref<4x8x128xf32, #tpu.memory_space<vmem>>[vector<16xi32>, vector<16xi32>, vector<16xi32>], vector<16xf32>,
        %add3A_774 = arith.constant 16 : i32
        %add3A_775 = vector.broadcast %add3A_774 : i32 to vector<16xi32>
        %add3A_776 = arith.addi %and3A_733, %add3A_775 : vector<16xi32>
        %shift_right_arithmetic3A_777 = arith.constant 3 : i32
        %shift_right_arithmetic3A_778 = vector.broadcast %shift_right_arithmetic3A_777 : i32 to vector<16xi32>
        %shift_right_arithmetic3A_779 = arith.shrsi %add3A_776, %shift_right_arithmetic3A_778 : vector<16xi32>
        %and3A_780 = arith.constant 7 : i32
        %and3A_781 = vector.broadcast %and3A_780 : i32 to vector<16xi32>
        %and3A_782 = arith.andi %add3A_776, %and3A_781 : vector<16xi32>
        %add3A_783 = arith.constant 0 : i32
        %add3A_784 = vector.broadcast %add3A_783 : i32 to vector<16xi32>
        %add3A_785 = arith.addi %iota3A, %add3A_784 : vector<16xi32>
        %gather3A_786 = tpu.vector_load_idx %arg8[%add3A_785, %add3A_776] : memref<128x32xf32, #tpu.memory_space<vmem>>[vector<16xi32>, vector<16xi32>], vector<16xf32>,
        tpu.vector_store_idx %arg10[%shift_right_arithmetic3A_779, %and3A_782, %add3A_785], %gather3A_786 : memref<4x8x128xf32, #tpu.memory_space<vmem>>[vector<16xi32>, vector<16xi32>, vector<16xi32>], vector<16xf32>,
        %add3A_787 = arith.constant 16 : i32
        %add3A_788 = vector.broadcast %add3A_787 : i32 to vector<16xi32>
        %add3A_789 = arith.addi %iota3A, %add3A_788 : vector<16xi32>
        %gather3A_790 = tpu.vector_load_idx %arg8[%add3A_789, %add3A_776] : memref<128x32xf32, #tpu.memory_space<vmem>>[vector<16xi32>, vector<16xi32>], vector<16xf32>,
        tpu.vector_store_idx %arg10[%shift_right_arithmetic3A_779, %and3A_782, %add3A_789], %gather3A_790 : memref<4x8x128xf32, #tpu.memory_space<vmem>>[vector<16xi32>, vector<16xi32>, vector<16xi32>], vector<16xf32>,
        %add3A_791 = arith.constant 32 : i32
        %add3A_792 = vector.broadcast %add3A_791 : i32 to vector<16xi32>
        %add3A_793 = arith.addi %iota3A, %add3A_792 : vector<16xi32>
        %gather3A_794 = tpu.vector_load_idx %arg8[%add3A_793, %add3A_776] : memref<128x32xf32, #tpu.memory_space<vmem>>[vector<16xi32>, vector<16xi32>], vector<16xf32>,
        tpu.vector_store_idx %arg10[%shift_right_arithmetic3A_779, %and3A_782, %add3A_793], %gather3A_794 : memref<4x8x128xf32, #tpu.memory_space<vmem>>[vector<16xi32>, vector<16xi32>, vector<16xi32>], vector<16xf32>,
        %add3A_795 = arith.constant 48 : i32
        %add3A_796 = vector.broadcast %add3A_795 : i32 to vector<16xi32>
        %add3A_797 = arith.addi %iota3A, %add3A_796 : vector<16xi32>
        %gather3A_798 = tpu.vector_load_idx %arg8[%add3A_797, %add3A_776] : memref<128x32xf32, #tpu.memory_space<vmem>>[vector<16xi32>, vector<16xi32>], vector<16xf32>,
        tpu.vector_store_idx %arg10[%shift_right_arithmetic3A_779, %and3A_782, %add3A_797], %gather3A_798 : memref<4x8x128xf32, #tpu.memory_space<vmem>>[vector<16xi32>, vector<16xi32>, vector<16xi32>], vector<16xf32>,
        %add3A_799 = arith.constant 64 : i32
        %add3A_800 = vector.broadcast %add3A_799 : i32 to vector<16xi32>
        %add3A_801 = arith.addi %iota3A, %add3A_800 : vector<16xi32>
        %gather3A_802 = tpu.vector_load_idx %arg8[%add3A_801, %add3A_776] : memref<128x32xf32, #tpu.memory_space<vmem>>[vector<16xi32>, vector<16xi32>], vector<16xf32>,
        tpu.vector_store_idx %arg10[%shift_right_arithmetic3A_779, %and3A_782, %add3A_801], %gather3A_802 : memref<4x8x128xf32, #tpu.memory_space<vmem>>[vector<16xi32>, vector<16xi32>, vector<16xi32>], vector<16xf32>,
        %add3A_803 = arith.constant 80 : i32
        %add3A_804 = vector.broadcast %add3A_803 : i32 to vector<16xi32>
        %add3A_805 = arith.addi %iota3A, %add3A_804 : vector<16xi32>
        %gather3A_806 = tpu.vector_load_idx %arg8[%add3A_805, %add3A_776] : memref<128x32xf32, #tpu.memory_space<vmem>>[vector<16xi32>, vector<16xi32>], vector<16xf32>,
        tpu.vector_store_idx %arg10[%shift_right_arithmetic3A_779, %and3A_782, %add3A_805], %gather3A_806 : memref<4x8x128xf32, #tpu.memory_space<vmem>>[vector<16xi32>, vector<16xi32>, vector<16xi32>], vector<16xf32>,
        %add3A_807 = arith.constant 96 : i32
        %add3A_808 = vector.broadcast %add3A_807 : i32 to vector<16xi32>
        %add3A_809 = arith.addi %iota3A, %add3A_808 : vector<16xi32>
        %gather3A_810 = tpu.vector_load_idx %arg8[%add3A_809, %add3A_776] : memref<128x32xf32, #tpu.memory_space<vmem>>[vector<16xi32>, vector<16xi32>], vector<16xf32>,
        tpu.vector_store_idx %arg10[%shift_right_arithmetic3A_779, %and3A_782, %add3A_809], %gather3A_810 : memref<4x8x128xf32, #tpu.memory_space<vmem>>[vector<16xi32>, vector<16xi32>, vector<16xi32>], vector<16xf32>,
        %add3A_811 = arith.constant 112 : i32
        %add3A_812 = vector.broadcast %add3A_811 : i32 to vector<16xi32>
        %add3A_813 = arith.addi %iota3A, %add3A_812 : vector<16xi32>
        %gather3A_814 = tpu.vector_load_idx %arg8[%add3A_813, %add3A_776] : memref<128x32xf32, #tpu.memory_space<vmem>>[vector<16xi32>, vector<16xi32>], vector<16xf32>,
        tpu.vector_store_idx %arg10[%shift_right_arithmetic3A_779, %and3A_782, %add3A_813], %gather3A_814 : memref<4x8x128xf32, #tpu.memory_space<vmem>>[vector<16xi32>, vector<16xi32>, vector<16xi32>], vector<16xf32>,
      }
      %scan3A_412 = arith.constant 16 : i32
      %jit3A_413 = arith.constant 4 : i32
      %div3A_414 = arith.divsi %add3A_371, %jit3A_413 : i32
      %sign3A_415 = arith.constant 0 : i32
      %sign3A_416 = arith.cmpi sgt, %add3A_371, %sign3A_415 : i32
      %sign3A_417 = arith.extui %sign3A_416 : i1 to i32
      %sign3A_418 = arith.constant 0 : i32
      %sign3A_419 = arith.cmpi slt, %add3A_371, %sign3A_418 : i32
      %sign3A_420 = arith.extui %sign3A_419 : i1 to i32
      %sign3A_421 = arith.subi %sign3A_417, %sign3A_420 : i32
      %sign3A_422 = arith.constant 0 : i32
      %sign3A_423 = arith.cmpi sgt, %jit3A_413, %sign3A_422 : i32
      %sign3A_424 = arith.extui %sign3A_423 : i1 to i32
      %sign3A_425 = arith.constant 0 : i32
      %sign3A_426 = arith.cmpi slt, %jit3A_413, %sign3A_425 : i32
      %sign3A_427 = arith.extui %sign3A_426 : i1 to i32
      %sign3A_428 = arith.subi %sign3A_424, %sign3A_427 : i32
      %ne3A_429 = arith.cmpi ne, %sign3A_421, %sign3A_428 : i32
      %rem3A_430 = arith.remsi %add3A_371, %jit3A_413 : i32
      %ne3A_431 = arith.constant 0 : i32
      %ne3A_432 = arith.cmpi ne, %rem3A_430, %ne3A_431 : i32
      %and3A_433 = arith.andi %ne3A_429, %ne3A_432 : i1
      %sub3A_434 = arith.constant 1 : i32
      %sub3A_435 = arith.subi %div3A_414, %sub3A_434 : i32
      %select_n3A_436 = arith.select %and3A_433, %sub3A_435, %div3A_414 : i32
      %mul3A_437 = arith.constant 4 : i32
      %mul3A_438 = arith.muli %select_n3A_436, %mul3A_437 : i32
      %sub3A_439 = arith.subi %add3A_371, %mul3A_438 : i32
      %mul3A_440 = arith.constant 4 : i32
      %mul3A_441 = arith.muli %add3A, %mul3A_440 : i32
      %add3A_442 = arith.addi %mul3A_441, %sub3A_439 : i32
      %dma_start3A_443 = arith.constant 0 : i32
      %dma_start3A_444 = arith.constant 0 : i32
      %dma_start3A_445 = arith.constant 0 : i32
      %dma_start3A_446 = tpu.memref_slice %arg4[%select_n3A_436, %dma_start3A_443, %add3A_442, %dma_start3A_444, %dma_start3A_445] : memref<26x4x128x8x128xf32, #tpu.memory_space<hbm>> -> memref<1x4x1x8x128xf32, #tpu.memory_space<hbm>>
      %dma_start3A_447 = tpu.memref_squeeze %dma_start3A_446 : memref<1x4x1x8x128xf32, #tpu.memory_space<hbm>> -> memref<4x8x128xf32, #tpu.memory_space<hbm>>
      %dma_start3A_448 = arith.constant 0 : i32
      %dma_start3A_449 = arith.constant 0 : i32
      %dma_start3A_450 = arith.constant 0 : i32
      %dma_start3A_451 = tpu.memref_slice %arg4[%select_n3A_436, %dma_start3A_448, %add3A_442, %dma_start3A_449, %dma_start3A_450] : memref<26x4x128x8x128xf32, #tpu.memory_space<hbm>> -> memref<1x4x1x8x128xf32, #tpu.memory_space<hbm>>
      %dma_start3A_452 = tpu.memref_squeeze %dma_start3A_451 : memref<1x4x1x8x128xf32, #tpu.memory_space<hbm>> -> memref<4x8x128xf32, #tpu.memory_space<hbm>>
      tpu.enqueue_dma source(%arg10 : memref<4x8x128xf32, #tpu.memory_space<vmem>>) target(%dma_start3A_452 : memref<4x8x128xf32, #tpu.memory_space<hbm>>) target_semaphore(%arg14 : memref<!tpu.dma_semaphore, #tpu.memory_space<semaphore_mem>>)
      %add3A_453 = arith.constant 2 : i32
      %add3A_454 = arith.addi %add3A_371, %add3A_453 : i32
      %jit3A_455 = arith.constant 4 : i32
      %div3A_456 = arith.divsi %add3A_454, %jit3A_455 : i32
      %sign3A_457 = arith.constant 0 : i32
      %sign3A_458 = arith.cmpi sgt, %add3A_454, %sign3A_457 : i32
      %sign3A_459 = arith.extui %sign3A_458 : i1 to i32
      %sign3A_460 = arith.constant 0 : i32
      %sign3A_461 = arith.cmpi slt, %add3A_454, %sign3A_460 : i32
      %sign3A_462 = arith.extui %sign3A_461 : i1 to i32
      %sign3A_463 = arith.subi %sign3A_459, %sign3A_462 : i32
      %sign3A_464 = arith.constant 0 : i32
      %sign3A_465 = arith.cmpi sgt, %jit3A_455, %sign3A_464 : i32
      %sign3A_466 = arith.extui %sign3A_465 : i1 to i32
      %sign3A_467 = arith.constant 0 : i32
      %sign3A_468 = arith.cmpi slt, %jit3A_455, %sign3A_467 : i32
      %sign3A_469 = arith.extui %sign3A_468 : i1 to i32
      %sign3A_470 = arith.subi %sign3A_466, %sign3A_469 : i32
      %ne3A_471 = arith.cmpi ne, %sign3A_463, %sign3A_470 : i32
      %rem3A_472 = arith.remsi %add3A_454, %jit3A_455 : i32
      %ne3A_473 = arith.constant 0 : i32
      %ne3A_474 = arith.cmpi ne, %rem3A_472, %ne3A_473 : i32
      %and3A_475 = arith.andi %ne3A_471, %ne3A_474 : i1
      %sub3A_476 = arith.constant 1 : i32
      %sub3A_477 = arith.subi %div3A_456, %sub3A_476 : i32
      %select_n3A_478 = arith.select %and3A_475, %sub3A_477, %div3A_456 : i32
      %mul3A_479 = arith.constant 4 : i32
      %mul3A_480 = arith.muli %select_n3A_478, %mul3A_479 : i32
      %sub3A_481 = arith.subi %add3A_454, %mul3A_480 : i32
      %mul3A_482 = arith.constant 3328 : i32
      %mul3A_483 = arith.muli %sub3A_481, %mul3A_482 : i32
      %add3A_484 = arith.addi %mul3A_483, %select_n3A_478 : i32
      %add3A_485 = arith.constant 0 : i32
      %add3A_486 = arith.addi %add3A_484, %add3A_485 : i32
      %add3A_487 = vector.broadcast %add3A_486 : i32 to vector<16xi32>
      %add3A_488 = arith.addi %mul3A_3, %add3A_487 : vector<16xi32>
      %gather3A_489 = tpu.vector_load_idx %arg5[%add3A_488] : memref<13312xi32, #tpu.memory_space<vmem>>[vector<16xi32>], vector<16xi32>,
      %swap3A_490 = arith.constant 0 : index
      %swap3A_491 = tpu.vector_load %arg6[%swap3A_490] {strides = array<i32>} : memref<128xi32, #tpu.memory_space<vmem>>, vector<16xi32>,
      tpu.vector_store %arg6[%swap3A_490], %gather3A_489 {strides = array<i32>} : memref<128xi32, #tpu.memory_space<vmem>>, vector<16xi32>,
      %add3A_492 = arith.constant 416 : i32
      %add3A_493 = arith.addi %add3A_484, %add3A_492 : i32
      %add3A_494 = vector.broadcast %add3A_493 : i32 to vector<16xi32>
      %add3A_495 = arith.addi %mul3A_3, %add3A_494 : vector<16xi32>
      %gather3A_496 = tpu.vector_load_idx %arg5[%add3A_495] : memref<13312xi32, #tpu.memory_space<vmem>>[vector<16xi32>], vector<16xi32>,
      %swap3A_497 = arith.constant 16 : index
      %swap3A_498 = tpu.vector_load %arg6[%swap3A_497] {strides = array<i32>} : memref<128xi32, #tpu.memory_space<vmem>>, vector<16xi32>,
      tpu.vector_store %arg6[%swap3A_497], %gather3A_496 {strides = array<i32>} : memref<128xi32, #tpu.memory_space<vmem>>, vector<16xi32>,
      %add3A_499 = arith.constant 832 : i32
      %add3A_500 = arith.addi %add3A_484, %add3A_499 : i32
      %add3A_501 = vector.broadcast %add3A_500 : i32 to vector<16xi32>
      %add3A_502 = arith.addi %mul3A_3, %add3A_501 : vector<16xi32>
      %gather3A_503 = tpu.vector_load_idx %arg5[%add3A_502] : memref<13312xi32, #tpu.memory_space<vmem>>[vector<16xi32>], vector<16xi32>,
      %swap3A_504 = arith.constant 32 : index
      %swap3A_505 = tpu.vector_load %arg6[%swap3A_504] {strides = array<i32>} : memref<128xi32, #tpu.memory_space<vmem>>, vector<16xi32>,
      tpu.vector_store %arg6[%swap3A_504], %gather3A_503 {strides = array<i32>} : memref<128xi32, #tpu.memory_space<vmem>>, vector<16xi32>,
      %add3A_506 = arith.constant 1248 : i32
      %add3A_507 = arith.addi %add3A_484, %add3A_506 : i32
      %add3A_508 = vector.broadcast %add3A_507 : i32 to vector<16xi32>
      %add3A_509 = arith.addi %mul3A_3, %add3A_508 : vector<16xi32>
      %gather3A_510 = tpu.vector_load_idx %arg5[%add3A_509] : memref<13312xi32, #tpu.memory_space<vmem>>[vector<16xi32>], vector<16xi32>,
      %swap3A_511 = arith.constant 48 : index
      %swap3A_512 = tpu.vector_load %arg6[%swap3A_511] {strides = array<i32>} : memref<128xi32, #tpu.memory_space<vmem>>, vector<16xi32>,
      tpu.vector_store %arg6[%swap3A_511], %gather3A_510 {strides = array<i32>} : memref<128xi32, #tpu.memory_space<vmem>>, vector<16xi32>,
      %add3A_513 = arith.constant 1664 : i32
      %add3A_514 = arith.addi %add3A_484, %add3A_513 : i32
      %add3A_515 = vector.broadcast %add3A_514 : i32 to vector<16xi32>
      %add3A_516 = arith.addi %mul3A_3, %add3A_515 : vector<16xi32>
      %gather3A_517 = tpu.vector_load_idx %arg5[%add3A_516] : memref<13312xi32, #tpu.memory_space<vmem>>[vector<16xi32>], vector<16xi32>,
      %swap3A_518 = arith.constant 64 : index
      %swap3A_519 = tpu.vector_load %arg6[%swap3A_518] {strides = array<i32>} : memref<128xi32, #tpu.memory_space<vmem>>, vector<16xi32>,
      tpu.vector_store %arg6[%swap3A_518], %gather3A_517 {strides = array<i32>} : memref<128xi32, #tpu.memory_space<vmem>>, vector<16xi32>,
      %add3A_520 = arith.constant 2080 : i32
      %add3A_521 = arith.addi %add3A_484, %add3A_520 : i32
      %add3A_522 = vector.broadcast %add3A_521 : i32 to vector<16xi32>
      %add3A_523 = arith.addi %mul3A_3, %add3A_522 : vector<16xi32>
      %gather3A_524 = tpu.vector_load_idx %arg5[%add3A_523] : memref<13312xi32, #tpu.memory_space<vmem>>[vector<16xi32>], vector<16xi32>,
      %swap3A_525 = arith.constant 80 : index
      %swap3A_526 = tpu.vector_load %arg6[%swap3A_525] {strides = array<i32>} : memref<128xi32, #tpu.memory_space<vmem>>, vector<16xi32>,
      tpu.vector_store %arg6[%swap3A_525], %gather3A_524 {strides = array<i32>} : memref<128xi32, #tpu.memory_space<vmem>>, vector<16xi32>,
      %add3A_527 = arith.constant 2496 : i32
      %add3A_528 = arith.addi %add3A_484, %add3A_527 : i32
      %add3A_529 = vector.broadcast %add3A_528 : i32 to vector<16xi32>
      %add3A_530 = arith.addi %mul3A_3, %add3A_529 : vector<16xi32>
      %gather3A_531 = tpu.vector_load_idx %arg5[%add3A_530] : memref<13312xi32, #tpu.memory_space<vmem>>[vector<16xi32>], vector<16xi32>,
      %swap3A_532 = arith.constant 96 : index
      %swap3A_533 = tpu.vector_load %arg6[%swap3A_532] {strides = array<i32>} : memref<128xi32, #tpu.memory_space<vmem>>, vector<16xi32>,
      tpu.vector_store %arg6[%swap3A_532], %gather3A_531 {strides = array<i32>} : memref<128xi32, #tpu.memory_space<vmem>>, vector<16xi32>,
      %add3A_534 = arith.constant 2912 : i32
      %add3A_535 = arith.addi %add3A_484, %add3A_534 : i32
      %add3A_536 = vector.broadcast %add3A_535 : i32 to vector<16xi32>
      %add3A_537 = arith.addi %mul3A_3, %add3A_536 : vector<16xi32>
      %gather3A_538 = tpu.vector_load_idx %arg5[%add3A_537] : memref<13312xi32, #tpu.memory_space<vmem>>[vector<16xi32>], vector<16xi32>,
      %swap3A_539 = arith.constant 112 : index
      %swap3A_540 = tpu.vector_load %arg6[%swap3A_539] {strides = array<i32>} : memref<128xi32, #tpu.memory_space<vmem>>, vector<16xi32>,
      tpu.vector_store %arg6[%swap3A_539], %gather3A_538 {strides = array<i32>} : memref<128xi32, #tpu.memory_space<vmem>>, vector<16xi32>,
      %dma_start3A_541 = arith.constant 0 : i32
      %dma_start3A_542 = arith.constant 0 : i32
      %dma_start3A_543 = tpu.memref_slice %arg3[%dma_start3A_541, %dma_start3A_542] : memref<1000000x32xf32, #tpu.memory_space<hbm>> -> memref<1000000x32xf32, #tpu.memory_space<hbm>>
      tpu.enqueue_indirect_dma source(%dma_start3A_543 : memref<1000000x32xf32, #tpu.memory_space<hbm>>) target(%arg8 : memref<128x32xf32, #tpu.memory_space<vmem>>) offsets(%arg6 : memref<128xi32, #tpu.memory_space<vmem>>) semaphore(%arg12 : memref<!tpu.dma_semaphore, #tpu.memory_space<semaphore_mem>>)
      %mul3A_544 = arith.constant 2 : i32
      %mul3A_545 = arith.muli %mul3A_544, %scan3A_367 : i32
      %add3A_546 = arith.constant 1 : i32
      %add3A_547 = arith.addi %mul3A_545, %add3A_546 : i32
      %dma_wait3A_548 = arith.constant 0 : i32
      %dma_wait3A_549 = arith.constant 0 : i32
      %dma_wait3A_550 = tpu.memref_slice %arg3[%dma_wait3A_548, %dma_wait3A_549] : memref<1000000x32xf32, #tpu.memory_space<hbm>> -> memref<1000000x32xf32, #tpu.memory_space<hbm>>
      tpu.wait_indirect_dma semaphore(%arg13 : memref<!tpu.dma_semaphore, #tpu.memory_space<semaphore_mem>>) src(%dma_wait3A_550 : memref<1000000x32xf32, #tpu.memory_space<hbm>>) dst(%arg9 : memref<128x32xf32, #tpu.memory_space<vmem>>)
      %jit3A_551 = arith.constant 4 : i32
      %div3A_552 = arith.divsi %add3A_547, %jit3A_551 : i32
      %sign3A_553 = arith.constant 0 : i32
      %sign3A_554 = arith.cmpi sgt, %add3A_547, %sign3A_553 : i32
      %sign3A_555 = arith.extui %sign3A_554 : i1 to i32
      %sign3A_556 = arith.constant 0 : i32
      %sign3A_557 = arith.cmpi slt, %add3A_547, %sign3A_556 : i32
      %sign3A_558 = arith.extui %sign3A_557 : i1 to i32
      %sign3A_559 = arith.subi %sign3A_555, %sign3A_558 : i32
      %sign3A_560 = arith.constant 0 : i32
      %sign3A_561 = arith.cmpi sgt, %jit3A_551, %sign3A_560 : i32
      %sign3A_562 = arith.extui %sign3A_561 : i1 to i32
      %sign3A_563 = arith.constant 0 : i32
      %sign3A_564 = arith.cmpi slt, %jit3A_551, %sign3A_563 : i32
      %sign3A_565 = arith.extui %sign3A_564 : i1 to i32
      %sign3A_566 = arith.subi %sign3A_562, %sign3A_565 : i32
      %ne3A_567 = arith.cmpi ne, %sign3A_559, %sign3A_566 : i32
      %rem3A_568 = arith.remsi %add3A_547, %jit3A_551 : i32
      %ne3A_569 = arith.constant 0 : i32
      %ne3A_570 = arith.cmpi ne, %rem3A_568, %ne3A_569 : i32
      %and3A_571 = arith.andi %ne3A_567, %ne3A_570 : i1
      %sub3A_572 = arith.constant 1 : i32
      %sub3A_573 = arith.subi %div3A_552, %sub3A_572 : i32
      %select_n3A_574 = arith.select %and3A_571, %sub3A_573, %div3A_552 : i32
      %mul3A_575 = arith.constant 4 : i32
      %mul3A_576 = arith.muli %select_n3A_574, %mul3A_575 : i32
      %sub3A_577 = arith.subi %add3A_547, %mul3A_576 : i32
      %mul3A_578 = arith.constant 4 : i32
      %mul3A_579 = arith.muli %add3A, %mul3A_578 : i32
      %add3A_580 = arith.addi %mul3A_579, %sub3A_577 : i32
      %dma_wait3A_581 = arith.constant 0 : i32
      %dma_wait3A_582 = arith.constant 0 : i32
      %dma_wait3A_583 = arith.constant 0 : i32
      %dma_wait3A_584 = tpu.memref_slice %arg4[%select_n3A_574, %dma_wait3A_581, %add3A_580, %dma_wait3A_582, %dma_wait3A_583] : memref<26x4x128x8x128xf32, #tpu.memory_space<hbm>> -> memref<1x4x1x8x128xf32, #tpu.memory_space<hbm>>
      %dma_wait3A_585 = tpu.memref_squeeze %dma_wait3A_584 : memref<1x4x1x8x128xf32, #tpu.memory_space<hbm>> -> memref<4x8x128xf32, #tpu.memory_space<hbm>>
      %dma_wait3A_586 = arith.constant 0 : i32
      %dma_wait3A_587 = arith.constant 0 : i32
      %dma_wait3A_588 = arith.constant 0 : i32
      %dma_wait3A_589 = tpu.memref_slice %arg4[%select_n3A_574, %dma_wait3A_586, %add3A_580, %dma_wait3A_587, %dma_wait3A_588] : memref<26x4x128x8x128xf32, #tpu.memory_space<hbm>> -> memref<1x4x1x8x128xf32, #tpu.memory_space<hbm>>
      %dma_wait3A_590 = tpu.memref_squeeze %dma_wait3A_589 : memref<1x4x1x8x128xf32, #tpu.memory_space<hbm>> -> memref<4x8x128xf32, #tpu.memory_space<hbm>>
      tpu.wait_dma2 semaphore(%arg15 : memref<!tpu.dma_semaphore, #tpu.memory_space<semaphore_mem>>) src(%arg11 : memref<4x8x128xf32, #tpu.memory_space<vmem>>) dst(%dma_wait3A_590 : memref<4x8x128xf32, #tpu.memory_space<hbm>>)
      %scan3A_591 = arith.constant 0 : i32
      %scan3A_592 = arith.constant 0 : i32
      %scan3A_593 = arith.constant 16 : i32
      %scan3A_594 = arith.addi %scan3A_592, %scan3A_593 : i32
      %scan3A_595 = arith.constant 1 : i32
      scf.for %scan3A_728 = %scan3A_592 to %scan3A_594 step %scan3A_595  : i32 {
        %add3A_729 = vector.broadcast %scan3A_728 : i32 to vector<16xi32>
        %add3A_730 = arith.addi %iota3A, %add3A_729 : vector<16xi32>
        %and3A_731 = arith.constant 15 : i32
        %and3A_732 = vector.broadcast %and3A_731 : i32 to vector<16xi32>
        %and3A_733 = arith.andi %add3A_730, %and3A_732 : vector<16xi32>
        %add3A_734 = arith.constant 0 : i32
        %add3A_735 = vector.broadcast %add3A_734 : i32 to vector<16xi32>
        %add3A_736 = arith.addi %and3A_733, %add3A_735 : vector<16xi32>
        %shift_right_arithmetic3A = arith.constant 3 : i32
        %shift_right_arithmetic3A_737 = vector.broadcast %shift_right_arithmetic3A : i32 to vector<16xi32>
        %shift_right_arithmetic3A_738 = arith.shrsi %add3A_736, %shift_right_arithmetic3A_737 : vector<16xi32>
        %and3A_739 = arith.constant 7 : i32
        %and3A_740 = vector.broadcast %and3A_739 : i32 to vector<16xi32>
        %and3A_741 = arith.andi %add3A_736, %and3A_740 : vector<16xi32>
        %add3A_742 = arith.constant 0 : i32
        %add3A_743 = vector.broadcast %add3A_742 : i32 to vector<16xi32>
        %add3A_744 = arith.addi %iota3A, %add3A_743 : vector<16xi32>
        %gather3A_745 = tpu.vector_load_idx %arg9[%add3A_744, %add3A_736] : memref<128x32xf32, #tpu.memory_space<vmem>>[vector<16xi32>, vector<16xi32>], vector<16xf32>,
        tpu.vector_store_idx %arg11[%shift_right_arithmetic3A_738, %and3A_741, %add3A_744], %gather3A_745 : memref<4x8x128xf32, #tpu.memory_space<vmem>>[vector<16xi32>, vector<16xi32>, vector<16xi32>], vector<16xf32>,
        %add3A_746 = arith.constant 16 : i32
        %add3A_747 = vector.broadcast %add3A_746 : i32 to vector<16xi32>
        %add3A_748 = arith.addi %iota3A, %add3A_747 : vector<16xi32>
        %gather3A_749 = tpu.vector_load_idx %arg9[%add3A_748, %add3A_736] : memref<128x32xf32, #tpu.memory_space<vmem>>[vector<16xi32>, vector<16xi32>], vector<16xf32>,
        tpu.vector_store_idx %arg11[%shift_right_arithmetic3A_738, %and3A_741, %add3A_748], %gather3A_749 : memref<4x8x128xf32, #tpu.memory_space<vmem>>[vector<16xi32>, vector<16xi32>, vector<16xi32>], vector<16xf32>,
        %add3A_750 = arith.constant 32 : i32
        %add3A_751 = vector.broadcast %add3A_750 : i32 to vector<16xi32>
        %add3A_752 = arith.addi %iota3A, %add3A_751 : vector<16xi32>
        %gather3A_753 = tpu.vector_load_idx %arg9[%add3A_752, %add3A_736] : memref<128x32xf32, #tpu.memory_space<vmem>>[vector<16xi32>, vector<16xi32>], vector<16xf32>,
        tpu.vector_store_idx %arg11[%shift_right_arithmetic3A_738, %and3A_741, %add3A_752], %gather3A_753 : memref<4x8x128xf32, #tpu.memory_space<vmem>>[vector<16xi32>, vector<16xi32>, vector<16xi32>], vector<16xf32>,
        %add3A_754 = arith.constant 48 : i32
        %add3A_755 = vector.broadcast %add3A_754 : i32 to vector<16xi32>
        %add3A_756 = arith.addi %iota3A, %add3A_755 : vector<16xi32>
        %gather3A_757 = tpu.vector_load_idx %arg9[%add3A_756, %add3A_736] : memref<128x32xf32, #tpu.memory_space<vmem>>[vector<16xi32>, vector<16xi32>], vector<16xf32>,
        tpu.vector_store_idx %arg11[%shift_right_arithmetic3A_738, %and3A_741, %add3A_756], %gather3A_757 : memref<4x8x128xf32, #tpu.memory_space<vmem>>[vector<16xi32>, vector<16xi32>, vector<16xi32>], vector<16xf32>,
        %add3A_758 = arith.constant 64 : i32
        %add3A_759 = vector.broadcast %add3A_758 : i32 to vector<16xi32>
        %add3A_760 = arith.addi %iota3A, %add3A_759 : vector<16xi32>
        %gather3A_761 = tpu.vector_load_idx %arg9[%add3A_760, %add3A_736] : memref<128x32xf32, #tpu.memory_space<vmem>>[vector<16xi32>, vector<16xi32>], vector<16xf32>,
        tpu.vector_store_idx %arg11[%shift_right_arithmetic3A_738, %and3A_741, %add3A_760], %gather3A_761 : memref<4x8x128xf32, #tpu.memory_space<vmem>>[vector<16xi32>, vector<16xi32>, vector<16xi32>], vector<16xf32>,
        %add3A_762 = arith.constant 80 : i32
        %add3A_763 = vector.broadcast %add3A_762 : i32 to vector<16xi32>
        %add3A_764 = arith.addi %iota3A, %add3A_763 : vector<16xi32>
        %gather3A_765 = tpu.vector_load_idx %arg9[%add3A_764, %add3A_736] : memref<128x32xf32, #tpu.memory_space<vmem>>[vector<16xi32>, vector<16xi32>], vector<16xf32>,
        tpu.vector_store_idx %arg11[%shift_right_arithmetic3A_738, %and3A_741, %add3A_764], %gather3A_765 : memref<4x8x128xf32, #tpu.memory_space<vmem>>[vector<16xi32>, vector<16xi32>, vector<16xi32>], vector<16xf32>,
        %add3A_766 = arith.constant 96 : i32
        %add3A_767 = vector.broadcast %add3A_766 : i32 to vector<16xi32>
        %add3A_768 = arith.addi %iota3A, %add3A_767 : vector<16xi32>
        %gather3A_769 = tpu.vector_load_idx %arg9[%add3A_768, %add3A_736] : memref<128x32xf32, #tpu.memory_space<vmem>>[vector<16xi32>, vector<16xi32>], vector<16xf32>,
        tpu.vector_store_idx %arg11[%shift_right_arithmetic3A_738, %and3A_741, %add3A_768], %gather3A_769 : memref<4x8x128xf32, #tpu.memory_space<vmem>>[vector<16xi32>, vector<16xi32>, vector<16xi32>], vector<16xf32>,
        %add3A_770 = arith.constant 112 : i32
        %add3A_771 = vector.broadcast %add3A_770 : i32 to vector<16xi32>
        %add3A_772 = arith.addi %iota3A, %add3A_771 : vector<16xi32>
        %gather3A_773 = tpu.vector_load_idx %arg9[%add3A_772, %add3A_736] : memref<128x32xf32, #tpu.memory_space<vmem>>[vector<16xi32>, vector<16xi32>], vector<16xf32>,
        tpu.vector_store_idx %arg11[%shift_right_arithmetic3A_738, %and3A_741, %add3A_772], %gather3A_773 : memref<4x8x128xf32, #tpu.memory_space<vmem>>[vector<16xi32>, vector<16xi32>, vector<16xi32>], vector<16xf32>,
        %add3A_774 = arith.constant 16 : i32
        %add3A_775 = vector.broadcast %add3A_774 : i32 to vector<16xi32>
        %add3A_776 = arith.addi %and3A_733, %add3A_775 : vector<16xi32>
        %shift_right_arithmetic3A_777 = arith.constant 3 : i32
        %shift_right_arithmetic3A_778 = vector.broadcast %shift_right_arithmetic3A_777 : i32 to vector<16xi32>
        %shift_right_arithmetic3A_779 = arith.shrsi %add3A_776, %shift_right_arithmetic3A_778 : vector<16xi32>
        %and3A_780 = arith.constant 7 : i32
        %and3A_781 = vector.broadcast %and3A_780 : i32 to vector<16xi32>
        %and3A_782 = arith.andi %add3A_776, %and3A_781 : vector<16xi32>
        %add3A_783 = arith.constant 0 : i32
        %add3A_784 = vector.broadcast %add3A_783 : i32 to vector<16xi32>
        %add3A_785 = arith.addi %iota3A, %add3A_784 : vector<16xi32>
        %gather3A_786 = tpu.vector_load_idx %arg9[%add3A_785, %add3A_776] : memref<128x32xf32, #tpu.memory_space<vmem>>[vector<16xi32>, vector<16xi32>], vector<16xf32>,
        tpu.vector_store_idx %arg11[%shift_right_arithmetic3A_779, %and3A_782, %add3A_785], %gather3A_786 : memref<4x8x128xf32, #tpu.memory_space<vmem>>[vector<16xi32>, vector<16xi32>, vector<16xi32>], vector<16xf32>,
        %add3A_787 = arith.constant 16 : i32
        %add3A_788 = vector.broadcast %add3A_787 : i32 to vector<16xi32>
        %add3A_789 = arith.addi %iota3A, %add3A_788 : vector<16xi32>
        %gather3A_790 = tpu.vector_load_idx %arg9[%add3A_789, %add3A_776] : memref<128x32xf32, #tpu.memory_space<vmem>>[vector<16xi32>, vector<16xi32>], vector<16xf32>,
        tpu.vector_store_idx %arg11[%shift_right_arithmetic3A_779, %and3A_782, %add3A_789], %gather3A_790 : memref<4x8x128xf32, #tpu.memory_space<vmem>>[vector<16xi32>, vector<16xi32>, vector<16xi32>], vector<16xf32>,
        %add3A_791 = arith.constant 32 : i32
        %add3A_792 = vector.broadcast %add3A_791 : i32 to vector<16xi32>
        %add3A_793 = arith.addi %iota3A, %add3A_792 : vector<16xi32>
        %gather3A_794 = tpu.vector_load_idx %arg9[%add3A_793, %add3A_776] : memref<128x32xf32, #tpu.memory_space<vmem>>[vector<16xi32>, vector<16xi32>], vector<16xf32>,
        tpu.vector_store_idx %arg11[%shift_right_arithmetic3A_779, %and3A_782, %add3A_793], %gather3A_794 : memref<4x8x128xf32, #tpu.memory_space<vmem>>[vector<16xi32>, vector<16xi32>, vector<16xi32>], vector<16xf32>,
        %add3A_795 = arith.constant 48 : i32
        %add3A_796 = vector.broadcast %add3A_795 : i32 to vector<16xi32>
        %add3A_797 = arith.addi %iota3A, %add3A_796 : vector<16xi32>
        %gather3A_798 = tpu.vector_load_idx %arg9[%add3A_797, %add3A_776] : memref<128x32xf32, #tpu.memory_space<vmem>>[vector<16xi32>, vector<16xi32>], vector<16xf32>,
        tpu.vector_store_idx %arg11[%shift_right_arithmetic3A_779, %and3A_782, %add3A_797], %gather3A_798 : memref<4x8x128xf32, #tpu.memory_space<vmem>>[vector<16xi32>, vector<16xi32>, vector<16xi32>], vector<16xf32>,
        %add3A_799 = arith.constant 64 : i32
        %add3A_800 = vector.broadcast %add3A_799 : i32 to vector<16xi32>
        %add3A_801 = arith.addi %iota3A, %add3A_800 : vector<16xi32>
        %gather3A_802 = tpu.vector_load_idx %arg9[%add3A_801, %add3A_776] : memref<128x32xf32, #tpu.memory_space<vmem>>[vector<16xi32>, vector<16xi32>], vector<16xf32>,
        tpu.vector_store_idx %arg11[%shift_right_arithmetic3A_779, %and3A_782, %add3A_801], %gather3A_802 : memref<4x8x128xf32, #tpu.memory_space<vmem>>[vector<16xi32>, vector<16xi32>, vector<16xi32>], vector<16xf32>,
        %add3A_803 = arith.constant 80 : i32
        %add3A_804 = vector.broadcast %add3A_803 : i32 to vector<16xi32>
        %add3A_805 = arith.addi %iota3A, %add3A_804 : vector<16xi32>
        %gather3A_806 = tpu.vector_load_idx %arg9[%add3A_805, %add3A_776] : memref<128x32xf32, #tpu.memory_space<vmem>>[vector<16xi32>, vector<16xi32>], vector<16xf32>,
        tpu.vector_store_idx %arg11[%shift_right_arithmetic3A_779, %and3A_782, %add3A_805], %gather3A_806 : memref<4x8x128xf32, #tpu.memory_space<vmem>>[vector<16xi32>, vector<16xi32>, vector<16xi32>], vector<16xf32>,
        %add3A_807 = arith.constant 96 : i32
        %add3A_808 = vector.broadcast %add3A_807 : i32 to vector<16xi32>
        %add3A_809 = arith.addi %iota3A, %add3A_808 : vector<16xi32>
        %gather3A_810 = tpu.vector_load_idx %arg9[%add3A_809, %add3A_776] : memref<128x32xf32, #tpu.memory_space<vmem>>[vector<16xi32>, vector<16xi32>], vector<16xf32>,
        tpu.vector_store_idx %arg11[%shift_right_arithmetic3A_779, %and3A_782, %add3A_809], %gather3A_810 : memref<4x8x128xf32, #tpu.memory_space<vmem>>[vector<16xi32>, vector<16xi32>, vector<16xi32>], vector<16xf32>,
        %add3A_811 = arith.constant 112 : i32
        %add3A_812 = vector.broadcast %add3A_811 : i32 to vector<16xi32>
        %add3A_813 = arith.addi %iota3A, %add3A_812 : vector<16xi32>
        %gather3A_814 = tpu.vector_load_idx %arg9[%add3A_813, %add3A_776] : memref<128x32xf32, #tpu.memory_space<vmem>>[vector<16xi32>, vector<16xi32>], vector<16xf32>,
        tpu.vector_store_idx %arg11[%shift_right_arithmetic3A_779, %and3A_782, %add3A_813], %gather3A_814 : memref<4x8x128xf32, #tpu.memory_space<vmem>>[vector<16xi32>, vector<16xi32>, vector<16xi32>], vector<16xf32>,
      }
      %scan3A_596 = arith.constant 16 : i32
      %jit3A_597 = arith.constant 4 : i32
      %div3A_598 = arith.divsi %add3A_547, %jit3A_597 : i32
      %sign3A_599 = arith.constant 0 : i32
      %sign3A_600 = arith.cmpi sgt, %add3A_547, %sign3A_599 : i32
      %sign3A_601 = arith.extui %sign3A_600 : i1 to i32
      %sign3A_602 = arith.constant 0 : i32
      %sign3A_603 = arith.cmpi slt, %add3A_547, %sign3A_602 : i32
      %sign3A_604 = arith.extui %sign3A_603 : i1 to i32
      %sign3A_605 = arith.subi %sign3A_601, %sign3A_604 : i32
      %sign3A_606 = arith.constant 0 : i32
      %sign3A_607 = arith.cmpi sgt, %jit3A_597, %sign3A_606 : i32
      %sign3A_608 = arith.extui %sign3A_607 : i1 to i32
      %sign3A_609 = arith.constant 0 : i32
      %sign3A_610 = arith.cmpi slt, %jit3A_597, %sign3A_609 : i32
      %sign3A_611 = arith.extui %sign3A_610 : i1 to i32
      %sign3A_612 = arith.subi %sign3A_608, %sign3A_611 : i32
      %ne3A_613 = arith.cmpi ne, %sign3A_605, %sign3A_612 : i32
      %rem3A_614 = arith.remsi %add3A_547, %jit3A_597 : i32
      %ne3A_615 = arith.constant 0 : i32
      %ne3A_616 = arith.cmpi ne, %rem3A_614, %ne3A_615 : i32
      %and3A_617 = arith.andi %ne3A_613, %ne3A_616 : i1
      %sub3A_618 = arith.constant 1 : i32
      %sub3A_619 = arith.subi %div3A_598, %sub3A_618 : i32
      %select_n3A_620 = arith.select %and3A_617, %sub3A_619, %div3A_598 : i32
      %mul3A_621 = arith.constant 4 : i32
      %mul3A_622 = arith.muli %select_n3A_620, %mul3A_621 : i32
      %sub3A_623 = arith.subi %add3A_547, %mul3A_622 : i32
      %mul3A_624 = arith.constant 4 : i32
      %mul3A_625 = arith.muli %add3A, %mul3A_624 : i32
      %add3A_626 = arith.addi %mul3A_625, %sub3A_623 : i32
      %dma_start3A_627 = arith.constant 0 : i32
      %dma_start3A_628 = arith.constant 0 : i32
      %dma_start3A_629 = arith.constant 0 : i32
      %dma_start3A_630 = tpu.memref_slice %arg4[%select_n3A_620, %dma_start3A_627, %add3A_626, %dma_start3A_628, %dma_start3A_629] : memref<26x4x128x8x128xf32, #tpu.memory_space<hbm>> -> memref<1x4x1x8x128xf32, #tpu.memory_space<hbm>>
      %dma_start3A_631 = tpu.memref_squeeze %dma_start3A_630 : memref<1x4x1x8x128xf32, #tpu.memory_space<hbm>> -> memref<4x8x128xf32, #tpu.memory_space<hbm>>
      %dma_start3A_632 = arith.constant 0 : i32
      %dma_start3A_633 = arith.constant 0 : i32
      %dma_start3A_634 = arith.constant 0 : i32
      %dma_start3A_635 = tpu.memref_slice %arg4[%select_n3A_620, %dma_start3A_632, %add3A_626, %dma_start3A_633, %dma_start3A_634] : memref<26x4x128x8x128xf32, #tpu.memory_space<hbm>> -> memref<1x4x1x8x128xf32, #tpu.memory_space<hbm>>
      %dma_start3A_636 = tpu.memref_squeeze %dma_start3A_635 : memref<1x4x1x8x128xf32, #tpu.memory_space<hbm>> -> memref<4x8x128xf32, #tpu.memory_space<hbm>>
      tpu.enqueue_dma source(%arg11 : memref<4x8x128xf32, #tpu.memory_space<vmem>>) target(%dma_start3A_636 : memref<4x8x128xf32, #tpu.memory_space<hbm>>) target_semaphore(%arg15 : memref<!tpu.dma_semaphore, #tpu.memory_space<semaphore_mem>>)
      %add3A_637 = arith.constant 2 : i32
      %add3A_638 = arith.addi %add3A_547, %add3A_637 : i32
      %jit3A_639 = arith.constant 4 : i32
      %div3A_640 = arith.divsi %add3A_638, %jit3A_639 : i32
      %sign3A_641 = arith.constant 0 : i32
      %sign3A_642 = arith.cmpi sgt, %add3A_638, %sign3A_641 : i32
      %sign3A_643 = arith.extui %sign3A_642 : i1 to i32
      %sign3A_644 = arith.constant 0 : i32
      %sign3A_645 = arith.cmpi slt, %add3A_638, %sign3A_644 : i32
      %sign3A_646 = arith.extui %sign3A_645 : i1 to i32
      %sign3A_647 = arith.subi %sign3A_643, %sign3A_646 : i32
      %sign3A_648 = arith.constant 0 : i32
      %sign3A_649 = arith.cmpi sgt, %jit3A_639, %sign3A_648 : i32
      %sign3A_650 = arith.extui %sign3A_649 : i1 to i32
      %sign3A_651 = arith.constant 0 : i32
      %sign3A_652 = arith.cmpi slt, %jit3A_639, %sign3A_651 : i32
      %sign3A_653 = arith.extui %sign3A_652 : i1 to i32
      %sign3A_654 = arith.subi %sign3A_650, %sign3A_653 : i32
      %ne3A_655 = arith.cmpi ne, %sign3A_647, %sign3A_654 : i32
      %rem3A_656 = arith.remsi %add3A_638, %jit3A_639 : i32
      %ne3A_657 = arith.constant 0 : i32
      %ne3A_658 = arith.cmpi ne, %rem3A_656, %ne3A_657 : i32
      %and3A_659 = arith.andi %ne3A_655, %ne3A_658 : i1
      %sub3A_660 = arith.constant 1 : i32
      %sub3A_661 = arith.subi %div3A_640, %sub3A_660 : i32
      %select_n3A_662 = arith.select %and3A_659, %sub3A_661, %div3A_640 : i32
      %mul3A_663 = arith.constant 4 : i32
      %mul3A_664 = arith.muli %select_n3A_662, %mul3A_663 : i32
      %sub3A_665 = arith.subi %add3A_638, %mul3A_664 : i32
      %mul3A_666 = arith.constant 3328 : i32
      %mul3A_667 = arith.muli %sub3A_665, %mul3A_666 : i32
      %add3A_668 = arith.addi %mul3A_667, %select_n3A_662 : i32
      %add3A_669 = arith.constant 0 : i32
      %add3A_670 = arith.addi %add3A_668, %add3A_669 : i32
      %add3A_671 = vector.broadcast %add3A_670 : i32 to vector<16xi32>
      %add3A_672 = arith.addi %mul3A_3, %add3A_671 : vector<16xi32>
      %gather3A_673 = tpu.vector_load_idx %arg5[%add3A_672] : memref<13312xi32, #tpu.memory_space<vmem>>[vector<16xi32>], vector<16xi32>,
      %swap3A_674 = arith.constant 0 : index
      %swap3A_675 = tpu.vector_load %arg7[%swap3A_674] {strides = array<i32>} : memref<128xi32, #tpu.memory_space<vmem>>, vector<16xi32>,
      tpu.vector_store %arg7[%swap3A_674], %gather3A_673 {strides = array<i32>} : memref<128xi32, #tpu.memory_space<vmem>>, vector<16xi32>,
      %add3A_676 = arith.constant 416 : i32
      %add3A_677 = arith.addi %add3A_668, %add3A_676 : i32
      %add3A_678 = vector.broadcast %add3A_677 : i32 to vector<16xi32>
      %add3A_679 = arith.addi %mul3A_3, %add3A_678 : vector<16xi32>
      %gather3A_680 = tpu.vector_load_idx %arg5[%add3A_679] : memref<13312xi32, #tpu.memory_space<vmem>>[vector<16xi32>], vector<16xi32>,
      %swap3A_681 = arith.constant 16 : index
      %swap3A_682 = tpu.vector_load %arg7[%swap3A_681] {strides = array<i32>} : memref<128xi32, #tpu.memory_space<vmem>>, vector<16xi32>,
      tpu.vector_store %arg7[%swap3A_681], %gather3A_680 {strides = array<i32>} : memref<128xi32, #tpu.memory_space<vmem>>, vector<16xi32>,
      %add3A_683 = arith.constant 832 : i32
      %add3A_684 = arith.addi %add3A_668, %add3A_683 : i32
      %add3A_685 = vector.broadcast %add3A_684 : i32 to vector<16xi32>
      %add3A_686 = arith.addi %mul3A_3, %add3A_685 : vector<16xi32>
      %gather3A_687 = tpu.vector_load_idx %arg5[%add3A_686] : memref<13312xi32, #tpu.memory_space<vmem>>[vector<16xi32>], vector<16xi32>,
      %swap3A_688 = arith.constant 32 : index
      %swap3A_689 = tpu.vector_load %arg7[%swap3A_688] {strides = array<i32>} : memref<128xi32, #tpu.memory_space<vmem>>, vector<16xi32>,
      tpu.vector_store %arg7[%swap3A_688], %gather3A_687 {strides = array<i32>} : memref<128xi32, #tpu.memory_space<vmem>>, vector<16xi32>,
      %add3A_690 = arith.constant 1248 : i32
      %add3A_691 = arith.addi %add3A_668, %add3A_690 : i32
      %add3A_692 = vector.broadcast %add3A_691 : i32 to vector<16xi32>
      %add3A_693 = arith.addi %mul3A_3, %add3A_692 : vector<16xi32>
      %gather3A_694 = tpu.vector_load_idx %arg5[%add3A_693] : memref<13312xi32, #tpu.memory_space<vmem>>[vector<16xi32>], vector<16xi32>,
      %swap3A_695 = arith.constant 48 : index
      %swap3A_696 = tpu.vector_load %arg7[%swap3A_695] {strides = array<i32>} : memref<128xi32, #tpu.memory_space<vmem>>, vector<16xi32>,
      tpu.vector_store %arg7[%swap3A_695], %gather3A_694 {strides = array<i32>} : memref<128xi32, #tpu.memory_space<vmem>>, vector<16xi32>,
      %add3A_697 = arith.constant 1664 : i32
      %add3A_698 = arith.addi %add3A_668, %add3A_697 : i32
      %add3A_699 = vector.broadcast %add3A_698 : i32 to vector<16xi32>
      %add3A_700 = arith.addi %mul3A_3, %add3A_699 : vector<16xi32>
      %gather3A_701 = tpu.vector_load_idx %arg5[%add3A_700] : memref<13312xi32, #tpu.memory_space<vmem>>[vector<16xi32>], vector<16xi32>,
      %swap3A_702 = arith.constant 64 : index
      %swap3A_703 = tpu.vector_load %arg7[%swap3A_702] {strides = array<i32>} : memref<128xi32, #tpu.memory_space<vmem>>, vector<16xi32>,
      tpu.vector_store %arg7[%swap3A_702], %gather3A_701 {strides = array<i32>} : memref<128xi32, #tpu.memory_space<vmem>>, vector<16xi32>,
      %add3A_704 = arith.constant 2080 : i32
      %add3A_705 = arith.addi %add3A_668, %add3A_704 : i32
      %add3A_706 = vector.broadcast %add3A_705 : i32 to vector<16xi32>
      %add3A_707 = arith.addi %mul3A_3, %add3A_706 : vector<16xi32>
      %gather3A_708 = tpu.vector_load_idx %arg5[%add3A_707] : memref<13312xi32, #tpu.memory_space<vmem>>[vector<16xi32>], vector<16xi32>,
      %swap3A_709 = arith.constant 80 : index
      %swap3A_710 = tpu.vector_load %arg7[%swap3A_709] {strides = array<i32>} : memref<128xi32, #tpu.memory_space<vmem>>, vector<16xi32>,
      tpu.vector_store %arg7[%swap3A_709], %gather3A_708 {strides = array<i32>} : memref<128xi32, #tpu.memory_space<vmem>>, vector<16xi32>,
      %add3A_711 = arith.constant 2496 : i32
      %add3A_712 = arith.addi %add3A_668, %add3A_711 : i32
      %add3A_713 = vector.broadcast %add3A_712 : i32 to vector<16xi32>
      %add3A_714 = arith.addi %mul3A_3, %add3A_713 : vector<16xi32>
      %gather3A_715 = tpu.vector_load_idx %arg5[%add3A_714] : memref<13312xi32, #tpu.memory_space<vmem>>[vector<16xi32>], vector<16xi32>,
      %swap3A_716 = arith.constant 96 : index
      %swap3A_717 = tpu.vector_load %arg7[%swap3A_716] {strides = array<i32>} : memref<128xi32, #tpu.memory_space<vmem>>, vector<16xi32>,
      tpu.vector_store %arg7[%swap3A_716], %gather3A_715 {strides = array<i32>} : memref<128xi32, #tpu.memory_space<vmem>>, vector<16xi32>,
      %add3A_718 = arith.constant 2912 : i32
      %add3A_719 = arith.addi %add3A_668, %add3A_718 : i32
      %add3A_720 = vector.broadcast %add3A_719 : i32 to vector<16xi32>
      %add3A_721 = arith.addi %mul3A_3, %add3A_720 : vector<16xi32>
      %gather3A_722 = tpu.vector_load_idx %arg5[%add3A_721] : memref<13312xi32, #tpu.memory_space<vmem>>[vector<16xi32>], vector<16xi32>,
      %swap3A_723 = arith.constant 112 : index
      %swap3A_724 = tpu.vector_load %arg7[%swap3A_723] {strides = array<i32>} : memref<128xi32, #tpu.memory_space<vmem>>, vector<16xi32>,
      tpu.vector_store %arg7[%swap3A_723], %gather3A_722 {strides = array<i32>} : memref<128xi32, #tpu.memory_space<vmem>>, vector<16xi32>,
      %dma_start3A_725 = arith.constant 0 : i32
      %dma_start3A_726 = arith.constant 0 : i32
      %dma_start3A_727 = tpu.memref_slice %arg3[%dma_start3A_725, %dma_start3A_726] : memref<1000000x32xf32, #tpu.memory_space<hbm>> -> memref<1000000x32xf32, #tpu.memory_space<hbm>>
      tpu.enqueue_indirect_dma source(%dma_start3A_727 : memref<1000000x32xf32, #tpu.memory_space<hbm>>) target(%arg9 : memref<128x32xf32, #tpu.memory_space<vmem>>) offsets(%arg7 : memref<128xi32, #tpu.memory_space<vmem>>) semaphore(%arg13 : memref<!tpu.dma_semaphore, #tpu.memory_space<semaphore_mem>>)
    }
    %scan3A_258 = arith.constant 50 : i32
    %dma_wait3A_259 = arith.constant 0 : i32
    %dma_wait3A_260 = arith.constant 0 : i32
    %dma_wait3A_261 = tpu.memref_slice %arg3[%dma_wait3A_259, %dma_wait3A_260] : memref<1000000x32xf32, #tpu.memory_space<hbm>> -> memref<1000000x32xf32, #tpu.memory_space<hbm>>
    tpu.wait_indirect_dma semaphore(%arg12 : memref<!tpu.dma_semaphore, #tpu.memory_space<semaphore_mem>>) src(%dma_wait3A_261 : memref<1000000x32xf32, #tpu.memory_space<hbm>>) dst(%arg8 : memref<128x32xf32, #tpu.memory_space<vmem>>)
    %mul3A_262 = arith.constant 4 : i32
    %mul3A_263 = arith.muli %add3A, %mul3A_262 : i32
    %add3A_264 = arith.constant 2 : i32
    %add3A_265 = arith.addi %mul3A_263, %add3A_264 : i32
    %dma_wait3A_266 = arith.constant 25 : i32
    %dma_wait3A_267 = arith.constant 0 : i32
    %dma_wait3A_268 = arith.constant 0 : i32
    %dma_wait3A_269 = arith.constant 0 : i32
    %dma_wait3A_270 = tpu.memref_slice %arg4[%dma_wait3A_266, %dma_wait3A_267, %add3A_265, %dma_wait3A_268, %dma_wait3A_269] : memref<26x4x128x8x128xf32, #tpu.memory_space<hbm>> -> memref<1x4x1x8x128xf32, #tpu.memory_space<hbm>>
    %dma_wait3A_271 = tpu.memref_squeeze %dma_wait3A_270 : memref<1x4x1x8x128xf32, #tpu.memory_space<hbm>> -> memref<4x8x128xf32, #tpu.memory_space<hbm>>
    %dma_wait3A_272 = arith.constant 0 : i32
    %dma_wait3A_273 = arith.constant 0 : i32
    %dma_wait3A_274 = arith.constant 0 : i32
    %dma_wait3A_275 = tpu.memref_slice %arg4[%dma_wait3A_266, %dma_wait3A_272, %add3A_265, %dma_wait3A_273, %dma_wait3A_274] : memref<26x4x128x8x128xf32, #tpu.memory_space<hbm>> -> memref<1x4x1x8x128xf32, #tpu.memory_space<hbm>>
    %dma_wait3A_276 = tpu.memref_squeeze %dma_wait3A_275 : memref<1x4x1x8x128xf32, #tpu.memory_space<hbm>> -> memref<4x8x128xf32, #tpu.memory_space<hbm>>
    tpu.wait_dma2 semaphore(%arg14 : memref<!tpu.dma_semaphore, #tpu.memory_space<semaphore_mem>>) src(%arg10 : memref<4x8x128xf32, #tpu.memory_space<vmem>>) dst(%dma_wait3A_276 : memref<4x8x128xf32, #tpu.memory_space<hbm>>)
    %scan3A_277 = arith.constant 0 : i32
    %scan3A_278 = arith.constant 0 : i32
    %scan3A_279 = arith.constant 16 : i32
    %scan3A_280 = arith.addi %scan3A_278, %scan3A_279 : i32
    %scan3A_281 = arith.constant 1 : i32
    scf.for %scan3A_367 = %scan3A_278 to %scan3A_280 step %scan3A_281  : i32 {
      %add3A_368 = vector.broadcast %scan3A_367 : i32 to vector<16xi32>
      %add3A_369 = arith.addi %iota3A, %add3A_368 : vector<16xi32>
      %and3A = arith.constant 15 : i32
      %and3A_370 = vector.broadcast %and3A : i32 to vector<16xi32>
      %and3A_371 = arith.andi %add3A_369, %and3A_370 : vector<16xi32>
      %add3A_372 = arith.constant 0 : i32
      %add3A_373 = vector.broadcast %add3A_372 : i32 to vector<16xi32>
      %add3A_374 = arith.addi %and3A_371, %add3A_373 : vector<16xi32>
      %shift_right_arithmetic3A = arith.constant 3 : i32
      %shift_right_arithmetic3A_375 = vector.broadcast %shift_right_arithmetic3A : i32 to vector<16xi32>
      %shift_right_arithmetic3A_376 = arith.shrsi %add3A_374, %shift_right_arithmetic3A_375 : vector<16xi32>
      %and3A_377 = arith.constant 7 : i32
      %and3A_378 = vector.broadcast %and3A_377 : i32 to vector<16xi32>
      %and3A_379 = arith.andi %add3A_374, %and3A_378 : vector<16xi32>
      %add3A_380 = arith.constant 0 : i32
      %add3A_381 = vector.broadcast %add3A_380 : i32 to vector<16xi32>
      %add3A_382 = arith.addi %iota3A, %add3A_381 : vector<16xi32>
      %gather3A_383 = tpu.vector_load_idx %arg8[%add3A_382, %add3A_374] : memref<128x32xf32, #tpu.memory_space<vmem>>[vector<16xi32>, vector<16xi32>], vector<16xf32>,
      tpu.vector_store_idx %arg10[%shift_right_arithmetic3A_376, %and3A_379, %add3A_382], %gather3A_383 : memref<4x8x128xf32, #tpu.memory_space<vmem>>[vector<16xi32>, vector<16xi32>, vector<16xi32>], vector<16xf32>,
      %add3A_384 = arith.constant 16 : i32
      %add3A_385 = vector.broadcast %add3A_384 : i32 to vector<16xi32>
      %add3A_386 = arith.addi %iota3A, %add3A_385 : vector<16xi32>
      %gather3A_387 = tpu.vector_load_idx %arg8[%add3A_386, %add3A_374] : memref<128x32xf32, #tpu.memory_space<vmem>>[vector<16xi32>, vector<16xi32>], vector<16xf32>,
      tpu.vector_store_idx %arg10[%shift_right_arithmetic3A_376, %and3A_379, %add3A_386], %gather3A_387 : memref<4x8x128xf32, #tpu.memory_space<vmem>>[vector<16xi32>, vector<16xi32>, vector<16xi32>], vector<16xf32>,
      %add3A_388 = arith.constant 32 : i32
      %add3A_389 = vector.broadcast %add3A_388 : i32 to vector<16xi32>
      %add3A_390 = arith.addi %iota3A, %add3A_389 : vector<16xi32>
      %gather3A_391 = tpu.vector_load_idx %arg8[%add3A_390, %add3A_374] : memref<128x32xf32, #tpu.memory_space<vmem>>[vector<16xi32>, vector<16xi32>], vector<16xf32>,
      tpu.vector_store_idx %arg10[%shift_right_arithmetic3A_376, %and3A_379, %add3A_390], %gather3A_391 : memref<4x8x128xf32, #tpu.memory_space<vmem>>[vector<16xi32>, vector<16xi32>, vector<16xi32>], vector<16xf32>,
      %add3A_392 = arith.constant 48 : i32
      %add3A_393 = vector.broadcast %add3A_392 : i32 to vector<16xi32>
      %add3A_394 = arith.addi %iota3A, %add3A_393 : vector<16xi32>
      %gather3A_395 = tpu.vector_load_idx %arg8[%add3A_394, %add3A_374] : memref<128x32xf32, #tpu.memory_space<vmem>>[vector<16xi32>, vector<16xi32>], vector<16xf32>,
      tpu.vector_store_idx %arg10[%shift_right_arithmetic3A_376, %and3A_379, %add3A_394], %gather3A_395 : memref<4x8x128xf32, #tpu.memory_space<vmem>>[vector<16xi32>, vector<16xi32>, vector<16xi32>], vector<16xf32>,
      %add3A_396 = arith.constant 64 : i32
      %add3A_397 = vector.broadcast %add3A_396 : i32 to vector<16xi32>
      %add3A_398 = arith.addi %iota3A, %add3A_397 : vector<16xi32>
      %gather3A_399 = tpu.vector_load_idx %arg8[%add3A_398, %add3A_374] : memref<128x32xf32, #tpu.memory_space<vmem>>[vector<16xi32>, vector<16xi32>], vector<16xf32>,
      tpu.vector_store_idx %arg10[%shift_right_arithmetic3A_376, %and3A_379, %add3A_398], %gather3A_399 : memref<4x8x128xf32, #tpu.memory_space<vmem>>[vector<16xi32>, vector<16xi32>, vector<16xi32>], vector<16xf32>,
      %add3A_400 = arith.constant 80 : i32
      %add3A_401 = vector.broadcast %add3A_400 : i32 to vector<16xi32>
      %add3A_402 = arith.addi %iota3A, %add3A_401 : vector<16xi32>
      %gather3A_403 = tpu.vector_load_idx %arg8[%add3A_402, %add3A_374] : memref<128x32xf32, #tpu.memory_space<vmem>>[vector<16xi32>, vector<16xi32>], vector<16xf32>,
      tpu.vector_store_idx %arg10[%shift_right_arithmetic3A_376, %and3A_379, %add3A_402], %gather3A_403 : memref<4x8x128xf32, #tpu.memory_space<vmem>>[vector<16xi32>, vector<16xi32>, vector<16xi32>], vector<16xf32>,
      %add3A_404 = arith.constant 96 : i32
      %add3A_405 = vector.broadcast %add3A_404 : i32 to vector<16xi32>
      %add3A_406 = arith.addi %iota3A, %add3A_405 : vector<16xi32>
      %gather3A_407 = tpu.vector_load_idx %arg8[%add3A_406, %add3A_374] : memref<128x32xf32, #tpu.memory_space<vmem>>[vector<16xi32>, vector<16xi32>], vector<16xf32>,
      tpu.vector_store_idx %arg10[%shift_right_arithmetic3A_376, %and3A_379, %add3A_406], %gather3A_407 : memref<4x8x128xf32, #tpu.memory_space<vmem>>[vector<16xi32>, vector<16xi32>, vector<16xi32>], vector<16xf32>,
      %add3A_408 = arith.constant 112 : i32
      %add3A_409 = vector.broadcast %add3A_408 : i32 to vector<16xi32>
      %add3A_410 = arith.addi %iota3A, %add3A_409 : vector<16xi32>
      %gather3A_411 = tpu.vector_load_idx %arg8[%add3A_410, %add3A_374] : memref<128x32xf32, #tpu.memory_space<vmem>>[vector<16xi32>, vector<16xi32>], vector<16xf32>,
      tpu.vector_store_idx %arg10[%shift_right_arithmetic3A_376, %and3A_379, %add3A_410], %gather3A_411 : memref<4x8x128xf32, #tpu.memory_space<vmem>>[vector<16xi32>, vector<16xi32>, vector<16xi32>], vector<16xf32>,
      %add3A_412 = arith.constant 16 : i32
      %add3A_413 = vector.broadcast %add3A_412 : i32 to vector<16xi32>
      %add3A_414 = arith.addi %and3A_371, %add3A_413 : vector<16xi32>
      %shift_right_arithmetic3A_415 = arith.constant 3 : i32
      %shift_right_arithmetic3A_416 = vector.broadcast %shift_right_arithmetic3A_415 : i32 to vector<16xi32>
      %shift_right_arithmetic3A_417 = arith.shrsi %add3A_414, %shift_right_arithmetic3A_416 : vector<16xi32>
      %and3A_418 = arith.constant 7 : i32
      %and3A_419 = vector.broadcast %and3A_418 : i32 to vector<16xi32>
      %and3A_420 = arith.andi %add3A_414, %and3A_419 : vector<16xi32>
      %add3A_421 = arith.constant 0 : i32
      %add3A_422 = vector.broadcast %add3A_421 : i32 to vector<16xi32>
      %add3A_423 = arith.addi %iota3A, %add3A_422 : vector<16xi32>
      %gather3A_424 = tpu.vector_load_idx %arg8[%add3A_423, %add3A_414] : memref<128x32xf32, #tpu.memory_space<vmem>>[vector<16xi32>, vector<16xi32>], vector<16xf32>,
      tpu.vector_store_idx %arg10[%shift_right_arithmetic3A_417, %and3A_420, %add3A_423], %gather3A_424 : memref<4x8x128xf32, #tpu.memory_space<vmem>>[vector<16xi32>, vector<16xi32>, vector<16xi32>], vector<16xf32>,
      %add3A_425 = arith.constant 16 : i32
      %add3A_426 = vector.broadcast %add3A_425 : i32 to vector<16xi32>
      %add3A_427 = arith.addi %iota3A, %add3A_426 : vector<16xi32>
      %gather3A_428 = tpu.vector_load_idx %arg8[%add3A_427, %add3A_414] : memref<128x32xf32, #tpu.memory_space<vmem>>[vector<16xi32>, vector<16xi32>], vector<16xf32>,
      tpu.vector_store_idx %arg10[%shift_right_arithmetic3A_417, %and3A_420, %add3A_427], %gather3A_428 : memref<4x8x128xf32, #tpu.memory_space<vmem>>[vector<16xi32>, vector<16xi32>, vector<16xi32>], vector<16xf32>,
      %add3A_429 = arith.constant 32 : i32
      %add3A_430 = vector.broadcast %add3A_429 : i32 to vector<16xi32>
      %add3A_431 = arith.addi %iota3A, %add3A_430 : vector<16xi32>
      %gather3A_432 = tpu.vector_load_idx %arg8[%add3A_431, %add3A_414] : memref<128x32xf32, #tpu.memory_space<vmem>>[vector<16xi32>, vector<16xi32>], vector<16xf32>,
      tpu.vector_store_idx %arg10[%shift_right_arithmetic3A_417, %and3A_420, %add3A_431], %gather3A_432 : memref<4x8x128xf32, #tpu.memory_space<vmem>>[vector<16xi32>, vector<16xi32>, vector<16xi32>], vector<16xf32>,
      %add3A_433 = arith.constant 48 : i32
      %add3A_434 = vector.broadcast %add3A_433 : i32 to vector<16xi32>
      %add3A_435 = arith.addi %iota3A, %add3A_434 : vector<16xi32>
      %gather3A_436 = tpu.vector_load_idx %arg8[%add3A_435, %add3A_414] : memref<128x32xf32, #tpu.memory_space<vmem>>[vector<16xi32>, vector<16xi32>], vector<16xf32>,
      tpu.vector_store_idx %arg10[%shift_right_arithmetic3A_417, %and3A_420, %add3A_435], %gather3A_436 : memref<4x8x128xf32, #tpu.memory_space<vmem>>[vector<16xi32>, vector<16xi32>, vector<16xi32>], vector<16xf32>,
      %add3A_437 = arith.constant 64 : i32
      %add3A_438 = vector.broadcast %add3A_437 : i32 to vector<16xi32>
      %add3A_439 = arith.addi %iota3A, %add3A_438 : vector<16xi32>
      %gather3A_440 = tpu.vector_load_idx %arg8[%add3A_439, %add3A_414] : memref<128x32xf32, #tpu.memory_space<vmem>>[vector<16xi32>, vector<16xi32>], vector<16xf32>,
      tpu.vector_store_idx %arg10[%shift_right_arithmetic3A_417, %and3A_420, %add3A_439], %gather3A_440 : memref<4x8x128xf32, #tpu.memory_space<vmem>>[vector<16xi32>, vector<16xi32>, vector<16xi32>], vector<16xf32>,
      %add3A_441 = arith.constant 80 : i32
      %add3A_442 = vector.broadcast %add3A_441 : i32 to vector<16xi32>
      %add3A_443 = arith.addi %iota3A, %add3A_442 : vector<16xi32>
      %gather3A_444 = tpu.vector_load_idx %arg8[%add3A_443, %add3A_414] : memref<128x32xf32, #tpu.memory_space<vmem>>[vector<16xi32>, vector<16xi32>], vector<16xf32>,
      tpu.vector_store_idx %arg10[%shift_right_arithmetic3A_417, %and3A_420, %add3A_443], %gather3A_444 : memref<4x8x128xf32, #tpu.memory_space<vmem>>[vector<16xi32>, vector<16xi32>, vector<16xi32>], vector<16xf32>,
      %add3A_445 = arith.constant 96 : i32
      %add3A_446 = vector.broadcast %add3A_445 : i32 to vector<16xi32>
      %add3A_447 = arith.addi %iota3A, %add3A_446 : vector<16xi32>
      %gather3A_448 = tpu.vector_load_idx %arg8[%add3A_447, %add3A_414] : memref<128x32xf32, #tpu.memory_space<vmem>>[vector<16xi32>, vector<16xi32>], vector<16xf32>,
      tpu.vector_store_idx %arg10[%shift_right_arithmetic3A_417, %and3A_420, %add3A_447], %gather3A_448 : memref<4x8x128xf32, #tpu.memory_space<vmem>>[vector<16xi32>, vector<16xi32>, vector<16xi32>], vector<16xf32>,
      %add3A_449 = arith.constant 112 : i32
      %add3A_450 = vector.broadcast %add3A_449 : i32 to vector<16xi32>
      %add3A_451 = arith.addi %iota3A, %add3A_450 : vector<16xi32>
      %gather3A_452 = tpu.vector_load_idx %arg8[%add3A_451, %add3A_414] : memref<128x32xf32, #tpu.memory_space<vmem>>[vector<16xi32>, vector<16xi32>], vector<16xf32>,
      tpu.vector_store_idx %arg10[%shift_right_arithmetic3A_417, %and3A_420, %add3A_451], %gather3A_452 : memref<4x8x128xf32, #tpu.memory_space<vmem>>[vector<16xi32>, vector<16xi32>, vector<16xi32>], vector<16xf32>,
    }
    %scan3A_282 = arith.constant 16 : i32
    %mul3A_283 = arith.constant 4 : i32
    %mul3A_284 = arith.muli %add3A, %mul3A_283 : i32
    %add3A_285 = arith.constant 2 : i32
    %add3A_286 = arith.addi %mul3A_284, %add3A_285 : i32
    %dma_start3A_287 = arith.constant 25 : i32
    %dma_start3A_288 = arith.constant 0 : i32
    %dma_start3A_289 = arith.constant 0 : i32
    %dma_start3A_290 = arith.constant 0 : i32
    %dma_start3A_291 = tpu.memref_slice %arg4[%dma_start3A_287, %dma_start3A_288, %add3A_286, %dma_start3A_289, %dma_start3A_290] : memref<26x4x128x8x128xf32, #tpu.memory_space<hbm>> -> memref<1x4x1x8x128xf32, #tpu.memory_space<hbm>>
    %dma_start3A_292 = tpu.memref_squeeze %dma_start3A_291 : memref<1x4x1x8x128xf32, #tpu.memory_space<hbm>> -> memref<4x8x128xf32, #tpu.memory_space<hbm>>
    %dma_start3A_293 = arith.constant 0 : i32
    %dma_start3A_294 = arith.constant 0 : i32
    %dma_start3A_295 = arith.constant 0 : i32
    %dma_start3A_296 = tpu.memref_slice %arg4[%dma_start3A_287, %dma_start3A_293, %add3A_286, %dma_start3A_294, %dma_start3A_295] : memref<26x4x128x8x128xf32, #tpu.memory_space<hbm>> -> memref<1x4x1x8x128xf32, #tpu.memory_space<hbm>>
    %dma_start3A_297 = tpu.memref_squeeze %dma_start3A_296 : memref<1x4x1x8x128xf32, #tpu.memory_space<hbm>> -> memref<4x8x128xf32, #tpu.memory_space<hbm>>
    tpu.enqueue_dma source(%arg10 : memref<4x8x128xf32, #tpu.memory_space<vmem>>) target(%dma_start3A_297 : memref<4x8x128xf32, #tpu.memory_space<hbm>>) target_semaphore(%arg14 : memref<!tpu.dma_semaphore, #tpu.memory_space<semaphore_mem>>)
    %dma_wait3A_298 = arith.constant 0 : i32
    %dma_wait3A_299 = arith.constant 0 : i32
    %dma_wait3A_300 = tpu.memref_slice %arg3[%dma_wait3A_298, %dma_wait3A_299] : memref<1000000x32xf32, #tpu.memory_space<hbm>> -> memref<1000000x32xf32, #tpu.memory_space<hbm>>
    tpu.wait_indirect_dma semaphore(%arg13 : memref<!tpu.dma_semaphore, #tpu.memory_space<semaphore_mem>>) src(%dma_wait3A_300 : memref<1000000x32xf32, #tpu.memory_space<hbm>>) dst(%arg9 : memref<128x32xf32, #tpu.memory_space<vmem>>)
    %mul3A_301 = arith.constant 4 : i32
    %mul3A_302 = arith.muli %add3A, %mul3A_301 : i32
    %add3A_303 = arith.constant 3 : i32
    %add3A_304 = arith.addi %mul3A_302, %add3A_303 : i32
    %dma_wait3A_305 = arith.constant 25 : i32
    %dma_wait3A_306 = arith.constant 0 : i32
    %dma_wait3A_307 = arith.constant 0 : i32
    %dma_wait3A_308 = arith.constant 0 : i32
    %dma_wait3A_309 = tpu.memref_slice %arg4[%dma_wait3A_305, %dma_wait3A_306, %add3A_304, %dma_wait3A_307, %dma_wait3A_308] : memref<26x4x128x8x128xf32, #tpu.memory_space<hbm>> -> memref<1x4x1x8x128xf32, #tpu.memory_space<hbm>>
    %dma_wait3A_310 = tpu.memref_squeeze %dma_wait3A_309 : memref<1x4x1x8x128xf32, #tpu.memory_space<hbm>> -> memref<4x8x128xf32, #tpu.memory_space<hbm>>
    %dma_wait3A_311 = arith.constant 0 : i32
    %dma_wait3A_312 = arith.constant 0 : i32
    %dma_wait3A_313 = arith.constant 0 : i32
    %dma_wait3A_314 = tpu.memref_slice %arg4[%dma_wait3A_305, %dma_wait3A_311, %add3A_304, %dma_wait3A_312, %dma_wait3A_313] : memref<26x4x128x8x128xf32, #tpu.memory_space<hbm>> -> memref<1x4x1x8x128xf32, #tpu.memory_space<hbm>>
    %dma_wait3A_315 = tpu.memref_squeeze %dma_wait3A_314 : memref<1x4x1x8x128xf32, #tpu.memory_space<hbm>> -> memref<4x8x128xf32, #tpu.memory_space<hbm>>
    tpu.wait_dma2 semaphore(%arg15 : memref<!tpu.dma_semaphore, #tpu.memory_space<semaphore_mem>>) src(%arg11 : memref<4x8x128xf32, #tpu.memory_space<vmem>>) dst(%dma_wait3A_315 : memref<4x8x128xf32, #tpu.memory_space<hbm>>)
    %scan3A_316 = arith.constant 0 : i32
    %scan3A_317 = arith.constant 0 : i32
    %scan3A_318 = arith.constant 16 : i32
    %scan3A_319 = arith.addi %scan3A_317, %scan3A_318 : i32
    %scan3A_320 = arith.constant 1 : i32
    scf.for %scan3A_367 = %scan3A_317 to %scan3A_319 step %scan3A_320  : i32 {
      %add3A_368 = vector.broadcast %scan3A_367 : i32 to vector<16xi32>
      %add3A_369 = arith.addi %iota3A, %add3A_368 : vector<16xi32>
      %and3A = arith.constant 15 : i32
      %and3A_370 = vector.broadcast %and3A : i32 to vector<16xi32>
      %and3A_371 = arith.andi %add3A_369, %and3A_370 : vector<16xi32>
      %add3A_372 = arith.constant 0 : i32
      %add3A_373 = vector.broadcast %add3A_372 : i32 to vector<16xi32>
      %add3A_374 = arith.addi %and3A_371, %add3A_373 : vector<16xi32>
      %shift_right_arithmetic3A = arith.constant 3 : i32
      %shift_right_arithmetic3A_375 = vector.broadcast %shift_right_arithmetic3A : i32 to vector<16xi32>
      %shift_right_arithmetic3A_376 = arith.shrsi %add3A_374, %shift_right_arithmetic3A_375 : vector<16xi32>
      %and3A_377 = arith.constant 7 : i32
      %and3A_378 = vector.broadcast %and3A_377 : i32 to vector<16xi32>
      %and3A_379 = arith.andi %add3A_374, %and3A_378 : vector<16xi32>
      %add3A_380 = arith.constant 0 : i32
      %add3A_381 = vector.broadcast %add3A_380 : i32 to vector<16xi32>
      %add3A_382 = arith.addi %iota3A, %add3A_381 : vector<16xi32>
      %gather3A_383 = tpu.vector_load_idx %arg9[%add3A_382, %add3A_374] : memref<128x32xf32, #tpu.memory_space<vmem>>[vector<16xi32>, vector<16xi32>], vector<16xf32>,
      tpu.vector_store_idx %arg11[%shift_right_arithmetic3A_376, %and3A_379, %add3A_382], %gather3A_383 : memref<4x8x128xf32, #tpu.memory_space<vmem>>[vector<16xi32>, vector<16xi32>, vector<16xi32>], vector<16xf32>,
      %add3A_384 = arith.constant 16 : i32
      %add3A_385 = vector.broadcast %add3A_384 : i32 to vector<16xi32>
      %add3A_386 = arith.addi %iota3A, %add3A_385 : vector<16xi32>
      %gather3A_387 = tpu.vector_load_idx %arg9[%add3A_386, %add3A_374] : memref<128x32xf32, #tpu.memory_space<vmem>>[vector<16xi32>, vector<16xi32>], vector<16xf32>,
      tpu.vector_store_idx %arg11[%shift_right_arithmetic3A_376, %and3A_379, %add3A_386], %gather3A_387 : memref<4x8x128xf32, #tpu.memory_space<vmem>>[vector<16xi32>, vector<16xi32>, vector<16xi32>], vector<16xf32>,
      %add3A_388 = arith.constant 32 : i32
      %add3A_389 = vector.broadcast %add3A_388 : i32 to vector<16xi32>
      %add3A_390 = arith.addi %iota3A, %add3A_389 : vector<16xi32>
      %gather3A_391 = tpu.vector_load_idx %arg9[%add3A_390, %add3A_374] : memref<128x32xf32, #tpu.memory_space<vmem>>[vector<16xi32>, vector<16xi32>], vector<16xf32>,
      tpu.vector_store_idx %arg11[%shift_right_arithmetic3A_376, %and3A_379, %add3A_390], %gather3A_391 : memref<4x8x128xf32, #tpu.memory_space<vmem>>[vector<16xi32>, vector<16xi32>, vector<16xi32>], vector<16xf32>,
      %add3A_392 = arith.constant 48 : i32
      %add3A_393 = vector.broadcast %add3A_392 : i32 to vector<16xi32>
      %add3A_394 = arith.addi %iota3A, %add3A_393 : vector<16xi32>
      %gather3A_395 = tpu.vector_load_idx %arg9[%add3A_394, %add3A_374] : memref<128x32xf32, #tpu.memory_space<vmem>>[vector<16xi32>, vector<16xi32>], vector<16xf32>,
      tpu.vector_store_idx %arg11[%shift_right_arithmetic3A_376, %and3A_379, %add3A_394], %gather3A_395 : memref<4x8x128xf32, #tpu.memory_space<vmem>>[vector<16xi32>, vector<16xi32>, vector<16xi32>], vector<16xf32>,
      %add3A_396 = arith.constant 64 : i32
      %add3A_397 = vector.broadcast %add3A_396 : i32 to vector<16xi32>
      %add3A_398 = arith.addi %iota3A, %add3A_397 : vector<16xi32>
      %gather3A_399 = tpu.vector_load_idx %arg9[%add3A_398, %add3A_374] : memref<128x32xf32, #tpu.memory_space<vmem>>[vector<16xi32>, vector<16xi32>], vector<16xf32>,
      tpu.vector_store_idx %arg11[%shift_right_arithmetic3A_376, %and3A_379, %add3A_398], %gather3A_399 : memref<4x8x128xf32, #tpu.memory_space<vmem>>[vector<16xi32>, vector<16xi32>, vector<16xi32>], vector<16xf32>,
      %add3A_400 = arith.constant 80 : i32
      %add3A_401 = vector.broadcast %add3A_400 : i32 to vector<16xi32>
      %add3A_402 = arith.addi %iota3A, %add3A_401 : vector<16xi32>
      %gather3A_403 = tpu.vector_load_idx %arg9[%add3A_402, %add3A_374] : memref<128x32xf32, #tpu.memory_space<vmem>>[vector<16xi32>, vector<16xi32>], vector<16xf32>,
      tpu.vector_store_idx %arg11[%shift_right_arithmetic3A_376, %and3A_379, %add3A_402], %gather3A_403 : memref<4x8x128xf32, #tpu.memory_space<vmem>>[vector<16xi32>, vector<16xi32>, vector<16xi32>], vector<16xf32>,
      %add3A_404 = arith.constant 96 : i32
      %add3A_405 = vector.broadcast %add3A_404 : i32 to vector<16xi32>
      %add3A_406 = arith.addi %iota3A, %add3A_405 : vector<16xi32>
      %gather3A_407 = tpu.vector_load_idx %arg9[%add3A_406, %add3A_374] : memref<128x32xf32, #tpu.memory_space<vmem>>[vector<16xi32>, vector<16xi32>], vector<16xf32>,
      tpu.vector_store_idx %arg11[%shift_right_arithmetic3A_376, %and3A_379, %add3A_406], %gather3A_407 : memref<4x8x128xf32, #tpu.memory_space<vmem>>[vector<16xi32>, vector<16xi32>, vector<16xi32>], vector<16xf32>,
      %add3A_408 = arith.constant 112 : i32
      %add3A_409 = vector.broadcast %add3A_408 : i32 to vector<16xi32>
      %add3A_410 = arith.addi %iota3A, %add3A_409 : vector<16xi32>
      %gather3A_411 = tpu.vector_load_idx %arg9[%add3A_410, %add3A_374] : memref<128x32xf32, #tpu.memory_space<vmem>>[vector<16xi32>, vector<16xi32>], vector<16xf32>,
      tpu.vector_store_idx %arg11[%shift_right_arithmetic3A_376, %and3A_379, %add3A_410], %gather3A_411 : memref<4x8x128xf32, #tpu.memory_space<vmem>>[vector<16xi32>, vector<16xi32>, vector<16xi32>], vector<16xf32>,
      %add3A_412 = arith.constant 16 : i32
      %add3A_413 = vector.broadcast %add3A_412 : i32 to vector<16xi32>
      %add3A_414 = arith.addi %and3A_371, %add3A_413 : vector<16xi32>
      %shift_right_arithmetic3A_415 = arith.constant 3 : i32
      %shift_right_arithmetic3A_416 = vector.broadcast %shift_right_arithmetic3A_415 : i32 to vector<16xi32>
      %shift_right_arithmetic3A_417 = arith.shrsi %add3A_414, %shift_right_arithmetic3A_416 : vector<16xi32>
      %and3A_418 = arith.constant 7 : i32
      %and3A_419 = vector.broadcast %and3A_418 : i32 to vector<16xi32>
      %and3A_420 = arith.andi %add3A_414, %and3A_419 : vector<16xi32>
      %add3A_421 = arith.constant 0 : i32
      %add3A_422 = vector.broadcast %add3A_421 : i32 to vector<16xi32>
      %add3A_423 = arith.addi %iota3A, %add3A_422 : vector<16xi32>
      %gather3A_424 = tpu.vector_load_idx %arg9[%add3A_423, %add3A_414] : memref<128x32xf32, #tpu.memory_space<vmem>>[vector<16xi32>, vector<16xi32>], vector<16xf32>,
      tpu.vector_store_idx %arg11[%shift_right_arithmetic3A_417, %and3A_420, %add3A_423], %gather3A_424 : memref<4x8x128xf32, #tpu.memory_space<vmem>>[vector<16xi32>, vector<16xi32>, vector<16xi32>], vector<16xf32>,
      %add3A_425 = arith.constant 16 : i32
      %add3A_426 = vector.broadcast %add3A_425 : i32 to vector<16xi32>
      %add3A_427 = arith.addi %iota3A, %add3A_426 : vector<16xi32>
      %gather3A_428 = tpu.vector_load_idx %arg9[%add3A_427, %add3A_414] : memref<128x32xf32, #tpu.memory_space<vmem>>[vector<16xi32>, vector<16xi32>], vector<16xf32>,
      tpu.vector_store_idx %arg11[%shift_right_arithmetic3A_417, %and3A_420, %add3A_427], %gather3A_428 : memref<4x8x128xf32, #tpu.memory_space<vmem>>[vector<16xi32>, vector<16xi32>, vector<16xi32>], vector<16xf32>,
      %add3A_429 = arith.constant 32 : i32
      %add3A_430 = vector.broadcast %add3A_429 : i32 to vector<16xi32>
      %add3A_431 = arith.addi %iota3A, %add3A_430 : vector<16xi32>
      %gather3A_432 = tpu.vector_load_idx %arg9[%add3A_431, %add3A_414] : memref<128x32xf32, #tpu.memory_space<vmem>>[vector<16xi32>, vector<16xi32>], vector<16xf32>,
      tpu.vector_store_idx %arg11[%shift_right_arithmetic3A_417, %and3A_420, %add3A_431], %gather3A_432 : memref<4x8x128xf32, #tpu.memory_space<vmem>>[vector<16xi32>, vector<16xi32>, vector<16xi32>], vector<16xf32>,
      %add3A_433 = arith.constant 48 : i32
      %add3A_434 = vector.broadcast %add3A_433 : i32 to vector<16xi32>
      %add3A_435 = arith.addi %iota3A, %add3A_434 : vector<16xi32>
      %gather3A_436 = tpu.vector_load_idx %arg9[%add3A_435, %add3A_414] : memref<128x32xf32, #tpu.memory_space<vmem>>[vector<16xi32>, vector<16xi32>], vector<16xf32>,
      tpu.vector_store_idx %arg11[%shift_right_arithmetic3A_417, %and3A_420, %add3A_435], %gather3A_436 : memref<4x8x128xf32, #tpu.memory_space<vmem>>[vector<16xi32>, vector<16xi32>, vector<16xi32>], vector<16xf32>,
      %add3A_437 = arith.constant 64 : i32
      %add3A_438 = vector.broadcast %add3A_437 : i32 to vector<16xi32>
      %add3A_439 = arith.addi %iota3A, %add3A_438 : vector<16xi32>
      %gather3A_440 = tpu.vector_load_idx %arg9[%add3A_439, %add3A_414] : memref<128x32xf32, #tpu.memory_space<vmem>>[vector<16xi32>, vector<16xi32>], vector<16xf32>,
      tpu.vector_store_idx %arg11[%shift_right_arithmetic3A_417, %and3A_420, %add3A_439], %gather3A_440 : memref<4x8x128xf32, #tpu.memory_space<vmem>>[vector<16xi32>, vector<16xi32>, vector<16xi32>], vector<16xf32>,
      %add3A_441 = arith.constant 80 : i32
      %add3A_442 = vector.broadcast %add3A_441 : i32 to vector<16xi32>
      %add3A_443 = arith.addi %iota3A, %add3A_442 : vector<16xi32>
      %gather3A_444 = tpu.vector_load_idx %arg9[%add3A_443, %add3A_414] : memref<128x32xf32, #tpu.memory_space<vmem>>[vector<16xi32>, vector<16xi32>], vector<16xf32>,
      tpu.vector_store_idx %arg11[%shift_right_arithmetic3A_417, %and3A_420, %add3A_443], %gather3A_444 : memref<4x8x128xf32, #tpu.memory_space<vmem>>[vector<16xi32>, vector<16xi32>, vector<16xi32>], vector<16xf32>,
      %add3A_445 = arith.constant 96 : i32
      %add3A_446 = vector.broadcast %add3A_445 : i32 to vector<16xi32>
      %add3A_447 = arith.addi %iota3A, %add3A_446 : vector<16xi32>
      %gather3A_448 = tpu.vector_load_idx %arg9[%add3A_447, %add3A_414] : memref<128x32xf32, #tpu.memory_space<vmem>>[vector<16xi32>, vector<16xi32>], vector<16xf32>,
      tpu.vector_store_idx %arg11[%shift_right_arithmetic3A_417, %and3A_420, %add3A_447], %gather3A_448 : memref<4x8x128xf32, #tpu.memory_space<vmem>>[vector<16xi32>, vector<16xi32>, vector<16xi32>], vector<16xf32>,
      %add3A_449 = arith.constant 112 : i32
      %add3A_450 = vector.broadcast %add3A_449 : i32 to vector<16xi32>
      %add3A_451 = arith.addi %iota3A, %add3A_450 : vector<16xi32>
      %gather3A_452 = tpu.vector_load_idx %arg9[%add3A_451, %add3A_414] : memref<128x32xf32, #tpu.memory_space<vmem>>[vector<16xi32>, vector<16xi32>], vector<16xf32>,
      tpu.vector_store_idx %arg11[%shift_right_arithmetic3A_417, %and3A_420, %add3A_451], %gather3A_452 : memref<4x8x128xf32, #tpu.memory_space<vmem>>[vector<16xi32>, vector<16xi32>, vector<16xi32>], vector<16xf32>,
    }
    %scan3A_321 = arith.constant 16 : i32
    %mul3A_322 = arith.constant 4 : i32
    %mul3A_323 = arith.muli %add3A, %mul3A_322 : i32
    %add3A_324 = arith.constant 3 : i32
    %add3A_325 = arith.addi %mul3A_323, %add3A_324 : i32
    %dma_start3A_326 = arith.constant 25 : i32
    %dma_start3A_327 = arith.constant 0 : i32
    %dma_start3A_328 = arith.constant 0 : i32
    %dma_start3A_329 = arith.constant 0 : i32
    %dma_start3A_330 = tpu.memref_slice %arg4[%dma_start3A_326, %dma_start3A_327, %add3A_325, %dma_start3A_328, %dma_start3A_329] : memref<26x4x128x8x128xf32, #tpu.memory_space<hbm>> -> memref<1x4x1x8x128xf32, #tpu.memory_space<hbm>>
    %dma_start3A_331 = tpu.memref_squeeze %dma_start3A_330 : memref<1x4x1x8x128xf32, #tpu.memory_space<hbm>> -> memref<4x8x128xf32, #tpu.memory_space<hbm>>
    %dma_start3A_332 = arith.constant 0 : i32
    %dma_start3A_333 = arith.constant 0 : i32
    %dma_start3A_334 = arith.constant 0 : i32
    %dma_start3A_335 = tpu.memref_slice %arg4[%dma_start3A_326, %dma_start3A_332, %add3A_325, %dma_start3A_333, %dma_start3A_334] : memref<26x4x128x8x128xf32, #tpu.memory_space<hbm>> -> memref<1x4x1x8x128xf32, #tpu.memory_space<hbm>>
    %dma_start3A_336 = tpu.memref_squeeze %dma_start3A_335 : memref<1x4x1x8x128xf32, #tpu.memory_space<hbm>> -> memref<4x8x128xf32, #tpu.memory_space<hbm>>
    tpu.enqueue_dma source(%arg11 : memref<4x8x128xf32, #tpu.memory_space<vmem>>) target(%dma_start3A_336 : memref<4x8x128xf32, #tpu.memory_space<hbm>>) target_semaphore(%arg15 : memref<!tpu.dma_semaphore, #tpu.memory_space<semaphore_mem>>)
    %mul3A_337 = arith.constant 4 : i32
    %mul3A_338 = arith.muli %add3A, %mul3A_337 : i32
    %add3A_339 = arith.constant 2 : i32
    %add3A_340 = arith.addi %mul3A_338, %add3A_339 : i32
    %dma_wait3A_341 = arith.constant 25 : i32
    %dma_wait3A_342 = arith.constant 0 : i32
    %dma_wait3A_343 = arith.constant 0 : i32
    %dma_wait3A_344 = arith.constant 0 : i32
    %dma_wait3A_345 = tpu.memref_slice %arg4[%dma_wait3A_341, %dma_wait3A_342, %add3A_340, %dma_wait3A_343, %dma_wait3A_344] : memref<26x4x128x8x128xf32, #tpu.memory_space<hbm>> -> memref<1x4x1x8x128xf32, #tpu.memory_space<hbm>>
    %dma_wait3A_346 = tpu.memref_squeeze %dma_wait3A_345 : memref<1x4x1x8x128xf32, #tpu.memory_space<hbm>> -> memref<4x8x128xf32, #tpu.memory_space<hbm>>
    %dma_wait3A_347 = arith.constant 0 : i32
    %dma_wait3A_348 = arith.constant 0 : i32
    %dma_wait3A_349 = arith.constant 0 : i32
    %dma_wait3A_350 = tpu.memref_slice %arg4[%dma_wait3A_341, %dma_wait3A_347, %add3A_340, %dma_wait3A_348, %dma_wait3A_349] : memref<26x4x128x8x128xf32, #tpu.memory_space<hbm>> -> memref<1x4x1x8x128xf32, #tpu.memory_space<hbm>>
    %dma_wait3A_351 = tpu.memref_squeeze %dma_wait3A_350 : memref<1x4x1x8x128xf32, #tpu.memory_space<hbm>> -> memref<4x8x128xf32, #tpu.memory_space<hbm>>
    tpu.wait_dma2 semaphore(%arg14 : memref<!tpu.dma_semaphore, #tpu.memory_space<semaphore_mem>>) src(%arg10 : memref<4x8x128xf32, #tpu.memory_space<vmem>>) dst(%dma_wait3A_351 : memref<4x8x128xf32, #tpu.memory_space<hbm>>)
    %mul3A_352 = arith.constant 4 : i32
    %mul3A_353 = arith.muli %add3A, %mul3A_352 : i32
    %add3A_354 = arith.constant 3 : i32
    %add3A_355 = arith.addi %mul3A_353, %add3A_354 : i32
    %dma_wait3A_356 = arith.constant 25 : i32
    %dma_wait3A_357 = arith.constant 0 : i32
    %dma_wait3A_358 = arith.constant 0 : i32
    %dma_wait3A_359 = arith.constant 0 : i32
    %dma_wait3A_360 = tpu.memref_slice %arg4[%dma_wait3A_356, %dma_wait3A_357, %add3A_355, %dma_wait3A_358, %dma_wait3A_359] : memref<26x4x128x8x128xf32, #tpu.memory_space<hbm>> -> memref<1x4x1x8x128xf32, #tpu.memory_space<hbm>>
    %dma_wait3A_361 = tpu.memref_squeeze %dma_wait3A_360 : memref<1x4x1x8x128xf32, #tpu.memory_space<hbm>> -> memref<4x8x128xf32, #tpu.memory_space<hbm>>
    %dma_wait3A_362 = arith.constant 0 : i32
    %dma_wait3A_363 = arith.constant 0 : i32
    %dma_wait3A_364 = arith.constant 0 : i32
    %dma_wait3A_365 = tpu.memref_slice %arg4[%dma_wait3A_356, %dma_wait3A_362, %add3A_355, %dma_wait3A_363, %dma_wait3A_364] : memref<26x4x128x8x128xf32, #tpu.memory_space<hbm>> -> memref<1x4x1x8x128xf32, #tpu.memory_space<hbm>>
    %dma_wait3A_366 = tpu.memref_squeeze %dma_wait3A_365 : memref<1x4x1x8x128xf32, #tpu.memory_space<hbm>> -> memref<4x8x128xf32, #tpu.memory_space<hbm>>
    tpu.wait_dma2 semaphore(%arg15 : memref<!tpu.dma_semaphore, #tpu.memory_space<semaphore_mem>>) src(%arg11 : memref<4x8x128xf32, #tpu.memory_space<vmem>>) dst(%dma_wait3A_366 : memref<4x8x128xf32, #tpu.memory_space<hbm>>)
    return
  }
}

</mosaic_0001>

<sc_bundles>
// kernel: kernel.3.cloned.1.call-start
scs
__scs_entry_jumppad:
0x0: {  	(pc) =	sbr.rel $0x88, $3  }
0x1: {  	(tag) =	ssettag $0x0;
	lr =	simm.s32 $0x1  }
0x2: {  	[smem:$0x3F9F] =	sst lr;
	_ =	strace $0xD0000000  }
0x3: {  	_ = 	snop  }
0x4: {  	_ = 	snop  }
0x5: {  	_ = 	snop  }
0x6: {  	_ = 	snop  }
0x7: {  	_ = 	snop  }
__scs_overlays_trampoline_lowered:
0x8: {  	[smem:$0x3FAE] =	sst s0  }
0x9: {  	[smem:$0x3FAF] =	sst s1  }
0xa: {  	[smem:$0x3FB0] =	sst s2  }
0xb: {  	[smem:$0x3FB1] =	sst s3  }
0xc: {  	[smem:$0x3FB2] =	sst s4  }
0xd: {  	[smem:$0x3FB3] =	sst s5  }
0xe: {  	[smem:$0x3FB4] =	sst s6  }
0xf: {  	[smem:$0x3FB5] =	sst s7  }
0x10: {  	[smem:$0x3FB6] =	sst s8  }
0x11: {  	[smem:$0x3FB7] =	sst s9;
	s0 =	simm.s32 @!p0 $0x0  }
0x12: {  	s1 =	sld [smem:$0x3F9D];
	s0 =	simm.s32 @p0 $0x1  }
0x13: {  	[smem:$0x3FB8] =	sst s0;
	s0 =	simm.s32 @!p1 $0x0  }
0x14: {  	s2 =	sld [smem:$0x3F9C];
	s0 =	simm.s32 @p1 $0x1  }
0x15: {  	[smem:$0x3FB9] =	sst s0;
	s0 =	simm.s32 @!p2 $0x0  }
0x16: {  	s3 =	sld [smem:$0x3FDB];
	s0 =	simm.s32 @p2 $0x1  }
0x17: {  	s4 =	simm.s32 $0x1BF5;
	[smem:$0x3FBB] =	sst s0  }
0x18: {  	s0 =	sld [smem:$0x3F9E];
	_ =	swait.ge [sflag:s4], $0x0  }
0x19: {  	s7 =	sld [smem:$0x3F9F]  }
0x1a: {  	s8 =	sadd.s32 $0xFFFFE003, lr  }
0x1b: {  	s9 =	sadd.s32 $0xFFFFFEF7, lr;
	s5 =	simm.s32 $0xFFFFFFFF;
	p2 =	slt.u32 s8, $0xFFFFF086  }
0x1c: {  	p1 =	slt.u32 s9, $0xF7A;
	s5 =	simm.s32 @!p2 $0x0  }
0x1d: {  	s5 =	simm.s32 @p1 $0x1;
	p0 =	seq.s32 s7, s2  }
0x1e: {  	s7 =	smul.u32 @!p0 $0xF7A, s2;
	p2 =	seq.s32 @!p0 s5, $0x0  }
0x1f: {  	s9 =	smul.u32 $0xF7A, s1;
	s8 =	simm.s32 @!p0 $0x1BF5;
	p2 =	por !p2, p0  }
0x20: {  	[sflag:s8] =	ssyncset.s32 @!p0 $0xFFFFF086;
	s6 =	sadd.s32 @!p0 s3, s7;
	s7 =	simm.s32 @!p0 $0x108  }
0x21: {  	s3 =	sadd.s32 s3, s9;
	s6 =	sadd.s32 @!p0 $0x88, s6;
	s7 =	simm.s32 @p2 $0x1082  }
0x22: {  	[simem:s7], [sflag:s8] =	dma.local @!p0 [hbm:s6], $0xF7A  }
0x23: {  	s9 =	sor.u32 $0xD0000000, s2;
	s6 =	simm.s32 $0x108;
	_ =	swait.ge @!p0 [sflag:s8], $0x0  }
0x24: {  	s3 =	sadd.s32 $0x88, s3;
	s6 =	simm.s32 @!p1 $0x1082;
	[sflag:s4] =	ssyncset.s32 $0xFFFFF086  }
0x25: {  	[simem:s6], [sflag:s4] =	dma.local [hbm:s3], $0xF7A  }
0x26: {  	[smem:$0x3F9F] =	sst s1;
	(tag) =	ssettag s2;
	_ =	strace s9  }
0x27: {  	s1 =	sld [smem:$0x3FAF]  }
0x28: {  	s2 =	sld [smem:$0x3FB0]  }
0x29: {  	s4 =	sld [smem:$0x3FB2]  }
0x2a: {  	p0 =	seq.s32 s5, $0x0;
	s5 =	sld [smem:$0x3FB3]  }
0x2b: {  	s6 =	sld [smem:$0x3FB4]  }
0x2c: {  	s7 =	sld [smem:$0x3FB5]  }
0x2d: {  	s3 =	simm.s32 $0x108;
	s8 =	sld [smem:$0x3FB6]  }
0x2e: {  	s3 =	simm.s32 @!p0 $0x1082;
	s9 =	sld [smem:$0x3FB7]  }
0x2f: {  	lr =	sadd.s32 s0, s3;
	s0 =	sld [smem:$0x3FAE]  }
0x30: {  	s3 =	sld [smem:$0x3FB1]  }
0x31: {  	[smem:$0x3FBA] =	sst s10  }
0x32: {  	s10 =	sld [smem:$0x3FB8];
	_ =	sdelay $0x3  }
0x33: {  	p0 =	seq.s32 s10, $0x1;
	s10 =	sld [smem:$0x3FBA];
	_ =	sdelay $0x3  }
0x34: {  	[smem:$0x3FBA] =	sst s10  }
0x35: {  	s10 =	sld [smem:$0x3FB9];
	_ =	sdelay $0x3  }
0x36: {  	p1 =	seq.s32 s10, $0x1;
	s10 =	sld [smem:$0x3FBA];
	_ =	sdelay $0x3  }
0x37: {  	[smem:$0x3FBA] =	sst s10  }
0x38: {  	s10 =	sld [smem:$0x3FBB]  }
0x39: {  	_ = 	snop;
	(pc) =	sbr.ind lr, $3  }
0x3a: {  	_ = 	snop  }
0x3b: {  	_ = 	snop  }
0x3c: {  	p2 =	seq.s32 s10, $0x1;
	s10 =	sld [smem:$0x3FBA]  }
0x3d: {  	_ =	shalt  }
0x3e: {  	_ =	shalt  }
0x3f: {  	_ =	shalt  }
0x40: {  	_ =	shalt  }
0x41: {  	_ =	shalt  }
0x42: {  	_ =	shalt  }
0x43: {  	_ =	shalt  }
0x44: {  	_ =	shalt  }
0x45: {  	_ =	shalt  }
0x46: {  	_ =	shalt  }
0x47: {  	_ =	shalt  }
0x48: {  	_ =	shalt  }
0x49: {  	_ =	shalt  }
0x4a: {  	_ =	shalt  }
0x4b: {  	_ =	shalt  }
0x4c: {  	_ =	shalt  }
0x4d: {  	_ =	shalt  }
0x4e: {  	_ =	shalt  }
0x4f: {  	_ =	shalt  }
0x50: {  	_ =	shalt  }
0x51: {  	_ =	shalt  }
0x52: {  	_ =	shalt  }
0x53: {  	_ =	shalt  }
0x54: {  	_ =	shalt  }
0x55: {  	_ =	shalt  }
0x56: {  	_ =	shalt  }
0x57: {  	_ =	shalt  }
0x58: {  	_ =	shalt  }
0x59: {  	_ =	shalt  }
0x5a: {  	_ =	shalt  }
0x5b: {  	_ =	shalt  }
0x5c: {  	_ =	shalt  }
0x5d: {  	_ =	shalt  }
0x5e: {  	_ =	shalt  }
0x5f: {  	_ =	shalt  }
0x60: {  	_ =	shalt  }
0x61: {  	_ =	shalt  }
0x62: {  	_ =	shalt  }
0x63: {  	_ =	shalt  }
0x64: {  	_ =	shalt  }
0x65: {  	_ =	shalt  }
0x66: {  	_ =	shalt  }
0x67: {  	_ =	shalt  }
0x68: {  	_ =	shalt  }
0x69: {  	_ =	shalt  }
0x6a: {  	_ =	shalt  }
0x6b: {  	_ =	shalt  }
0x6c: {  	_ =	shalt  }
0x6d: {  	_ =	shalt  }
0x6e: {  	_ =	shalt  }
0x6f: {  	_ =	shalt  }
0x70: {  	_ =	shalt  }
0x71: {  	_ =	shalt  }
0x72: {  	_ =	shalt  }
0x73: {  	_ =	shalt  }
0x74: {  	_ =	shalt  }
0x75: {  	_ =	shalt  }
0x76: {  	_ =	shalt  }
0x77: {  	_ =	shalt  }
0x78: {  	_ =	shalt  }
0x79: {  	_ =	shalt  }
0x7a: {  	_ =	shalt  }
0x7b: {  	_ =	shalt  }
0x7c: {  	_ =	shalt  }
0x7d: {  	_ =	shalt  }
0x7e: {  	_ =	shalt  }
0x7f: {  	_ =	shalt  }
0x80: {  	_ =	shalt  }
0x81: {  	_ =	shalt  }
0x82: {  	_ =	shalt  }
0x83: {  	_ =	shalt  }
0x84: {  	_ =	shalt  }
0x85: {  	_ =	shalt  }
0x86: {  	_ =	shalt  }
0x87: {  	_ =	shalt  }
.Lfunc_end0:
.L_simem_size_0:
called_computation_lowered:
.L_overlay_start_0:
0x88: {  	s2 =	sld [smem:$0x3FD9]  }
0x89: {  	s3 =	sld [smem:$0x3FFE];
	_ =	sdelay $0x1  }
0x8a: {  	s1 =	srdreg.scid  }
0x8b: {  	s0 =	sand.u32 $0x1, s1  }
0x8c: {  	s17 =	sshll.u32 s0, $0xA;
	s2 =	sadd.s32 s3, s2  }
0x8d: {  	s2 =	sadd.s32 s2, s17  }
0x8e: {  	[smem:$0x3FC6] =	sst s2  }
0x8f: {  	_ = 	snop  }
0x90: {  	s2 =	sld [smem:$0x3FD0];
	(tm) =	ssettm $0x1  }
0x91: {  	s18 =	sld [smem:$0x3FFB];
	_ =	sdelay $0x3  }
0x92: {  	_ =	strace s18  }
0x93: {  	s3 =	sld [smem:$0x3FFC];
	_ =	sdelay $0x3  }
0x94: {  	_ =	strace s3  }
0x95: {  	s3 =	sld [smem:$0x3FFD];
	_ =	sdelay $0x3  }
0x96: {  	_ =	strace s3  }
0x97: {  	_ =	strace $0x8FFFFFFF  }
0x98: {  	s19 =	sld [smem:$0x3FDB];
	_ =	sdelay $0x1  }
0x99: {  	s4 =	simm.s32 $_scs_section_size  }
0x9a: {  	s5 =	simm.s32 $_size__tile_overlayer_lowered;
	s6 =	simm.s32 $_tile_overlayer_lowered  }
0x9b: {  	s22 =	simm.s32 $0x1BFF;
	s21 =	sshll.u32 s6, $0x1;
	s3 =	sadd.s32 s4, s19  }
0x9c: {  	s7 =	simm.s32 $0x0;
	s20 =	sshll.u32 s5, $0x1;
	s5 =	sadd.s32 s21, s3  }
0x9d: {  	[timem:s7], [sflag:s22] =	dma.local [hbm:s5], s20  }
0x9e: {  	_ =	swait.ge [sflag:s22], s20  }
0x9f: {  	s4 =	ssub.s32 $0x0, s20;
	[sflag:s22] =	ssyncset.done $0x0  }
0xa0: {  	[sflag:s22] =	ssyncadd.s32 s4;
	_ =	sdelay $0x1  }
0xa1: {  	s23 =	simm.s32 $0x1B8B  }
0xa2: {  	_ =	swait.ge [sflag:s23], $0x1  }
0xa3: {  	[sflag:s23] =	ssyncset.done $0x0  }
0xa4: {  	s25 =	simm.s32 $0x1B8E;
	s24 =	sld [smem:$0x3FFE];
	[sflag:s23] =	ssyncadd.s32 $0xFFFFFFFF  }
0xa5: {  	s26 =	simm.s32 $execute0_lowered;
	[smem:$0x3FD2] =	sst s25  }
0xa6: {  	s5 =	sshll.u32 s26, $0x1;
	_ =	strace $0x80000046;
	[dreg:$0x1] =	wrdreg $0xFFFFFFFF  }
0xa7: {  	s28 =	simm.s32 $_size_execute0_lowered;
	s3 =	sadd.s32 s3, s5;
	[dreg:$0x0] =	wrdreg $0x0  }
0xa8: {  	s5 =	sshll.u32 s28, $0x1;
	[dreg:$0x2] =	wrdreg s3  }
0xa9: {  	[dreg:$0x3] =	wrdreg s5  }
0xaa: {  	[dreg:$0x4] =	wrdreg $0xC0  }
0xab: {  	_ =	task [dreg:s7], $0x5FFFF  }
0xac: {  	[dreg:$0x1] =	wrdreg $0xFFFFFFFF  }
0xad: {  	[dreg:$0x0] =	wrdreg $0x60  }
0xae: {  	[dreg:$0x2] =	wrdreg s24  }
0xaf: {  	[dreg:$0x3] =	wrdreg s2  }
0xb0: {  	[dreg:$0x4] =	wrdreg $0x9  }
0xb1: {  	_ =	task.clear_ibuf [dreg:s7], $0x5FFFF;
	_ =	strace $0x90000046  }
0xb2: {  	s29 =	simm.s32 $0x9;
	_ =	strace $0x80000048  }
0xb3: {  	_ =	swait.ge [sflag:s29], $0x1  }
0xb4: {  	[sflag:s29] =	ssyncadd.s32 $0xFFFFFFFF  }
0xb5: {  	_ =	strace $0x90000048  }
0xb6: {  	_ =	sfence  }
0xb7: {  	s30 =	sld [smem:$0x0];
	_ =	sdelay $0x2  }
0xb8: {  	s31 =	sshll.u32 s1, $0xD;
	s1 =	sshrl.u32 s1, $0x2  }
0xb9: {  	s3 =	sand.u32 $0x4000, s31;
	s1 =	sadd.s32 s1, s30  }
0xba: {  	s0 =	sor.u32 s3, s0;
	s1 =	sshll.u32 s1, $0x11  }
0xbb: {  	s0 =	sor.u32 s1, s0  }
0xbc: {  	s0 =	sadd.s32 $0x8F2B, s0  }
0xbd: {  	[sflag:s0] =	ssyncadd.remote.s32 $0x1  }
0xbe: {  	_ =	sfence.sel $0xFFFF  }
0xbf: {  	[dreg:$0x0] =	wrdreg $0xFFFFFFFF;
	(pc) =	sbr.abs _section_cstart, $3  }
0xc0: {  	[dreg:$0x1] =	wrdreg $0xFFFFFFFF  }
0xc1: {  	_ =	task.clear_ibuf [dreg:s7], $0x2FFFF;
	_ =	strace $0x9FFFFFFF  }
0xc2: {  	(tm) =	ssettm $0x7FFFFFFF  }
0xc3: {  	_ =	shalt  }
tec
execute0_lowered:
.L_overlay_start_1:
0x0: {  	(tag) =	ssettag $0x1  }
0x1: {  	v0 =	vlaneseq.u32  }
0x2: {  	v1 =	vmul.u32 $0x1A, v0;
	v14 =	vmul.u32 $0x20, v0  }
0x3: {  	s0 =	srdreg.scid;
	v19 =	vor.u32 $0x10, v0;
	v21 =	vor.u32 $0x20, v0;
	v23 =	vor.u32 $0x30, v0  }
0x4: {  	s2 =	stileid.u32;
	s1 =	rddreg [dreg:$0x0];
	v25 =	vor.u32 $0x40, v0;
	v27 =	vor.u32 $0x50, v0;
	v29 =	vor.u32 $0x60, v0  }
0x5: {  	s13 =	simm.s32 $0x5;
	s14 =	simm.s32 $0x80;
	s15 =	simm.s32 $0x3400;
	v31 =	vor.u32 $0x70, v0;
	v2 =	vadd.s32 $0x1A0, v1;
	v3 =	vadd.s32 $0x340, v1  }
0x6: {  	s16 =	simm.s32 $0x3500;
	s17 =	simm.s32 $0x3480;
	s18 =	simm.s32 $0x4500;
	v4 =	vadd.s32 $0x4E0, v1;
	v5 =	vadd.s32 $0x680, v1;
	v6 =	vadd.s32 $0x820, v1  }
0x7: {  	s19 =	simm.s32 $0x1;
	s20 =	simm.s32 $0x5500;
	s21 =	simm.s32 $0x400;
	v7 =	vadd.s32 $0x9C0, v1;
	v8 =	vadd.s32 $0xB60, v1;
	v9 =	vadd.s32 $0xD00, v1  }
0x8: {  	s22 =	simm.s32 $0x20000;
	s23 =	simm.s32 $0x2;
	s24 =	simm.s32 $0x6500;
	v10 =	vadd.s32 $0xEA0, v1;
	v11 =	vadd.s32 $0x1040, v1;
	v12 =	vadd.s32 $0x11E0, v1  }
0x9: {  	s25 =	simm.s32 $0x3;
	s26 =	simm.s32 $0x4;
	s28 =	simm.s32 $0x0;
	v13 =	vadd.s32 $0x1380, v1;
	v15 =	vadd.s32 $0x1520, v1;
	v16 =	vadd.s32 $0x16C0, v1  }
0xa: {  	s0 =	sand.u32 $0x1, s0;
	s3 =	sshll.u32 s2, $0x1;
	s2 =	rddreg [dreg:$0x1];
	v17 =	vadd.s32 $0x1860, v1;
	v18 =	vor.u32 $0x200, v14;
	v20 =	vor.u32 $0x400, v14  }
0xb: {  	s5 =	sor.u32 s0, s3;
	s3 =	simm.s32 $0x0;
	s0 =	ssub.s32 $0x2, s0;
	v22 =	vor.u32 $0x600, v14;
	v24 =	vor.u32 $0x800, v14;
	v26 =	vor.u32 $0xA00, v14  }
0xc: {  	s4 =	smul.u32 $0x680, s5;
	[smem:$0x7FF] =	sst s3;
	s29 =	sshrl.u32 s0, $0x1;
	v28 =	vor.u32 $0xC00, v14;
	v30 =	vor.u32 $0xE00, v14;
	v32 =	vor.u32 $0x1A00, v1  }
0xd: {  	s7 =	sshll.u32 s5, $0x9;
	v33 =	vadd.s32 $0x1BA0, v1;
	v34 =	vadd.s32 $0x1D40, v1;
	v35 =	vadd.s32 $0x1EE0, v1;
	_ =	strace $0x80000047;
	s0 =	ssub.s32 s0, s29  }
0xe: {  	v36 =	vadd.s32 $0x2080, v1;
	v37 =	vadd.s32 $0x2220, v1;
	v38 =	vadd.s32 $0x23C0, v1;
	s6 =	sadd.s32 s4, s1;
	s4 =	sadd.s32 $0xF42A00, s1;
	s12 =	smax.u32 s0, $0x1  }
0xf: {  	v39 =	vadd.s32 $0x2560, v1;
	v40 =	vadd.s32 $0x2700, v1;
	v41 =	vadd.s32 $0x28A0, v1;
	s30 =	sadd.s32 $0x600, s6;
	s6 =	sadd.s32 s2, s7;
	s7 =	sshll.u32 s5, $0x2  }
0x10: {  	v42 =	vadd.s32 $0x2A40, v1;
	v43 =	vadd.s32 $0x2BE0, v1;
	v44 =	vadd.s32 $0x2D80, v1;
	[dreg:$0x3] =	wrdreg s30;
	s31 =	sadd.s32 $0x80, s6;
	s9 =	sadd.s32 $0x190100, s6  }
0x11: {  	v45 =	vadd.s32 $0x2F20, v1;
	v46 =	vadd.s32 $0x30C0, v1;
	v47 =	vadd.s32 $0x3260, v1;
	s10 =	sor.u32 $0x1, s7;
	s11 =	sadd.s32 $0x190180, s6;
	[dreg:$0x4] =	wrdreg s31  }
.LBB2_1:
0x12: {  	s0 =	rddreg [dreg:$0x3]  }
0x13: {  	[tilespmem:s3], [sflag:$0x5] =	stream.linear.gather [hbm4b:s0+s3], $0x3400, $0x38;
	[tilespmem:$0x7500] =	vst v63  }
0x14: {  	_ =	swait.ge [sflag:s13], $0x3400  }
0x15: {  	[sflag:s13] =	ssyncset.done $0x0  }
0x16: {  	[sflag:s13] =	ssyncadd.s32 $0xFFFFCC00  }
0x17: {  	v48 =	vld.idx.msk [tilespmem:v1+s3+$0x0], $0xffff;
	_ =	sdelay $0x4  }
0x18: {  	[tilespmem:$0x3400] =	vst v48  }
0x19: {  	v48 =	vld.idx.msk [tilespmem:v2+s3+$0x0], $0xffff;
	_ =	sdelay $0x4  }
0x1a: {  	[tilespmem:$0x3410] =	vst v48  }
0x1b: {  	v48 =	vld.idx.msk [tilespmem:v3+s3+$0x0], $0xffff;
	_ =	sdelay $0x4  }
0x1c: {  	[tilespmem:$0x3420] =	vst v48  }
0x1d: {  	v48 =	vld.idx.msk [tilespmem:v4+s3+$0x0], $0xffff;
	_ =	sdelay $0x4  }
0x1e: {  	[tilespmem:$0x3430] =	vst v48  }
0x1f: {  	v48 =	vld.idx.msk [tilespmem:v5+s3+$0x0], $0xffff;
	_ =	sdelay $0x4  }
0x20: {  	[tilespmem:$0x3440] =	vst v48  }
0x21: {  	v48 =	vld.idx.msk [tilespmem:v6+s3+$0x0], $0xffff;
	_ =	sdelay $0x4  }
0x22: {  	[tilespmem:$0x3450] =	vst v48  }
0x23: {  	v48 =	vld.idx.msk [tilespmem:v7+s3+$0x0], $0xffff;
	_ =	sdelay $0x4  }
0x24: {  	[tilespmem:$0x3460] =	vst v48  }
0x25: {  	v48 =	vld.idx.msk [tilespmem:v8+s3+$0x0], $0xffff;
	_ =	sdelay $0x4  }
0x26: {  	[tilespmem:$0x3470] =	vst v48  }
0x27: {  	[tilespmem:s16], [sflag:$0x1] =	stream.indirect.gather [hbm4b:s4+s14], $0x20, s15, s14, $0xb8;
	[tilespmem:$0x7500] =	vst v63  }
0x28: {  	v48 =	vld.idx.msk [tilespmem:v9+s3+$0x0], $0xffff;
	_ =	sdelay $0x4  }
0x29: {  	[tilespmem:$0x3480] =	vst v48  }
0x2a: {  	v48 =	vld.idx.msk [tilespmem:v10+s3+$0x0], $0xffff;
	_ =	sdelay $0x4  }
0x2b: {  	[tilespmem:$0x3490] =	vst v48  }
0x2c: {  	v48 =	vld.idx.msk [tilespmem:v11+s3+$0x0], $0xffff;
	_ =	sdelay $0x4  }
0x2d: {  	[tilespmem:$0x34A0] =	vst v48  }
0x2e: {  	v48 =	vld.idx.msk [tilespmem:v12+s3+$0x0], $0xffff;
	_ =	sdelay $0x4  }
0x2f: {  	[tilespmem:$0x34B0] =	vst v48  }
0x30: {  	v48 =	vld.idx.msk [tilespmem:v13+s3+$0x0], $0xffff;
	_ =	sdelay $0x4  }
0x31: {  	[tilespmem:$0x34C0] =	vst v48  }
0x32: {  	v48 =	vld.idx.msk [tilespmem:v15+s3+$0x0], $0xffff;
	_ =	sdelay $0x4  }
0x33: {  	[tilespmem:$0x34D0] =	vst v48  }
0x34: {  	v48 =	vld.idx.msk [tilespmem:v16+s3+$0x0], $0xffff;
	_ =	sdelay $0x4  }
0x35: {  	[tilespmem:$0x34E0] =	vst v48  }
0x36: {  	v48 =	vld.idx.msk [tilespmem:v17+s3+$0x0], $0xffff;
	_ =	sdelay $0x2  }
0x37: {  	v49 =	vadd.s32 s3, v0  }
0x38: {  	v50 =	vand.u32 $0xF, v49  }
0x39: {  	v58 =	vor.u32 v14, v50;
	[tilespmem:$0x34F0] =	vst v48  }
0x3a: {  	[tilespmem:s18], [sflag:$0x2] =	stream.indirect.gather [hbm4b:s4+s14], $0x20, s17, s14, $0xb8;
	[tilespmem:$0x7500] =	vst v63  }
0x3b: {  	_ =	swait.ge [sflag:s19], $0x1000  }
0x3c: {  	v51 =	vshll.u32 v49, $0x7;
	[sflag:s19] =	ssyncset.done $0x0  }
0x3d: {  	v52 =	vand.u32 $0x780, v51;
	[sflag:s19] =	ssyncadd.s32 $0xFFFFF000  }
0x3e: {  	v53 =	vor.u32 v0, v52;
	v48 =	vld.idx.msk [tilespmem:v58+s16+$0x0], $0xffff  }
0x3f: {  	v54 =	vor.u32 v18, v50;
	_ =	sdelay $0x3  }
0x40: {  	[tilespmem:v53+s20+$0x0] =	vst.idx.msk $0xffff, v48  }
0x41: {  	v59 =	vor.u32 v19, v52;
	v48 =	vld.idx.msk [tilespmem:v54+s16+$0x0], $0xffff  }
0x42: {  	v60 =	vor.u32 v20, v50;
	_ =	sdelay $0x3  }
0x43: {  	[tilespmem:v59+s20+$0x0] =	vst.idx.msk $0xffff, v48  }
0x44: {  	v61 =	vor.u32 v21, v52;
	v48 =	vld.idx.msk [tilespmem:v60+s16+$0x0], $0xffff  }
0x45: {  	v62 =	vor.u32 v22, v50;
	_ =	sdelay $0x3  }
0x46: {  	[tilespmem:v61+s20+$0x0] =	vst.idx.msk $0xffff, v48  }
0x47: {  	v63 =	vor.u32 v23, v52;
	v48 =	vld.idx.msk [tilespmem:v62+s16+$0x0], $0xffff  }
0x48: {  	v57 =	vor.u32 v24, v50;
	_ =	sdelay $0x3  }
0x49: {  	[tilespmem:v63+s20+$0x0] =	vst.idx.msk $0xffff, v48  }
0x4a: {  	v58 =	vor.u32 v25, v52;
	v48 =	vld.idx.msk [tilespmem:v57+s16+$0x0], $0xffff  }
0x4b: {  	v59 =	vor.u32 v26, v50;
	_ =	sdelay $0x3  }
0x4c: {  	[tilespmem:v58+s20+$0x0] =	vst.idx.msk $0xffff, v48  }
0x4d: {  	v60 =	vor.u32 v27, v52;
	v48 =	vld.idx.msk [tilespmem:v59+s16+$0x0], $0xffff  }
0x4e: {  	v61 =	vor.u32 v28, v50;
	_ =	sdelay $0x3  }
0x4f: {  	[tilespmem:v60+s20+$0x0] =	vst.idx.msk $0xffff, v48  }
0x50: {  	v62 =	vor.u32 v29, v52;
	v48 =	vld.idx.msk [tilespmem:v61+s16+$0x0], $0xffff  }
0x51: {  	v50 =	vor.u32 v30, v50;
	_ =	sdelay $0x3  }
0x52: {  	v63 =	vor.u32 $0x10, v49;
	[tilespmem:v62+s20+$0x0] =	vst.idx.msk $0xffff, v48  }
0x53: {  	v57 =	vor.u32 v31, v52;
	v52 =	vand.u32 $0x1F, v63;
	v56 =	vld.idx.msk [tilespmem:v50+s16+$0x0], $0xffff  }
0x54: {  	v58 =	vor.u32 v14, v52;
	_ =	sdelay $0x1  }
0x55: {  	v48 =	vshll.u32 v63, $0x7  }
0x56: {  	v51 =	vand.u32 $0x380, v51;
	v48 =	vand.u32 $0xC00, v48  }
0x57: {  	v49 =	vor.u32 v51, v48;
	[tilespmem:v57+s20+$0x0] =	vst.idx.msk $0xffff, v56  }
0x58: {  	v60 =	vor.u32 v0, v49;
	v59 =	vld.idx.msk [tilespmem:v58+s16+$0x0], $0xffff  }
0x59: {  	v61 =	vor.u32 v18, v52;
	_ =	sdelay $0x3  }
0x5a: {  	[tilespmem:v60+s20+$0x0] =	vst.idx.msk $0xffff, v59  }
0x5b: {  	v62 =	vor.u32 v19, v49;
	v48 =	vld.idx.msk [tilespmem:v61+s16+$0x0], $0xffff  }
0x5c: {  	v63 =	vor.u32 v20, v52;
	_ =	sdelay $0x3  }
0x5d: {  	[tilespmem:v62+s20+$0x0] =	vst.idx.msk $0xffff, v48  }
0x5e: {  	v54 =	vor.u32 v21, v49;
	v48 =	vld.idx.msk [tilespmem:v63+s16+$0x0], $0xffff  }
0x5f: {  	v55 =	vor.u32 v22, v52;
	_ =	sdelay $0x3  }
0x60: {  	[tilespmem:v54+s20+$0x0] =	vst.idx.msk $0xffff, v48  }
0x61: {  	v56 =	vor.u32 v23, v49;
	v48 =	vld.idx.msk [tilespmem:v55+s16+$0x0], $0xffff  }
0x62: {  	v57 =	vor.u32 v24, v52;
	_ =	sdelay $0x3  }
0x63: {  	[tilespmem:v56+s20+$0x0] =	vst.idx.msk $0xffff, v48  }
0x64: {  	v58 =	vor.u32 v25, v49;
	v48 =	vld.idx.msk [tilespmem:v57+s16+$0x0], $0xffff  }
0x65: {  	v59 =	vor.u32 v26, v52;
	_ =	sdelay $0x3  }
0x66: {  	[tilespmem:v58+s20+$0x0] =	vst.idx.msk $0xffff, v48  }
0x67: {  	v60 =	vor.u32 v27, v49;
	v48 =	vld.idx.msk [tilespmem:v59+s16+$0x0], $0xffff  }
0x68: {  	v61 =	vor.u32 v28, v52;
	_ =	sdelay $0x3  }
0x69: {  	[tilespmem:v60+s20+$0x0] =	vst.idx.msk $0xffff, v48  }
0x6a: {  	v62 =	vor.u32 v29, v49;
	v48 =	vld.idx.msk [tilespmem:v61+s16+$0x0], $0xffff  }
0x6b: {  	v63 =	vor.u32 v30, v52;
	_ =	sdelay $0x3  }
0x6c: {  	s31 =	simm.s32 $0x1;
	[tilespmem:v62+s20+$0x0] =	vst.idx.msk $0xffff, v48  }
0x6d: {  	s0 =	simm.s32 $0x2;
	v48 =	vadd.s32 s31, v0;
	v50 =	vld.idx.msk [tilespmem:v63+s16+$0x0], $0xffff  }
.LBB2_2:
0x6e: {  	p0 =	sne.s32 s0, $0xF;
	v51 =	vand.u32 $0xF, v48;
	v49 =	vor.u32 v31, v49  }
0x6f: {  	v52 =	vor.u32 v14, v51;
	_ =	sdelay $0x3  }
0x70: {  	v53 =	vshll.u32 v48, $0x7;
	[tilespmem:v49+s20+$0x0] =	vst.idx.msk $0xffff, v50  }
0x71: {  	v50 =	vand.u32 $0x780, v53;
	v49 =	vld.idx.msk [tilespmem:v52+s16+$0x0], $0xffff  }
0x72: {  	v52 =	vor.u32 v0, v50  }
0x73: {  	v54 =	vor.u32 v18, v51;
	_ =	sdelay $0x3  }
0x74: {  	[tilespmem:v52+s20+$0x0] =	vst.idx.msk $0xffff, v49  }
0x75: {  	v49 =	vld.idx.msk [tilespmem:v54+s16+$0x0], $0xffff  }
0x76: {  	v52 =	vor.u32 v19, v50  }
0x77: {  	v54 =	vor.u32 v20, v51;
	_ =	sdelay $0x3  }
0x78: {  	[tilespmem:v52+s20+$0x0] =	vst.idx.msk $0xffff, v49  }
0x79: {  	v49 =	vld.idx.msk [tilespmem:v54+s16+$0x0], $0xffff  }
0x7a: {  	v52 =	vor.u32 v21, v50  }
0x7b: {  	v54 =	vor.u32 v22, v51;
	_ =	sdelay $0x3  }
0x7c: {  	[tilespmem:v52+s20+$0x0] =	vst.idx.msk $0xffff, v49  }
0x7d: {  	v49 =	vld.idx.msk [tilespmem:v54+s16+$0x0], $0xffff  }
0x7e: {  	v52 =	vor.u32 v23, v50  }
0x7f: {  	v54 =	vor.u32 v24, v51;
	_ =	sdelay $0x3  }
0x80: {  	[tilespmem:v52+s20+$0x0] =	vst.idx.msk $0xffff, v49  }
0x81: {  	v49 =	vld.idx.msk [tilespmem:v54+s16+$0x0], $0xffff  }
0x82: {  	v52 =	vor.u32 v25, v50  }
0x83: {  	v54 =	vor.u32 v26, v51;
	_ =	sdelay $0x3  }
0x84: {  	[tilespmem:v52+s20+$0x0] =	vst.idx.msk $0xffff, v49  }
0x85: {  	v49 =	vld.idx.msk [tilespmem:v54+s16+$0x0], $0xffff  }
0x86: {  	v52 =	vor.u32 v27, v50  }
0x87: {  	v54 =	vor.u32 v28, v51;
	_ =	sdelay $0x3  }
0x88: {  	[tilespmem:v52+s20+$0x0] =	vst.idx.msk $0xffff, v49  }
0x89: {  	v49 =	vld.idx.msk [tilespmem:v54+s16+$0x0], $0xffff  }
0x8a: {  	v52 =	vor.u32 v29, v50  }
0x8b: {  	v51 =	vor.u32 v30, v51;
	_ =	sdelay $0x3  }
0x8c: {  	[tilespmem:v52+s20+$0x0] =	vst.idx.msk $0xffff, v49  }
0x8d: {  	v48 =	vor.u32 $0x10, v48;
	v49 =	vld.idx.msk [tilespmem:v51+s16+$0x0], $0xffff  }
0x8e: {  	v50 =	vor.u32 v31, v50;
	v51 =	vand.u32 $0x1F, v48  }
0x8f: {  	v52 =	vor.u32 v14, v51;
	_ =	sdelay $0x2  }
0x90: {  	v48 =	vshll.u32 v48, $0x7  }
0x91: {  	v53 =	vand.u32 $0x380, v53;
	v48 =	vand.u32 $0xC00, v48;
	[tilespmem:v50+s20+$0x0] =	vst.idx.msk $0xffff, v49  }
0x92: {  	v49 =	vor.u32 v53, v48;
	v50 =	vld.idx.msk [tilespmem:v52+s16+$0x0], $0xffff  }
0x93: {  	v48 =	vor.u32 v0, v49  }
0x94: {  	v52 =	vor.u32 v18, v51;
	_ =	sdelay $0x3  }
0x95: {  	[tilespmem:v48+s20+$0x0] =	vst.idx.msk $0xffff, v50  }
0x96: {  	v48 =	vld.idx.msk [tilespmem:v52+s16+$0x0], $0xffff  }
0x97: {  	v50 =	vor.u32 v19, v49  }
0x98: {  	v52 =	vor.u32 v20, v51;
	_ =	sdelay $0x3  }
0x99: {  	[tilespmem:v50+s20+$0x0] =	vst.idx.msk $0xffff, v48  }
0x9a: {  	v48 =	vld.idx.msk [tilespmem:v52+s16+$0x0], $0xffff  }
0x9b: {  	v50 =	vor.u32 v21, v49  }
0x9c: {  	v52 =	vor.u32 v22, v51;
	_ =	sdelay $0x3  }
0x9d: {  	[tilespmem:v50+s20+$0x0] =	vst.idx.msk $0xffff, v48  }
0x9e: {  	v48 =	vld.idx.msk [tilespmem:v52+s16+$0x0], $0xffff  }
0x9f: {  	v50 =	vor.u32 v23, v49  }
0xa0: {  	v52 =	vor.u32 v24, v51;
	_ =	sdelay $0x3  }
0xa1: {  	[tilespmem:v50+s20+$0x0] =	vst.idx.msk $0xffff, v48  }
0xa2: {  	v48 =	vld.idx.msk [tilespmem:v52+s16+$0x0], $0xffff  }
0xa3: {  	v50 =	vor.u32 v25, v49  }
0xa4: {  	v52 =	vor.u32 v26, v51;
	_ =	sdelay $0x3  }
0xa5: {  	[tilespmem:v50+s20+$0x0] =	vst.idx.msk $0xffff, v48  }
0xa6: {  	v48 =	vld.idx.msk [tilespmem:v52+s16+$0x0], $0xffff  }
0xa7: {  	v50 =	vor.u32 v27, v49  }
0xa8: {  	v52 =	vor.u32 v28, v51;
	_ =	sdelay $0x3  }
0xa9: {  	[tilespmem:v50+s20+$0x0] =	vst.idx.msk $0xffff, v48  }
0xaa: {  	v48 =	vld.idx.msk [tilespmem:v52+s16+$0x0], $0xffff  }
0xab: {  	v50 =	vor.u32 v29, v49  }
0xac: {  	v51 =	vor.u32 v30, v51  }
.Ltmp0:
0xad: {  	(pc) =	sbr.rel @p0 .LBB2_2-.Ltmp0, $3  }
0xae: {  	_ =	sdelay $0x1  }
0xaf: {  	[tilespmem:v50+s20+$0x0] =	vst.idx.msk $0xffff, v48  }
0xb0: {  	v48 =	vadd.s32 s0, v0;
	s0 =	sadd.s32 $0x1, s0;
	v50 =	vld.idx.msk [tilespmem:v51+s16+$0x0], $0xffff  }
0xb1: {  	v51 =	vand.u32 $0xF, v48;
	v49 =	vor.u32 v31, v49  }
0xb2: {  	v52 =	vor.u32 v14, v51;
	_ =	sdelay $0x2  }
0xb3: {  	v53 =	vshll.u32 v48, $0x7  }
0xb4: {  	[tilespmem:v49+s20+$0x0] =	vst.idx.msk $0xffff, v50;
	v49 =	vand.u32 $0x780, v53  }
0xb5: {  	v50 =	vld.idx.msk [tilespmem:v52+s16+$0x0], $0xffff;
	v60 =	vor.u32 v0, v49  }
0xb6: {  	v54 =	vor.u32 v18, v51;
	_ =	sdelay $0x3  }
0xb7: {  	[tilespmem:v60+s20+$0x0] =	vst.idx.msk $0xffff, v50  }
0xb8: {  	v61 =	vor.u32 v19, v49;
	v50 =	vld.idx.msk [tilespmem:v54+s16+$0x0], $0xffff  }
0xb9: {  	v62 =	vor.u32 v20, v51;
	_ =	sdelay $0x3  }
0xba: {  	[tilespmem:v61+s20+$0x0] =	vst.idx.msk $0xffff, v50  }
0xbb: {  	v63 =	vor.u32 v21, v49;
	v50 =	vld.idx.msk [tilespmem:v62+s16+$0x0], $0xffff  }
0xbc: {  	v57 =	vor.u32 v22, v51;
	_ =	sdelay $0x3  }
0xbd: {  	[tilespmem:v63+s20+$0x0] =	vst.idx.msk $0xffff, v50  }
0xbe: {  	v58 =	vor.u32 v23, v49;
	v50 =	vld.idx.msk [tilespmem:v57+s16+$0x0], $0xffff  }
0xbf: {  	v59 =	vor.u32 v24, v51;
	_ =	sdelay $0x3  }
0xc0: {  	[tilespmem:v58+s20+$0x0] =	vst.idx.msk $0xffff, v50  }
0xc1: {  	v60 =	vor.u32 v25, v49;
	v50 =	vld.idx.msk [tilespmem:v59+s16+$0x0], $0xffff  }
0xc2: {  	v61 =	vor.u32 v26, v51;
	_ =	sdelay $0x3  }
0xc3: {  	[tilespmem:v60+s20+$0x0] =	vst.idx.msk $0xffff, v50  }
0xc4: {  	v62 =	vor.u32 v27, v49;
	v50 =	vld.idx.msk [tilespmem:v61+s16+$0x0], $0xffff  }
0xc5: {  	v63 =	vor.u32 v28, v51;
	_ =	sdelay $0x3  }
0xc6: {  	[tilespmem:v62+s20+$0x0] =	vst.idx.msk $0xffff, v50  }
0xc7: {  	v57 =	vor.u32 v29, v49;
	v50 =	vld.idx.msk [tilespmem:v63+s16+$0x0], $0xffff  }
0xc8: {  	v51 =	vor.u32 v30, v51;
	_ =	sdelay $0x3  }
0xc9: {  	v58 =	vor.u32 $0x10, v48;
	[tilespmem:v57+s20+$0x0] =	vst.idx.msk $0xffff, v50  }
0xca: {  	v49 =	vor.u32 v31, v49;
	v50 =	vld.idx.msk [tilespmem:v51+s16+$0x0], $0xffff;
	v51 =	vand.u32 $0x1F, v58  }
0xcb: {  	v59 =	vor.u32 v14, v51;
	_ =	sdelay $0x1  }
0xcc: {  	v48 =	vshll.u32 v58, $0x7  }
0xcd: {  	v53 =	vand.u32 $0x380, v53;
	v48 =	vand.u32 $0xC00, v48  }
0xce: {  	v48 =	vor.u32 v53, v48;
	[tilespmem:v49+s20+$0x0] =	vst.idx.msk $0xffff, v50  }
0xcf: {  	v60 =	vor.u32 v0, v48;
	v49 =	vld.idx.msk [tilespmem:v59+s16+$0x0], $0xffff  }
0xd0: {  	v61 =	vor.u32 v18, v51;
	_ =	sdelay $0x3  }
0xd1: {  	[tilespmem:v60+s20+$0x0] =	vst.idx.msk $0xffff, v49  }
0xd2: {  	v62 =	vor.u32 v19, v48;
	v49 =	vld.idx.msk [tilespmem:v61+s16+$0x0], $0xffff  }
0xd3: {  	v63 =	vor.u32 v20, v51;
	_ =	sdelay $0x3  }
0xd4: {  	[tilespmem:v62+s20+$0x0] =	vst.idx.msk $0xffff, v49  }
0xd5: {  	v56 =	vor.u32 v21, v48;
	v49 =	vld.idx.msk [tilespmem:v63+s16+$0x0], $0xffff  }
0xd6: {  	v57 =	vor.u32 v22, v51;
	_ =	sdelay $0x3  }
0xd7: {  	[tilespmem:v56+s20+$0x0] =	vst.idx.msk $0xffff, v49  }
0xd8: {  	v58 =	vor.u32 v23, v48;
	v49 =	vld.idx.msk [tilespmem:v57+s16+$0x0], $0xffff  }
0xd9: {  	v59 =	vor.u32 v24, v51;
	_ =	sdelay $0x3  }
0xda: {  	[tilespmem:v58+s20+$0x0] =	vst.idx.msk $0xffff, v49  }
0xdb: {  	v60 =	vor.u32 v25, v48;
	v49 =	vld.idx.msk [tilespmem:v59+s16+$0x0], $0xffff  }
0xdc: {  	v61 =	vor.u32 v26, v51;
	_ =	sdelay $0x3  }
0xdd: {  	[tilespmem:v60+s20+$0x0] =	vst.idx.msk $0xffff, v49  }
0xde: {  	v62 =	vor.u32 v27, v48;
	v49 =	vld.idx.msk [tilespmem:v61+s16+$0x0], $0xffff  }
0xdf: {  	v63 =	vor.u32 v28, v51;
	_ =	sdelay $0x3  }
0xe0: {  	[tilespmem:v62+s20+$0x0] =	vst.idx.msk $0xffff, v49  }
0xe1: {  	v55 =	vor.u32 v29, v48;
	v49 =	vld.idx.msk [tilespmem:v63+s16+$0x0], $0xffff  }
0xe2: {  	v51 =	vor.u32 v30, v51;
	_ =	sdelay $0x3  }
0xe3: {  	[tilespmem:v55+s20+$0x0] =	vst.idx.msk $0xffff, v49  }
0xe4: {  	v48 =	vor.u32 v31, v48;
	v49 =	vld.idx.msk [tilespmem:v51+s16+$0x0], $0xffff;
	_ =	sdelay $0x4  }
0xe5: {  	s0 =	simm.s32 $0x0;
	[tilespmem:v48+s20+$0x0] =	vst.idx.msk $0xffff, v49  }
0xe6: {  	[hbm4b:s6+s21] =	stream.strided.scatter [tilespmem:s20], [sflag:$0x3], $0x1000, s22, s21, $0x38;
	[tilespmem:$0x7500] =	vst v63  }
0xe7: {  	v48 =	vld.idx.msk [tilespmem:v32+s0+$0x0], $0xffff;
	_ =	sdelay $0x4  }
0xe8: {  	[tilespmem:$0x3400] =	vst v48  }
0xe9: {  	v48 =	vld.idx.msk [tilespmem:v33+s0+$0x0], $0xffff;
	_ =	sdelay $0x4  }
0xea: {  	[tilespmem:$0x3410] =	vst v48  }
0xeb: {  	v48 =	vld.idx.msk [tilespmem:v34+s0+$0x0], $0xffff;
	_ =	sdelay $0x4  }
0xec: {  	[tilespmem:$0x3420] =	vst v48  }
0xed: {  	v48 =	vld.idx.msk [tilespmem:v35+s0+$0x0], $0xffff;
	_ =	sdelay $0x4  }
0xee: {  	[tilespmem:$0x3430] =	vst v48  }
0xef: {  	v48 =	vld.idx.msk [tilespmem:v36+s0+$0x0], $0xffff;
	_ =	sdelay $0x4  }
0xf0: {  	[tilespmem:$0x3440] =	vst v48  }
0xf1: {  	v48 =	vld.idx.msk [tilespmem:v37+s0+$0x0], $0xffff;
	_ =	sdelay $0x4  }
0xf2: {  	[tilespmem:$0x3450] =	vst v48  }
0xf3: {  	v48 =	vld.idx.msk [tilespmem:v38+s0+$0x0], $0xffff;
	_ =	sdelay $0x4  }
0xf4: {  	[tilespmem:$0x3460] =	vst v48  }
0xf5: {  	v48 =	vld.idx.msk [tilespmem:v39+s0+$0x0], $0xffff;
	_ =	sdelay $0x2  }
0xf6: {  	v49 =	vadd.s32 s0, v0  }
0xf7: {  	v50 =	vand.u32 $0xF, v49  }
0xf8: {  	v56 =	vor.u32 v14, v50;
	[tilespmem:$0x3470] =	vst v48  }
0xf9: {  	[tilespmem:s16], [sflag:$0x1] =	stream.indirect.gather [hbm4b:s4+s14], $0x20, s15, s14, $0xb8;
	[tilespmem:$0x7500] =	vst v63  }
0xfa: {  	_ =	swait.ge [sflag:s23], $0x1000  }
0xfb: {  	v51 =	vshll.u32 v49, $0x7;
	[sflag:s23] =	ssyncset.done $0x0  }
0xfc: {  	v52 =	vand.u32 $0x780, v51;
	[sflag:s23] =	ssyncadd.s32 $0xFFFFF000  }
0xfd: {  	v57 =	vor.u32 v0, v52;
	v48 =	vld.idx.msk [tilespmem:v56+s18+$0x0], $0xffff  }
0xfe: {  	v58 =	vor.u32 v18, v50;
	_ =	sdelay $0x3  }
0xff: {  	[tilespmem:v57+s24+$0x0] =	vst.idx.msk $0xffff, v48  }
0x100: {  	v59 =	vor.u32 v19, v52;
	v48 =	vld.idx.msk [tilespmem:v58+s18+$0x0], $0xffff  }
0x101: {  	v60 =	vor.u32 v20, v50;
	_ =	sdelay $0x3  }
0x102: {  	[tilespmem:v59+s24+$0x0] =	vst.idx.msk $0xffff, v48  }
0x103: {  	v61 =	vor.u32 v21, v52;
	v48 =	vld.idx.msk [tilespmem:v60+s18+$0x0], $0xffff  }
0x104: {  	v62 =	vor.u32 v22, v50;
	_ =	sdelay $0x3  }
0x105: {  	[tilespmem:v61+s24+$0x0] =	vst.idx.msk $0xffff, v48  }
0x106: {  	v63 =	vor.u32 v23, v52;
	v48 =	vld.idx.msk [tilespmem:v62+s18+$0x0], $0xffff  }
0x107: {  	v57 =	vor.u32 v24, v50;
	_ =	sdelay $0x3  }
0x108: {  	[tilespmem:v63+s24+$0x0] =	vst.idx.msk $0xffff, v48  }
0x109: {  	v58 =	vor.u32 v25, v52;
	v48 =	vld.idx.msk [tilespmem:v57+s18+$0x0], $0xffff  }
0x10a: {  	v59 =	vor.u32 v26, v50;
	_ =	sdelay $0x3  }
0x10b: {  	[tilespmem:v58+s24+$0x0] =	vst.idx.msk $0xffff, v48  }
0x10c: {  	v60 =	vor.u32 v27, v52;
	v48 =	vld.idx.msk [tilespmem:v59+s18+$0x0], $0xffff  }
0x10d: {  	v61 =	vor.u32 v28, v50;
	_ =	sdelay $0x3  }
0x10e: {  	[tilespmem:v60+s24+$0x0] =	vst.idx.msk $0xffff, v48  }
0x10f: {  	v62 =	vor.u32 v29, v52;
	v48 =	vld.idx.msk [tilespmem:v61+s18+$0x0], $0xffff  }
0x110: {  	v50 =	vor.u32 v30, v50;
	_ =	sdelay $0x3  }
0x111: {  	v63 =	vor.u32 $0x10, v49;
	[tilespmem:v62+s24+$0x0] =	vst.idx.msk $0xffff, v48  }
0x112: {  	v57 =	vor.u32 v31, v52;
	v52 =	vand.u32 $0x1F, v63;
	v56 =	vld.idx.msk [tilespmem:v50+s18+$0x0], $0xffff  }
0x113: {  	v58 =	vor.u32 v14, v52;
	_ =	sdelay $0x1  }
0x114: {  	v48 =	vshll.u32 v63, $0x7  }
0x115: {  	v51 =	vand.u32 $0x380, v51;
	v48 =	vand.u32 $0xC00, v48  }
0x116: {  	v49 =	vor.u32 v51, v48;
	[tilespmem:v57+s24+$0x0] =	vst.idx.msk $0xffff, v56  }
0x117: {  	v60 =	vor.u32 v0, v49;
	v59 =	vld.idx.msk [tilespmem:v58+s18+$0x0], $0xffff  }
0x118: {  	v61 =	vor.u32 v18, v52;
	_ =	sdelay $0x3  }
0x119: {  	[tilespmem:v60+s24+$0x0] =	vst.idx.msk $0xffff, v59  }
0x11a: {  	v62 =	vor.u32 v19, v49;
	v48 =	vld.idx.msk [tilespmem:v61+s18+$0x0], $0xffff  }
0x11b: {  	v63 =	vor.u32 v20, v52;
	_ =	sdelay $0x3  }
0x11c: {  	[tilespmem:v62+s24+$0x0] =	vst.idx.msk $0xffff, v48  }
0x11d: {  	v54 =	vor.u32 v21, v49;
	v48 =	vld.idx.msk [tilespmem:v63+s18+$0x0], $0xffff  }
0x11e: {  	v55 =	vor.u32 v22, v52;
	_ =	sdelay $0x3  }
0x11f: {  	[tilespmem:v54+s24+$0x0] =	vst.idx.msk $0xffff, v48  }
0x120: {  	v56 =	vor.u32 v23, v49;
	v48 =	vld.idx.msk [tilespmem:v55+s18+$0x0], $0xffff  }
0x121: {  	v57 =	vor.u32 v24, v52;
	_ =	sdelay $0x3  }
0x122: {  	[tilespmem:v56+s24+$0x0] =	vst.idx.msk $0xffff, v48  }
0x123: {  	v58 =	vor.u32 v25, v49;
	v48 =	vld.idx.msk [tilespmem:v57+s18+$0x0], $0xffff  }
0x124: {  	v59 =	vor.u32 v26, v52;
	_ =	sdelay $0x3  }
0x125: {  	[tilespmem:v58+s24+$0x0] =	vst.idx.msk $0xffff, v48  }
0x126: {  	v60 =	vor.u32 v27, v49;
	v48 =	vld.idx.msk [tilespmem:v59+s18+$0x0], $0xffff  }
0x127: {  	v61 =	vor.u32 v28, v52;
	_ =	sdelay $0x3  }
0x128: {  	[tilespmem:v60+s24+$0x0] =	vst.idx.msk $0xffff, v48  }
0x129: {  	v62 =	vor.u32 v29, v49;
	v48 =	vld.idx.msk [tilespmem:v61+s18+$0x0], $0xffff  }
0x12a: {  	v63 =	vor.u32 v30, v52;
	_ =	sdelay $0x3  }
0x12b: {  	s31 =	simm.s32 $0x1;
	[tilespmem:v62+s24+$0x0] =	vst.idx.msk $0xffff, v48  }
0x12c: {  	s0 =	simm.s32 $0x2;
	v48 =	vadd.s32 s31, v0;
	v50 =	vld.idx.msk [tilespmem:v63+s18+$0x0], $0xffff  }
.LBB2_4:
0x12d: {  	p0 =	sne.s32 s0, $0xF;
	v51 =	vand.u32 $0xF, v48;
	v49 =	vor.u32 v31, v49  }
0x12e: {  	v52 =	vor.u32 v14, v51;
	_ =	sdelay $0x3  }
0x12f: {  	v53 =	vshll.u32 v48, $0x7;
	[tilespmem:v49+s24+$0x0] =	vst.idx.msk $0xffff, v50  }
0x130: {  	v50 =	vand.u32 $0x780, v53;
	v49 =	vld.idx.msk [tilespmem:v52+s18+$0x0], $0xffff  }
0x131: {  	v52 =	vor.u32 v0, v50  }
0x132: {  	v54 =	vor.u32 v18, v51;
	_ =	sdelay $0x3  }
0x133: {  	[tilespmem:v52+s24+$0x0] =	vst.idx.msk $0xffff, v49  }
0x134: {  	v49 =	vld.idx.msk [tilespmem:v54+s18+$0x0], $0xffff  }
0x135: {  	v52 =	vor.u32 v19, v50  }
0x136: {  	v54 =	vor.u32 v20, v51;
	_ =	sdelay $0x3  }
0x137: {  	[tilespmem:v52+s24+$0x0] =	vst.idx.msk $0xffff, v49  }
0x138: {  	v49 =	vld.idx.msk [tilespmem:v54+s18+$0x0], $0xffff  }
0x139: {  	v52 =	vor.u32 v21, v50  }
0x13a: {  	v54 =	vor.u32 v22, v51;
	_ =	sdelay $0x3  }
0x13b: {  	[tilespmem:v52+s24+$0x0] =	vst.idx.msk $0xffff, v49  }
0x13c: {  	v49 =	vld.idx.msk [tilespmem:v54+s18+$0x0], $0xffff  }
0x13d: {  	v52 =	vor.u32 v23, v50  }
0x13e: {  	v54 =	vor.u32 v24, v51;
	_ =	sdelay $0x3  }
0x13f: {  	[tilespmem:v52+s24+$0x0] =	vst.idx.msk $0xffff, v49  }
0x140: {  	v49 =	vld.idx.msk [tilespmem:v54+s18+$0x0], $0xffff  }
0x141: {  	v52 =	vor.u32 v25, v50  }
0x142: {  	v54 =	vor.u32 v26, v51;
	_ =	sdelay $0x3  }
0x143: {  	[tilespmem:v52+s24+$0x0] =	vst.idx.msk $0xffff, v49  }
0x144: {  	v49 =	vld.idx.msk [tilespmem:v54+s18+$0x0], $0xffff  }
0x145: {  	v52 =	vor.u32 v27, v50  }
0x146: {  	v54 =	vor.u32 v28, v51;
	_ =	sdelay $0x3  }
0x147: {  	[tilespmem:v52+s24+$0x0] =	vst.idx.msk $0xffff, v49  }
0x148: {  	v49 =	vld.idx.msk [tilespmem:v54+s18+$0x0], $0xffff  }
0x149: {  	v52 =	vor.u32 v29, v50  }
0x14a: {  	v51 =	vor.u32 v30, v51;
	_ =	sdelay $0x3  }
0x14b: {  	[tilespmem:v52+s24+$0x0] =	vst.idx.msk $0xffff, v49  }
0x14c: {  	v48 =	vor.u32 $0x10, v48;
	v49 =	vld.idx.msk [tilespmem:v51+s18+$0x0], $0xffff  }
0x14d: {  	v50 =	vor.u32 v31, v50;
	v51 =	vand.u32 $0x1F, v48  }
0x14e: {  	v52 =	vor.u32 v14, v51;
	_ =	sdelay $0x2  }
0x14f: {  	v48 =	vshll.u32 v48, $0x7  }
0x150: {  	v53 =	vand.u32 $0x380, v53;
	v48 =	vand.u32 $0xC00, v48;
	[tilespmem:v50+s24+$0x0] =	vst.idx.msk $0xffff, v49  }
0x151: {  	v49 =	vor.u32 v53, v48;
	v50 =	vld.idx.msk [tilespmem:v52+s18+$0x0], $0xffff  }
0x152: {  	v48 =	vor.u32 v0, v49  }
0x153: {  	v52 =	vor.u32 v18, v51;
	_ =	sdelay $0x3  }
0x154: {  	[tilespmem:v48+s24+$0x0] =	vst.idx.msk $0xffff, v50  }
0x155: {  	v48 =	vld.idx.msk [tilespmem:v52+s18+$0x0], $0xffff  }
0x156: {  	v50 =	vor.u32 v19, v49  }
0x157: {  	v52 =	vor.u32 v20, v51;
	_ =	sdelay $0x3  }
0x158: {  	[tilespmem:v50+s24+$0x0] =	vst.idx.msk $0xffff, v48  }
0x159: {  	v48 =	vld.idx.msk [tilespmem:v52+s18+$0x0], $0xffff  }
0x15a: {  	v50 =	vor.u32 v21, v49  }
0x15b: {  	v52 =	vor.u32 v22, v51;
	_ =	sdelay $0x3  }
0x15c: {  	[tilespmem:v50+s24+$0x0] =	vst.idx.msk $0xffff, v48  }
0x15d: {  	v48 =	vld.idx.msk [tilespmem:v52+s18+$0x0], $0xffff  }
0x15e: {  	v50 =	vor.u32 v23, v49  }
0x15f: {  	v52 =	vor.u32 v24, v51;
	_ =	sdelay $0x3  }
0x160: {  	[tilespmem:v50+s24+$0x0] =	vst.idx.msk $0xffff, v48  }
0x161: {  	v48 =	vld.idx.msk [tilespmem:v52+s18+$0x0], $0xffff  }
0x162: {  	v50 =	vor.u32 v25, v49  }
0x163: {  	v52 =	vor.u32 v26, v51;
	_ =	sdelay $0x3  }
0x164: {  	[tilespmem:v50+s24+$0x0] =	vst.idx.msk $0xffff, v48  }
0x165: {  	v48 =	vld.idx.msk [tilespmem:v52+s18+$0x0], $0xffff  }
0x166: {  	v50 =	vor.u32 v27, v49  }
0x167: {  	v52 =	vor.u32 v28, v51;
	_ =	sdelay $0x3  }
0x168: {  	[tilespmem:v50+s24+$0x0] =	vst.idx.msk $0xffff, v48  }
0x169: {  	v48 =	vld.idx.msk [tilespmem:v52+s18+$0x0], $0xffff  }
0x16a: {  	v50 =	vor.u32 v29, v49  }
0x16b: {  	v51 =	vor.u32 v30, v51  }
.Ltmp1:
0x16c: {  	(pc) =	sbr.rel @p0 .LBB2_4-.Ltmp1, $3  }
0x16d: {  	_ =	sdelay $0x1  }
0x16e: {  	[tilespmem:v50+s24+$0x0] =	vst.idx.msk $0xffff, v48  }
0x16f: {  	v48 =	vadd.s32 s0, v0;
	s0 =	sadd.s32 $0x1, s0;
	v50 =	vld.idx.msk [tilespmem:v51+s18+$0x0], $0xffff  }
0x170: {  	v51 =	vand.u32 $0xF, v48;
	v49 =	vor.u32 v31, v49  }
0x171: {  	v52 =	vor.u32 v14, v51;
	_ =	sdelay $0x2  }
0x172: {  	v53 =	vshll.u32 v48, $0x7  }
0x173: {  	[tilespmem:v49+s24+$0x0] =	vst.idx.msk $0xffff, v50;
	v49 =	vand.u32 $0x780, v53  }
0x174: {  	v50 =	vld.idx.msk [tilespmem:v52+s18+$0x0], $0xffff;
	v60 =	vor.u32 v0, v49  }
0x175: {  	v54 =	vor.u32 v18, v51;
	_ =	sdelay $0x3  }
0x176: {  	[tilespmem:v60+s24+$0x0] =	vst.idx.msk $0xffff, v50  }
0x177: {  	v61 =	vor.u32 v19, v49;
	v50 =	vld.idx.msk [tilespmem:v54+s18+$0x0], $0xffff  }
0x178: {  	v62 =	vor.u32 v20, v51;
	_ =	sdelay $0x3  }
0x179: {  	[tilespmem:v61+s24+$0x0] =	vst.idx.msk $0xffff, v50  }
0x17a: {  	v63 =	vor.u32 v21, v49;
	v50 =	vld.idx.msk [tilespmem:v62+s18+$0x0], $0xffff  }
0x17b: {  	v57 =	vor.u32 v22, v51;
	_ =	sdelay $0x3  }
0x17c: {  	[tilespmem:v63+s24+$0x0] =	vst.idx.msk $0xffff, v50  }
0x17d: {  	v58 =	vor.u32 v23, v49;
	v50 =	vld.idx.msk [tilespmem:v57+s18+$0x0], $0xffff  }
0x17e: {  	v59 =	vor.u32 v24, v51;
	_ =	sdelay $0x3  }
0x17f: {  	[tilespmem:v58+s24+$0x0] =	vst.idx.msk $0xffff, v50  }
0x180: {  	v60 =	vor.u32 v25, v49;
	v50 =	vld.idx.msk [tilespmem:v59+s18+$0x0], $0xffff  }
0x181: {  	v61 =	vor.u32 v26, v51;
	_ =	sdelay $0x3  }
0x182: {  	[tilespmem:v60+s24+$0x0] =	vst.idx.msk $0xffff, v50  }
0x183: {  	v62 =	vor.u32 v27, v49;
	v50 =	vld.idx.msk [tilespmem:v61+s18+$0x0], $0xffff  }
0x184: {  	v63 =	vor.u32 v28, v51;
	_ =	sdelay $0x3  }
0x185: {  	[tilespmem:v62+s24+$0x0] =	vst.idx.msk $0xffff, v50  }
0x186: {  	v56 =	vor.u32 v29, v49;
	v50 =	vld.idx.msk [tilespmem:v63+s18+$0x0], $0xffff  }
0x187: {  	v51 =	vor.u32 v30, v51;
	_ =	sdelay $0x3  }
0x188: {  	v57 =	vor.u32 $0x10, v48;
	[tilespmem:v56+s24+$0x0] =	vst.idx.msk $0xffff, v50  }
0x189: {  	v49 =	vor.u32 v31, v49;
	v50 =	vld.idx.msk [tilespmem:v51+s18+$0x0], $0xffff;
	v51 =	vand.u32 $0x1F, v57  }
0x18a: {  	v58 =	vor.u32 v14, v51;
	_ =	sdelay $0x1  }
0x18b: {  	v48 =	vshll.u32 v57, $0x7  }
0x18c: {  	v53 =	vand.u32 $0x380, v53;
	v48 =	vand.u32 $0xC00, v48  }
0x18d: {  	v48 =	vor.u32 v53, v48;
	[tilespmem:v49+s24+$0x0] =	vst.idx.msk $0xffff, v50  }
0x18e: {  	v59 =	vor.u32 v0, v48;
	v49 =	vld.idx.msk [tilespmem:v58+s18+$0x0], $0xffff  }
0x18f: {  	v60 =	vor.u32 v18, v51;
	_ =	sdelay $0x3  }
0x190: {  	[tilespmem:v59+s24+$0x0] =	vst.idx.msk $0xffff, v49  }
0x191: {  	v61 =	vor.u32 v19, v48;
	v49 =	vld.idx.msk [tilespmem:v60+s18+$0x0], $0xffff  }
0x192: {  	v62 =	vor.u32 v20, v51;
	_ =	sdelay $0x3  }
0x193: {  	[tilespmem:v61+s24+$0x0] =	vst.idx.msk $0xffff, v49  }
0x194: {  	v63 =	vor.u32 v21, v48;
	v49 =	vld.idx.msk [tilespmem:v62+s18+$0x0], $0xffff  }
0x195: {  	v56 =	vor.u32 v22, v51;
	_ =	sdelay $0x3  }
0x196: {  	[tilespmem:v63+s24+$0x0] =	vst.idx.msk $0xffff, v49  }
0x197: {  	v57 =	vor.u32 v23, v48;
	v49 =	vld.idx.msk [tilespmem:v56+s18+$0x0], $0xffff  }
0x198: {  	v58 =	vor.u32 v24, v51;
	_ =	sdelay $0x3  }
0x199: {  	[tilespmem:v57+s24+$0x0] =	vst.idx.msk $0xffff, v49  }
0x19a: {  	v59 =	vor.u32 v25, v48;
	v49 =	vld.idx.msk [tilespmem:v58+s18+$0x0], $0xffff  }
0x19b: {  	v60 =	vor.u32 v26, v51;
	_ =	sdelay $0x3  }
0x19c: {  	[tilespmem:v59+s24+$0x0] =	vst.idx.msk $0xffff, v49  }
0x19d: {  	v61 =	vor.u32 v27, v48;
	v49 =	vld.idx.msk [tilespmem:v60+s18+$0x0], $0xffff  }
0x19e: {  	v62 =	vor.u32 v28, v51;
	_ =	sdelay $0x3  }
0x19f: {  	[tilespmem:v61+s24+$0x0] =	vst.idx.msk $0xffff, v49  }
0x1a0: {  	v63 =	vor.u32 v29, v48;
	v49 =	vld.idx.msk [tilespmem:v62+s18+$0x0], $0xffff  }
0x1a1: {  	v51 =	vor.u32 v30, v51;
	_ =	sdelay $0x3  }
0x1a2: {  	[tilespmem:v63+s24+$0x0] =	vst.idx.msk $0xffff, v49  }
0x1a3: {  	v48 =	vor.u32 v31, v48;
	v49 =	vld.idx.msk [tilespmem:v51+s18+$0x0], $0xffff;
	_ =	sdelay $0x4  }
0x1a4: {  	s0 =	rddreg [dreg:$0x4];
	[tilespmem:v48+s24+$0x0] =	vst.idx.msk $0xffff, v49  }
0x1a5: {  	[hbm4b:s0+s21] =	stream.strided.scatter [tilespmem:s24], [sflag:$0x4], $0x1000, s22, s21, $0x38;
	[tilespmem:$0x7500] =	vst v63  }
0x1a6: {  	v48 =	vld.idx.msk [tilespmem:v40+s3+$0x0], $0xffff;
	_ =	sdelay $0x4  }
0x1a7: {  	[tilespmem:$0x3480] =	vst v48  }
0x1a8: {  	v48 =	vld.idx.msk [tilespmem:v41+s3+$0x0], $0xffff;
	_ =	sdelay $0x4  }
0x1a9: {  	[tilespmem:$0x3490] =	vst v48  }
0x1aa: {  	v48 =	vld.idx.msk [tilespmem:v42+s3+$0x0], $0xffff;
	_ =	sdelay $0x4  }
0x1ab: {  	[tilespmem:$0x34A0] =	vst v48  }
0x1ac: {  	v48 =	vld.idx.msk [tilespmem:v43+s3+$0x0], $0xffff;
	_ =	sdelay $0x4  }
0x1ad: {  	[tilespmem:$0x34B0] =	vst v48  }
0x1ae: {  	v48 =	vld.idx.msk [tilespmem:v44+s3+$0x0], $0xffff;
	_ =	sdelay $0x4  }
0x1af: {  	[tilespmem:$0x34C0] =	vst v48  }
0x1b0: {  	v48 =	vld.idx.msk [tilespmem:v45+s3+$0x0], $0xffff;
	_ =	sdelay $0x4  }
0x1b1: {  	[tilespmem:$0x34D0] =	vst v48  }
0x1b2: {  	v48 =	vld.idx.msk [tilespmem:v46+s3+$0x0], $0xffff;
	_ =	sdelay $0x4  }
0x1b3: {  	[tilespmem:$0x34E0] =	vst v48  }
0x1b4: {  	v48 =	vld.idx.msk [tilespmem:v47+s3+$0x0], $0xffff;
	_ =	sdelay $0x4  }
0x1b5: {  	s29 =	simm.s32 $0x1;
	[tilespmem:$0x34F0] =	vst v48  }
0x1b6: {  	[tilespmem:s18], [sflag:$0x2] =	stream.indirect.gather [hbm4b:s4+s14], $0x20, s17, s14, $0xb8;
	[tilespmem:$0x7500] =	vst v63  }
.LBB2_6:
0x1b7: {  	s0 =	simm.s32 $0x0  }
0x1b8: {  	v48 =	vadd.s32 s0, v0  }
0x1b9: {  	_ =	swait.ge [sflag:s19], $0x1000;
	v49 =	vand.u32 $0xF, v48  }
0x1ba: {  	[sflag:s19] =	ssyncset.done $0x0;
	v50 =	vor.u32 v14, v49  }
0x1bb: {  	[sflag:s19] =	ssyncadd.s32 $0xFFFFF000  }
0x1bc: {  	_ =	swait.ge [sflag:s25], $0x1000  }
0x1bd: {  	v51 =	vshll.u32 v48, $0x7;
	[sflag:s25] =	ssyncset.done $0x0  }
0x1be: {  	v52 =	vand.u32 $0x780, v51;
	[sflag:s25] =	ssyncadd.s32 $0xFFFFF000  }
0x1bf: {  	v53 =	vor.u32 v0, v52;
	v50 =	vld.idx.msk [tilespmem:v50+s16+$0x0], $0xffff  }
0x1c0: {  	v54 =	vor.u32 v18, v49;
	_ =	sdelay $0x3  }
0x1c1: {  	[tilespmem:v53+s20+$0x0] =	vst.idx.msk $0xffff, v50  }
0x1c2: {  	v61 =	vor.u32 v19, v52;
	v50 =	vld.idx.msk [tilespmem:v54+s16+$0x0], $0xffff  }
0x1c3: {  	v62 =	vor.u32 v20, v49;
	_ =	sdelay $0x3  }
0x1c4: {  	[tilespmem:v61+s20+$0x0] =	vst.idx.msk $0xffff, v50  }
0x1c5: {  	v63 =	vor.u32 v21, v52;
	v50 =	vld.idx.msk [tilespmem:v62+s16+$0x0], $0xffff  }
0x1c6: {  	v57 =	vor.u32 v22, v49;
	_ =	sdelay $0x3  }
0x1c7: {  	[tilespmem:v63+s20+$0x0] =	vst.idx.msk $0xffff, v50  }
0x1c8: {  	v58 =	vor.u32 v23, v52;
	v50 =	vld.idx.msk [tilespmem:v57+s16+$0x0], $0xffff  }
0x1c9: {  	v59 =	vor.u32 v24, v49;
	_ =	sdelay $0x3  }
0x1ca: {  	[tilespmem:v58+s20+$0x0] =	vst.idx.msk $0xffff, v50  }
0x1cb: {  	v60 =	vor.u32 v25, v52;
	v50 =	vld.idx.msk [tilespmem:v59+s16+$0x0], $0xffff  }
0x1cc: {  	v61 =	vor.u32 v26, v49;
	_ =	sdelay $0x3  }
0x1cd: {  	[tilespmem:v60+s20+$0x0] =	vst.idx.msk $0xffff, v50  }
0x1ce: {  	v62 =	vor.u32 v27, v52;
	v50 =	vld.idx.msk [tilespmem:v61+s16+$0x0], $0xffff  }
0x1cf: {  	v63 =	vor.u32 v28, v49;
	_ =	sdelay $0x3  }
0x1d0: {  	[tilespmem:v62+s20+$0x0] =	vst.idx.msk $0xffff, v50  }
0x1d1: {  	v56 =	vor.u32 v29, v52;
	v50 =	vld.idx.msk [tilespmem:v63+s16+$0x0], $0xffff  }
0x1d2: {  	v49 =	vor.u32 v30, v49;
	_ =	sdelay $0x3  }
0x1d3: {  	v48 =	vor.u32 $0x10, v48;
	[tilespmem:v56+s20+$0x0] =	vst.idx.msk $0xffff, v50  }
0x1d4: {  	v57 =	vor.u32 v31, v52;
	v52 =	vand.u32 $0x1F, v48;
	v49 =	vld.idx.msk [tilespmem:v49+s16+$0x0], $0xffff  }
0x1d5: {  	v58 =	vor.u32 v14, v52;
	_ =	sdelay $0x1  }
0x1d6: {  	v48 =	vshll.u32 v48, $0x7  }
0x1d7: {  	v51 =	vand.u32 $0x380, v51;
	v48 =	vand.u32 $0xC00, v48  }
0x1d8: {  	[tilespmem:v57+s20+$0x0] =	vst.idx.msk $0xffff, v49;
	v49 =	vor.u32 v51, v48  }
0x1d9: {  	v59 =	vld.idx.msk [tilespmem:v58+s16+$0x0], $0xffff;
	v60 =	vor.u32 v0, v49  }
0x1da: {  	v61 =	vor.u32 v18, v52;
	_ =	sdelay $0x3  }
0x1db: {  	[tilespmem:v60+s20+$0x0] =	vst.idx.msk $0xffff, v59  }
0x1dc: {  	v62 =	vor.u32 v19, v49;
	v48 =	vld.idx.msk [tilespmem:v61+s16+$0x0], $0xffff  }
0x1dd: {  	v63 =	vor.u32 v20, v52;
	_ =	sdelay $0x3  }
0x1de: {  	[tilespmem:v62+s20+$0x0] =	vst.idx.msk $0xffff, v48  }
0x1df: {  	v54 =	vor.u32 v21, v49;
	v48 =	vld.idx.msk [tilespmem:v63+s16+$0x0], $0xffff  }
0x1e0: {  	v55 =	vor.u32 v22, v52;
	_ =	sdelay $0x3  }
0x1e1: {  	[tilespmem:v54+s20+$0x0] =	vst.idx.msk $0xffff, v48  }
0x1e2: {  	v56 =	vor.u32 v23, v49;
	v48 =	vld.idx.msk [tilespmem:v55+s16+$0x0], $0xffff  }
0x1e3: {  	v57 =	vor.u32 v24, v52;
	_ =	sdelay $0x3  }
0x1e4: {  	[tilespmem:v56+s20+$0x0] =	vst.idx.msk $0xffff, v48  }
0x1e5: {  	v58 =	vor.u32 v25, v49;
	v48 =	vld.idx.msk [tilespmem:v57+s16+$0x0], $0xffff  }
0x1e6: {  	v59 =	vor.u32 v26, v52;
	_ =	sdelay $0x3  }
0x1e7: {  	[tilespmem:v58+s20+$0x0] =	vst.idx.msk $0xffff, v48  }
0x1e8: {  	v60 =	vor.u32 v27, v49;
	v48 =	vld.idx.msk [tilespmem:v59+s16+$0x0], $0xffff  }
0x1e9: {  	v61 =	vor.u32 v28, v52;
	_ =	sdelay $0x3  }
0x1ea: {  	[tilespmem:v60+s20+$0x0] =	vst.idx.msk $0xffff, v48  }
0x1eb: {  	s30 =	sshll.u32 s29, $0x1;
	s8 =	sshrl.u32 s29, $0x1;
	v62 =	vor.u32 v29, v49;
	v48 =	vld.idx.msk [tilespmem:v61+s16+$0x0], $0xffff  }
0x1ec: {  	s1 =	sshll.u32 s8, $0x2;
	s5 =	sadd.s32 s7, s30;
	v63 =	vor.u32 v30, v52  }
0x1ed: {  	s5 =	ssub.s32 s5, s1  }
0x1ee: {  	s31 =	sshll.u32 s8, $0x13;
	s5 =	sshll.u32 s5, $0xA  }
0x1ef: {  	s0 =	sadd.s32 s31, s5  }
0x1f0: {  	s8 =	simm.s32 $0x1;
	s0 =	sshrl.u32 s0, $0x3;
	[tilespmem:v62+s20+$0x0] =	vst.idx.msk $0xffff, v48  }
0x1f1: {  	s1 =	ssub.s32 $0x0, s1;
	s5 =	simm.s32 $0x2;
	s0 =	sadd.s32 s2, s0;
	v48 =	vadd.s32 s8, v0;
	v50 =	vld.idx.msk [tilespmem:v63+s16+$0x0], $0xffff  }
.LBB2_7:
0x1f2: {  	p0 =	sne.s32 s5, $0xF;
	v51 =	vand.u32 $0xF, v48;
	v49 =	vor.u32 v31, v49  }
0x1f3: {  	v52 =	vor.u32 v14, v51;
	_ =	sdelay $0x3  }
0x1f4: {  	v53 =	vshll.u32 v48, $0x7;
	[tilespmem:v49+s20+$0x0] =	vst.idx.msk $0xffff, v50  }
0x1f5: {  	v50 =	vand.u32 $0x780, v53;
	v49 =	vld.idx.msk [tilespmem:v52+s16+$0x0], $0xffff  }
0x1f6: {  	v52 =	vor.u32 v0, v50  }
0x1f7: {  	v54 =	vor.u32 v18, v51;
	_ =	sdelay $0x3  }
0x1f8: {  	[tilespmem:v52+s20+$0x0] =	vst.idx.msk $0xffff, v49  }
0x1f9: {  	v49 =	vld.idx.msk [tilespmem:v54+s16+$0x0], $0xffff  }
0x1fa: {  	v52 =	vor.u32 v19, v50  }
0x1fb: {  	v54 =	vor.u32 v20, v51;
	_ =	sdelay $0x3  }
0x1fc: {  	[tilespmem:v52+s20+$0x0] =	vst.idx.msk $0xffff, v49  }
0x1fd: {  	v49 =	vld.idx.msk [tilespmem:v54+s16+$0x0], $0xffff  }
0x1fe: {  	v52 =	vor.u32 v21, v50  }
0x1ff: {  	v54 =	vor.u32 v22, v51;
	_ =	sdelay $0x3  }
0x200: {  	[tilespmem:v52+s20+$0x0] =	vst.idx.msk $0xffff, v49  }
0x201: {  	v49 =	vld.idx.msk [tilespmem:v54+s16+$0x0], $0xffff  }
0x202: {  	v52 =	vor.u32 v23, v50  }
0x203: {  	v54 =	vor.u32 v24, v51;
	_ =	sdelay $0x3  }
0x204: {  	[tilespmem:v52+s20+$0x0] =	vst.idx.msk $0xffff, v49  }
0x205: {  	v49 =	vld.idx.msk [tilespmem:v54+s16+$0x0], $0xffff  }
0x206: {  	v52 =	vor.u32 v25, v50  }
0x207: {  	v54 =	vor.u32 v26, v51;
	_ =	sdelay $0x3  }
0x208: {  	[tilespmem:v52+s20+$0x0] =	vst.idx.msk $0xffff, v49  }
0x209: {  	v49 =	vld.idx.msk [tilespmem:v54+s16+$0x0], $0xffff  }
0x20a: {  	v52 =	vor.u32 v27, v50  }
0x20b: {  	v54 =	vor.u32 v28, v51;
	_ =	sdelay $0x3  }
0x20c: {  	[tilespmem:v52+s20+$0x0] =	vst.idx.msk $0xffff, v49  }
0x20d: {  	v49 =	vld.idx.msk [tilespmem:v54+s16+$0x0], $0xffff  }
0x20e: {  	v52 =	vor.u32 v29, v50  }
0x20f: {  	v51 =	vor.u32 v30, v51;
	_ =	sdelay $0x3  }
0x210: {  	[tilespmem:v52+s20+$0x0] =	vst.idx.msk $0xffff, v49  }
0x211: {  	v48 =	vor.u32 $0x10, v48;
	v49 =	vld.idx.msk [tilespmem:v51+s16+$0x0], $0xffff  }
0x212: {  	v50 =	vor.u32 v31, v50;
	v51 =	vand.u32 $0x1F, v48  }
0x213: {  	v52 =	vor.u32 v14, v51;
	_ =	sdelay $0x2  }
0x214: {  	v48 =	vshll.u32 v48, $0x7  }
0x215: {  	v53 =	vand.u32 $0x380, v53;
	v48 =	vand.u32 $0xC00, v48;
	[tilespmem:v50+s20+$0x0] =	vst.idx.msk $0xffff, v49  }
0x216: {  	v49 =	vor.u32 v53, v48;
	v50 =	vld.idx.msk [tilespmem:v52+s16+$0x0], $0xffff  }
0x217: {  	v48 =	vor.u32 v0, v49  }
0x218: {  	v52 =	vor.u32 v18, v51;
	_ =	sdelay $0x3  }
0x219: {  	[tilespmem:v48+s20+$0x0] =	vst.idx.msk $0xffff, v50  }
0x21a: {  	v48 =	vld.idx.msk [tilespmem:v52+s16+$0x0], $0xffff  }
0x21b: {  	v50 =	vor.u32 v19, v49  }
0x21c: {  	v52 =	vor.u32 v20, v51;
	_ =	sdelay $0x3  }
0x21d: {  	[tilespmem:v50+s20+$0x0] =	vst.idx.msk $0xffff, v48  }
0x21e: {  	v48 =	vld.idx.msk [tilespmem:v52+s16+$0x0], $0xffff  }
0x21f: {  	v50 =	vor.u32 v21, v49  }
0x220: {  	v52 =	vor.u32 v22, v51;
	_ =	sdelay $0x3  }
0x221: {  	[tilespmem:v50+s20+$0x0] =	vst.idx.msk $0xffff, v48  }
0x222: {  	v48 =	vld.idx.msk [tilespmem:v52+s16+$0x0], $0xffff  }
0x223: {  	v50 =	vor.u32 v23, v49  }
0x224: {  	v52 =	vor.u32 v24, v51;
	_ =	sdelay $0x3  }
0x225: {  	[tilespmem:v50+s20+$0x0] =	vst.idx.msk $0xffff, v48  }
0x226: {  	v48 =	vld.idx.msk [tilespmem:v52+s16+$0x0], $0xffff  }
0x227: {  	v50 =	vor.u32 v25, v49  }
0x228: {  	v52 =	vor.u32 v26, v51;
	_ =	sdelay $0x3  }
0x229: {  	[tilespmem:v50+s20+$0x0] =	vst.idx.msk $0xffff, v48  }
0x22a: {  	v48 =	vld.idx.msk [tilespmem:v52+s16+$0x0], $0xffff  }
0x22b: {  	v50 =	vor.u32 v27, v49  }
0x22c: {  	v52 =	vor.u32 v28, v51;
	_ =	sdelay $0x3  }
0x22d: {  	[tilespmem:v50+s20+$0x0] =	vst.idx.msk $0xffff, v48  }
0x22e: {  	v48 =	vld.idx.msk [tilespmem:v52+s16+$0x0], $0xffff  }
0x22f: {  	v50 =	vor.u32 v29, v49  }
0x230: {  	v51 =	vor.u32 v30, v51  }
.Ltmp2:
0x231: {  	(pc) =	sbr.rel @p0 .LBB2_7-.Ltmp2, $3  }
0x232: {  	_ =	sdelay $0x1  }
0x233: {  	[tilespmem:v50+s20+$0x0] =	vst.idx.msk $0xffff, v48  }
0x234: {  	v48 =	vadd.s32 s5, v0;
	s5 =	sadd.s32 $0x1, s5;
	v50 =	vld.idx.msk [tilespmem:v51+s16+$0x0], $0xffff  }
0x235: {  	v51 =	vand.u32 $0xF, v48;
	v49 =	vor.u32 v31, v49  }
0x236: {  	v52 =	vor.u32 v14, v51;
	_ =	sdelay $0x2  }
0x237: {  	v53 =	vshll.u32 v48, $0x7  }
0x238: {  	[tilespmem:v49+s20+$0x0] =	vst.idx.msk $0xffff, v50;
	v49 =	vand.u32 $0x780, v53  }
0x239: {  	v50 =	vld.idx.msk [tilespmem:v52+s16+$0x0], $0xffff;
	v58 =	vor.u32 v0, v49  }
0x23a: {  	v54 =	vor.u32 v18, v51;
	_ =	sdelay $0x3  }
0x23b: {  	[tilespmem:v58+s20+$0x0] =	vst.idx.msk $0xffff, v50  }
0x23c: {  	v59 =	vor.u32 v19, v49;
	v50 =	vld.idx.msk [tilespmem:v54+s16+$0x0], $0xffff  }
0x23d: {  	v60 =	vor.u32 v20, v51;
	_ =	sdelay $0x3  }
0x23e: {  	[tilespmem:v59+s20+$0x0] =	vst.idx.msk $0xffff, v50  }
0x23f: {  	v61 =	vor.u32 v21, v49;
	v50 =	vld.idx.msk [tilespmem:v60+s16+$0x0], $0xffff  }
0x240: {  	v62 =	vor.u32 v22, v51;
	_ =	sdelay $0x3  }
0x241: {  	[tilespmem:v61+s20+$0x0] =	vst.idx.msk $0xffff, v50  }
0x242: {  	v63 =	vor.u32 v23, v49;
	v50 =	vld.idx.msk [tilespmem:v62+s16+$0x0], $0xffff  }
0x243: {  	v57 =	vor.u32 v24, v51;
	_ =	sdelay $0x3  }
0x244: {  	[tilespmem:v63+s20+$0x0] =	vst.idx.msk $0xffff, v50  }
0x245: {  	v58 =	vor.u32 v25, v49;
	v50 =	vld.idx.msk [tilespmem:v57+s16+$0x0], $0xffff  }
0x246: {  	v59 =	vor.u32 v26, v51;
	_ =	sdelay $0x3  }
0x247: {  	[tilespmem:v58+s20+$0x0] =	vst.idx.msk $0xffff, v50  }
0x248: {  	v60 =	vor.u32 v27, v49;
	v50 =	vld.idx.msk [tilespmem:v59+s16+$0x0], $0xffff  }
0x249: {  	v61 =	vor.u32 v28, v51;
	_ =	sdelay $0x3  }
0x24a: {  	[tilespmem:v60+s20+$0x0] =	vst.idx.msk $0xffff, v50  }
0x24b: {  	v62 =	vor.u32 v29, v49;
	v50 =	vld.idx.msk [tilespmem:v61+s16+$0x0], $0xffff  }
0x24c: {  	v51 =	vor.u32 v30, v51;
	_ =	sdelay $0x3  }
0x24d: {  	v63 =	vor.u32 $0x10, v48;
	[tilespmem:v62+s20+$0x0] =	vst.idx.msk $0xffff, v50  }
0x24e: {  	v49 =	vor.u32 v31, v49;
	v50 =	vld.idx.msk [tilespmem:v51+s16+$0x0], $0xffff;
	v51 =	vand.u32 $0x1F, v63  }
0x24f: {  	v56 =	vor.u32 v14, v51;
	_ =	sdelay $0x1  }
0x250: {  	v48 =	vshll.u32 v63, $0x7  }
0x251: {  	v53 =	vand.u32 $0x380, v53;
	v48 =	vand.u32 $0xC00, v48  }
0x252: {  	v48 =	vor.u32 v53, v48;
	[tilespmem:v49+s20+$0x0] =	vst.idx.msk $0xffff, v50  }
0x253: {  	v57 =	vor.u32 v0, v48;
	v49 =	vld.idx.msk [tilespmem:v56+s16+$0x0], $0xffff  }
0x254: {  	v58 =	vor.u32 v18, v51;
	_ =	sdelay $0x3  }
0x255: {  	[tilespmem:v57+s20+$0x0] =	vst.idx.msk $0xffff, v49  }
0x256: {  	v59 =	vor.u32 v19, v48;
	v49 =	vld.idx.msk [tilespmem:v58+s16+$0x0], $0xffff  }
0x257: {  	v60 =	vor.u32 v20, v51;
	_ =	sdelay $0x3  }
0x258: {  	[tilespmem:v59+s20+$0x0] =	vst.idx.msk $0xffff, v49  }
0x259: {  	v61 =	vor.u32 v21, v48;
	v49 =	vld.idx.msk [tilespmem:v60+s16+$0x0], $0xffff  }
0x25a: {  	v62 =	vor.u32 v22, v51;
	_ =	sdelay $0x3  }
0x25b: {  	[tilespmem:v61+s20+$0x0] =	vst.idx.msk $0xffff, v49  }
0x25c: {  	v63 =	vor.u32 v23, v48;
	v49 =	vld.idx.msk [tilespmem:v62+s16+$0x0], $0xffff  }
0x25d: {  	v56 =	vor.u32 v24, v51;
	_ =	sdelay $0x3  }
0x25e: {  	[tilespmem:v63+s20+$0x0] =	vst.idx.msk $0xffff, v49  }
0x25f: {  	v57 =	vor.u32 v25, v48;
	v49 =	vld.idx.msk [tilespmem:v56+s16+$0x0], $0xffff  }
0x260: {  	v58 =	vor.u32 v26, v51;
	_ =	sdelay $0x3  }
0x261: {  	[tilespmem:v57+s20+$0x0] =	vst.idx.msk $0xffff, v49  }
0x262: {  	v59 =	vor.u32 v27, v48;
	v49 =	vld.idx.msk [tilespmem:v58+s16+$0x0], $0xffff  }
0x263: {  	v60 =	vor.u32 v28, v51;
	_ =	sdelay $0x3  }
0x264: {  	[tilespmem:v59+s20+$0x0] =	vst.idx.msk $0xffff, v49  }
0x265: {  	v61 =	vor.u32 v29, v48;
	v49 =	vld.idx.msk [tilespmem:v60+s16+$0x0], $0xffff  }
0x266: {  	v51 =	vor.u32 v30, v51;
	_ =	sdelay $0x2  }
0x267: {  	s5 =	sadd.s32 $0x2, s30  }
0x268: {  	s8 =	sand.u32 $0x2, s5;
	[tilespmem:v61+s20+$0x0] =	vst.idx.msk $0xffff, v49  }
0x269: {  	s8 =	smul.u32 $0xD00, s8;
	v48 =	vor.u32 v31, v48;
	v49 =	vld.idx.msk [tilespmem:v51+s16+$0x0], $0xffff  }
0x26a: {  	s5 =	sshrl.u32 s5, $0x2  }
0x26b: {  	s5 =	sadd.s32 s5, s8  }
0x26c: {  	v62 =	vadd.s32 s5, v1;
	_ =	sdelay $0x1  }
0x26d: {  	[tilespmem:v48+s20+$0x0] =	vst.idx.msk $0xffff, v49  }
0x26e: {  	[hbm4b:s0+s21] =	stream.strided.scatter [tilespmem:s20], [sflag:$0x3], $0x1000, s22, s21, $0x38;
	[tilespmem:$0x7500] =	vst v63  }
0x26f: {  	s0 =	simm.s32 $0x0  }
0x270: {  	s8 =	sadd.s32 $0x1A0, s5;
	v48 =	vld.idx.msk [tilespmem:v62+s0+$0x0], $0xffff  }
0x271: {  	v63 =	vadd.s32 s8, v1;
	_ =	sdelay $0x3  }
0x272: {  	[tilespmem:$0x3400] =	vst v48  }
0x273: {  	s8 =	sadd.s32 $0x340, s5;
	v48 =	vld.idx.msk [tilespmem:v63+s0+$0x0], $0xffff  }
0x274: {  	v52 =	vadd.s32 s8, v1;
	_ =	sdelay $0x3  }
0x275: {  	[tilespmem:$0x3410] =	vst v48  }
0x276: {  	s8 =	sadd.s32 $0x4E0, s5;
	v48 =	vld.idx.msk [tilespmem:v52+s0+$0x0], $0xffff  }
0x277: {  	v53 =	vadd.s32 s8, v1;
	_ =	sdelay $0x3  }
0x278: {  	[tilespmem:$0x3420] =	vst v48  }
0x279: {  	s8 =	sadd.s32 $0x680, s5;
	v48 =	vld.idx.msk [tilespmem:v53+s0+$0x0], $0xffff  }
0x27a: {  	v54 =	vadd.s32 s8, v1;
	_ =	sdelay $0x3  }
0x27b: {  	[tilespmem:$0x3430] =	vst v48  }
0x27c: {  	s8 =	sadd.s32 $0x820, s5;
	v48 =	vld.idx.msk [tilespmem:v54+s0+$0x0], $0xffff  }
0x27d: {  	v55 =	vadd.s32 s8, v1;
	_ =	sdelay $0x3  }
0x27e: {  	[tilespmem:$0x3440] =	vst v48  }
0x27f: {  	s8 =	sadd.s32 $0x9C0, s5;
	v48 =	vld.idx.msk [tilespmem:v55+s0+$0x0], $0xffff  }
0x280: {  	v56 =	vadd.s32 s8, v1;
	_ =	sdelay $0x3  }
0x281: {  	[tilespmem:$0x3450] =	vst v48  }
0x282: {  	s5 =	sadd.s32 $0xB60, s5;
	v48 =	vld.idx.msk [tilespmem:v56+s0+$0x0], $0xffff  }
0x283: {  	v57 =	vadd.s32 s5, v1;
	_ =	sdelay $0x3  }
0x284: {  	[tilespmem:$0x3460] =	vst v48  }
0x285: {  	v48 =	vld.idx.msk [tilespmem:v57+s0+$0x0], $0xffff;
	_ =	sdelay $0x4  }
0x286: {  	[tilespmem:$0x3470] =	vst v48  }
0x287: {  	v48 =	vadd.s32 s0, v0;
	[tilespmem:s16], [sflag:$0x1] =	stream.indirect.gather [hbm4b:s4+s14], $0x20, s15, s14, $0xb8;
	[tilespmem:$0x7500] =	vst v63  }
0x288: {  	v49 =	vand.u32 $0xF, v48;
	_ =	swait.ge [sflag:s23], $0x1000  }
0x289: {  	v58 =	vor.u32 v14, v49;
	[sflag:s23] =	ssyncset.done $0x0  }
0x28a: {  	[sflag:s23] =	ssyncadd.s32 $0xFFFFF000  }
0x28b: {  	_ =	swait.ge [sflag:s26], $0x1000  }
0x28c: {  	v51 =	vshll.u32 v48, $0x7;
	[sflag:s26] =	ssyncset.done $0x0  }
0x28d: {  	v52 =	vand.u32 $0x780, v51;
	[sflag:s26] =	ssyncadd.s32 $0xFFFFF000  }
0x28e: {  	v59 =	vor.u32 v0, v52;
	v50 =	vld.idx.msk [tilespmem:v58+s18+$0x0], $0xffff  }
0x28f: {  	v60 =	vor.u32 v18, v49;
	_ =	sdelay $0x3  }
0x290: {  	[tilespmem:v59+s24+$0x0] =	vst.idx.msk $0xffff, v50  }
0x291: {  	v61 =	vor.u32 v19, v52;
	v50 =	vld.idx.msk [tilespmem:v60+s18+$0x0], $0xffff  }
0x292: {  	v62 =	vor.u32 v20, v49;
	_ =	sdelay $0x3  }
0x293: {  	[tilespmem:v61+s24+$0x0] =	vst.idx.msk $0xffff, v50  }
0x294: {  	v63 =	vor.u32 v21, v52;
	v50 =	vld.idx.msk [tilespmem:v62+s18+$0x0], $0xffff  }
0x295: {  	v57 =	vor.u32 v22, v49;
	_ =	sdelay $0x3  }
0x296: {  	[tilespmem:v63+s24+$0x0] =	vst.idx.msk $0xffff, v50  }
0x297: {  	v58 =	vor.u32 v23, v52;
	v50 =	vld.idx.msk [tilespmem:v57+s18+$0x0], $0xffff  }
0x298: {  	v59 =	vor.u32 v24, v49;
	_ =	sdelay $0x3  }
0x299: {  	[tilespmem:v58+s24+$0x0] =	vst.idx.msk $0xffff, v50  }
0x29a: {  	v60 =	vor.u32 v25, v52;
	v50 =	vld.idx.msk [tilespmem:v59+s18+$0x0], $0xffff  }
0x29b: {  	v61 =	vor.u32 v26, v49;
	_ =	sdelay $0x3  }
0x29c: {  	[tilespmem:v60+s24+$0x0] =	vst.idx.msk $0xffff, v50  }
0x29d: {  	v62 =	vor.u32 v27, v52;
	v50 =	vld.idx.msk [tilespmem:v61+s18+$0x0], $0xffff  }
0x29e: {  	v63 =	vor.u32 v28, v49;
	_ =	sdelay $0x3  }
0x29f: {  	[tilespmem:v62+s24+$0x0] =	vst.idx.msk $0xffff, v50  }
0x2a0: {  	v56 =	vor.u32 v29, v52;
	v50 =	vld.idx.msk [tilespmem:v63+s18+$0x0], $0xffff  }
0x2a1: {  	v49 =	vor.u32 v30, v49;
	_ =	sdelay $0x3  }
0x2a2: {  	v48 =	vor.u32 $0x10, v48;
	[tilespmem:v56+s24+$0x0] =	vst.idx.msk $0xffff, v50  }
0x2a3: {  	v57 =	vor.u32 v31, v52;
	v52 =	vand.u32 $0x1F, v48;
	v49 =	vld.idx.msk [tilespmem:v49+s18+$0x0], $0xffff  }
0x2a4: {  	v58 =	vor.u32 v14, v52;
	_ =	sdelay $0x1  }
0x2a5: {  	v48 =	vshll.u32 v48, $0x7  }
0x2a6: {  	v51 =	vand.u32 $0x380, v51;
	v48 =	vand.u32 $0xC00, v48  }
0x2a7: {  	[tilespmem:v57+s24+$0x0] =	vst.idx.msk $0xffff, v49;
	v49 =	vor.u32 v51, v48  }
0x2a8: {  	v59 =	vld.idx.msk [tilespmem:v58+s18+$0x0], $0xffff;
	v60 =	vor.u32 v0, v49  }
0x2a9: {  	v61 =	vor.u32 v18, v52;
	_ =	sdelay $0x3  }
0x2aa: {  	[tilespmem:v60+s24+$0x0] =	vst.idx.msk $0xffff, v59  }
0x2ab: {  	v62 =	vor.u32 v19, v49;
	v48 =	vld.idx.msk [tilespmem:v61+s18+$0x0], $0xffff  }
0x2ac: {  	v63 =	vor.u32 v20, v52;
	_ =	sdelay $0x3  }
0x2ad: {  	[tilespmem:v62+s24+$0x0] =	vst.idx.msk $0xffff, v48  }
0x2ae: {  	v54 =	vor.u32 v21, v49;
	v48 =	vld.idx.msk [tilespmem:v63+s18+$0x0], $0xffff  }
0x2af: {  	v55 =	vor.u32 v22, v52;
	_ =	sdelay $0x3  }
0x2b0: {  	[tilespmem:v54+s24+$0x0] =	vst.idx.msk $0xffff, v48  }
0x2b1: {  	v56 =	vor.u32 v23, v49;
	v48 =	vld.idx.msk [tilespmem:v55+s18+$0x0], $0xffff  }
0x2b2: {  	v57 =	vor.u32 v24, v52;
	_ =	sdelay $0x3  }
0x2b3: {  	[tilespmem:v56+s24+$0x0] =	vst.idx.msk $0xffff, v48  }
0x2b4: {  	v58 =	vor.u32 v25, v49;
	v48 =	vld.idx.msk [tilespmem:v57+s18+$0x0], $0xffff  }
0x2b5: {  	v59 =	vor.u32 v26, v52;
	_ =	sdelay $0x3  }
0x2b6: {  	[tilespmem:v58+s24+$0x0] =	vst.idx.msk $0xffff, v48  }
0x2b7: {  	v60 =	vor.u32 v27, v49;
	v48 =	vld.idx.msk [tilespmem:v59+s18+$0x0], $0xffff  }
0x2b8: {  	v61 =	vor.u32 v28, v52;
	_ =	sdelay $0x3  }
0x2b9: {  	[tilespmem:v60+s24+$0x0] =	vst.idx.msk $0xffff, v48  }
0x2ba: {  	v62 =	vor.u32 v29, v49;
	v48 =	vld.idx.msk [tilespmem:v61+s18+$0x0], $0xffff  }
0x2bb: {  	s8 =	sadd.s32 s30, s10;
	v63 =	vor.u32 v30, v52  }
0x2bc: {  	s0 =	sadd.s32 s1, s8  }
0x2bd: {  	s0 =	sshll.u32 s0, $0xA  }
0x2be: {  	s0 =	sadd.s32 s31, s0  }
0x2bf: {  	s31 =	simm.s32 $0x1;
	s0 =	sshrl.u32 s0, $0x3;
	[tilespmem:v62+s24+$0x0] =	vst.idx.msk $0xffff, v48  }
0x2c0: {  	s1 =	simm.s32 $0x2;
	s0 =	sadd.s32 s2, s0;
	v48 =	vadd.s32 s31, v0;
	v50 =	vld.idx.msk [tilespmem:v63+s18+$0x0], $0xffff  }
.LBB2_9:
0x2c1: {  	p0 =	sne.s32 s1, $0xF;
	v51 =	vand.u32 $0xF, v48;
	v49 =	vor.u32 v31, v49  }
0x2c2: {  	v52 =	vor.u32 v14, v51;
	_ =	sdelay $0x3  }
0x2c3: {  	v53 =	vshll.u32 v48, $0x7;
	[tilespmem:v49+s24+$0x0] =	vst.idx.msk $0xffff, v50  }
0x2c4: {  	v50 =	vand.u32 $0x780, v53;
	v49 =	vld.idx.msk [tilespmem:v52+s18+$0x0], $0xffff  }
0x2c5: {  	v52 =	vor.u32 v0, v50  }
0x2c6: {  	v54 =	vor.u32 v18, v51;
	_ =	sdelay $0x3  }
0x2c7: {  	[tilespmem:v52+s24+$0x0] =	vst.idx.msk $0xffff, v49  }
0x2c8: {  	v49 =	vld.idx.msk [tilespmem:v54+s18+$0x0], $0xffff  }
0x2c9: {  	v52 =	vor.u32 v19, v50  }
0x2ca: {  	v54 =	vor.u32 v20, v51;
	_ =	sdelay $0x3  }
0x2cb: {  	[tilespmem:v52+s24+$0x0] =	vst.idx.msk $0xffff, v49  }
0x2cc: {  	v49 =	vld.idx.msk [tilespmem:v54+s18+$0x0], $0xffff  }
0x2cd: {  	v52 =	vor.u32 v21, v50  }
0x2ce: {  	v54 =	vor.u32 v22, v51;
	_ =	sdelay $0x3  }
0x2cf: {  	[tilespmem:v52+s24+$0x0] =	vst.idx.msk $0xffff, v49  }
0x2d0: {  	v49 =	vld.idx.msk [tilespmem:v54+s18+$0x0], $0xffff  }
0x2d1: {  	v52 =	vor.u32 v23, v50  }
0x2d2: {  	v54 =	vor.u32 v24, v51;
	_ =	sdelay $0x3  }
0x2d3: {  	[tilespmem:v52+s24+$0x0] =	vst.idx.msk $0xffff, v49  }
0x2d4: {  	v49 =	vld.idx.msk [tilespmem:v54+s18+$0x0], $0xffff  }
0x2d5: {  	v52 =	vor.u32 v25, v50  }
0x2d6: {  	v54 =	vor.u32 v26, v51;
	_ =	sdelay $0x3  }
0x2d7: {  	[tilespmem:v52+s24+$0x0] =	vst.idx.msk $0xffff, v49  }
0x2d8: {  	v49 =	vld.idx.msk [tilespmem:v54+s18+$0x0], $0xffff  }
0x2d9: {  	v52 =	vor.u32 v27, v50  }
0x2da: {  	v54 =	vor.u32 v28, v51;
	_ =	sdelay $0x3  }
0x2db: {  	[tilespmem:v52+s24+$0x0] =	vst.idx.msk $0xffff, v49  }
0x2dc: {  	v49 =	vld.idx.msk [tilespmem:v54+s18+$0x0], $0xffff  }
0x2dd: {  	v52 =	vor.u32 v29, v50  }
0x2de: {  	v51 =	vor.u32 v30, v51;
	_ =	sdelay $0x3  }
0x2df: {  	[tilespmem:v52+s24+$0x0] =	vst.idx.msk $0xffff, v49  }
0x2e0: {  	v48 =	vor.u32 $0x10, v48;
	v49 =	vld.idx.msk [tilespmem:v51+s18+$0x0], $0xffff  }
0x2e1: {  	v50 =	vor.u32 v31, v50;
	v51 =	vand.u32 $0x1F, v48  }
0x2e2: {  	v52 =	vor.u32 v14, v51;
	_ =	sdelay $0x2  }
0x2e3: {  	v48 =	vshll.u32 v48, $0x7  }
0x2e4: {  	v53 =	vand.u32 $0x380, v53;
	v48 =	vand.u32 $0xC00, v48;
	[tilespmem:v50+s24+$0x0] =	vst.idx.msk $0xffff, v49  }
0x2e5: {  	v49 =	vor.u32 v53, v48;
	v50 =	vld.idx.msk [tilespmem:v52+s18+$0x0], $0xffff  }
0x2e6: {  	v48 =	vor.u32 v0, v49  }
0x2e7: {  	v52 =	vor.u32 v18, v51;
	_ =	sdelay $0x3  }
0x2e8: {  	[tilespmem:v48+s24+$0x0] =	vst.idx.msk $0xffff, v50  }
0x2e9: {  	v48 =	vld.idx.msk [tilespmem:v52+s18+$0x0], $0xffff  }
0x2ea: {  	v50 =	vor.u32 v19, v49  }
0x2eb: {  	v52 =	vor.u32 v20, v51;
	_ =	sdelay $0x3  }
0x2ec: {  	[tilespmem:v50+s24+$0x0] =	vst.idx.msk $0xffff, v48  }
0x2ed: {  	v48 =	vld.idx.msk [tilespmem:v52+s18+$0x0], $0xffff  }
0x2ee: {  	v50 =	vor.u32 v21, v49  }
0x2ef: {  	v52 =	vor.u32 v22, v51;
	_ =	sdelay $0x3  }
0x2f0: {  	[tilespmem:v50+s24+$0x0] =	vst.idx.msk $0xffff, v48  }
0x2f1: {  	v48 =	vld.idx.msk [tilespmem:v52+s18+$0x0], $0xffff  }
0x2f2: {  	v50 =	vor.u32 v23, v49  }
0x2f3: {  	v52 =	vor.u32 v24, v51;
	_ =	sdelay $0x3  }
0x2f4: {  	[tilespmem:v50+s24+$0x0] =	vst.idx.msk $0xffff, v48  }
0x2f5: {  	v48 =	vld.idx.msk [tilespmem:v52+s18+$0x0], $0xffff  }
0x2f6: {  	v50 =	vor.u32 v25, v49  }
0x2f7: {  	v52 =	vor.u32 v26, v51;
	_ =	sdelay $0x3  }
0x2f8: {  	[tilespmem:v50+s24+$0x0] =	vst.idx.msk $0xffff, v48  }
0x2f9: {  	v48 =	vld.idx.msk [tilespmem:v52+s18+$0x0], $0xffff  }
0x2fa: {  	v50 =	vor.u32 v27, v49  }
0x2fb: {  	v52 =	vor.u32 v28, v51;
	_ =	sdelay $0x3  }
0x2fc: {  	[tilespmem:v50+s24+$0x0] =	vst.idx.msk $0xffff, v48  }
0x2fd: {  	v48 =	vld.idx.msk [tilespmem:v52+s18+$0x0], $0xffff  }
0x2fe: {  	v50 =	vor.u32 v29, v49  }
0x2ff: {  	v51 =	vor.u32 v30, v51  }
.Ltmp3:
0x300: {  	(pc) =	sbr.rel @p0 .LBB2_9-.Ltmp3, $3  }
0x301: {  	_ =	sdelay $0x1  }
0x302: {  	[tilespmem:v50+s24+$0x0] =	vst.idx.msk $0xffff, v48  }
0x303: {  	v48 =	vadd.s32 s1, v0;
	s1 =	sadd.s32 $0x1, s1;
	v50 =	vld.idx.msk [tilespmem:v51+s18+$0x0], $0xffff  }
0x304: {  	v51 =	vand.u32 $0xF, v48;
	v49 =	vor.u32 v31, v49  }
0x305: {  	v52 =	vor.u32 v14, v51;
	_ =	sdelay $0x2  }
0x306: {  	v53 =	vshll.u32 v48, $0x7  }
0x307: {  	[tilespmem:v49+s24+$0x0] =	vst.idx.msk $0xffff, v50;
	v49 =	vand.u32 $0x780, v53  }
0x308: {  	v50 =	vld.idx.msk [tilespmem:v52+s18+$0x0], $0xffff;
	v60 =	vor.u32 v0, v49  }
0x309: {  	v54 =	vor.u32 v18, v51;
	_ =	sdelay $0x3  }
0x30a: {  	[tilespmem:v60+s24+$0x0] =	vst.idx.msk $0xffff, v50  }
0x30b: {  	v61 =	vor.u32 v19, v49;
	v50 =	vld.idx.msk [tilespmem:v54+s18+$0x0], $0xffff  }
0x30c: {  	v62 =	vor.u32 v20, v51;
	_ =	sdelay $0x3  }
0x30d: {  	[tilespmem:v61+s24+$0x0] =	vst.idx.msk $0xffff, v50  }
0x30e: {  	v63 =	vor.u32 v21, v49;
	v50 =	vld.idx.msk [tilespmem:v62+s18+$0x0], $0xffff  }
0x30f: {  	v57 =	vor.u32 v22, v51;
	_ =	sdelay $0x3  }
0x310: {  	[tilespmem:v63+s24+$0x0] =	vst.idx.msk $0xffff, v50  }
0x311: {  	v58 =	vor.u32 v23, v49;
	v50 =	vld.idx.msk [tilespmem:v57+s18+$0x0], $0xffff  }
0x312: {  	v59 =	vor.u32 v24, v51;
	_ =	sdelay $0x3  }
0x313: {  	[tilespmem:v58+s24+$0x0] =	vst.idx.msk $0xffff, v50  }
0x314: {  	v60 =	vor.u32 v25, v49;
	v50 =	vld.idx.msk [tilespmem:v59+s18+$0x0], $0xffff  }
0x315: {  	v61 =	vor.u32 v26, v51;
	_ =	sdelay $0x3  }
0x316: {  	[tilespmem:v60+s24+$0x0] =	vst.idx.msk $0xffff, v50  }
0x317: {  	v62 =	vor.u32 v27, v49;
	v50 =	vld.idx.msk [tilespmem:v61+s18+$0x0], $0xffff  }
0x318: {  	v63 =	vor.u32 v28, v51;
	_ =	sdelay $0x3  }
0x319: {  	[tilespmem:v62+s24+$0x0] =	vst.idx.msk $0xffff, v50  }
0x31a: {  	v57 =	vor.u32 v29, v49;
	v50 =	vld.idx.msk [tilespmem:v63+s18+$0x0], $0xffff  }
0x31b: {  	v51 =	vor.u32 v30, v51;
	_ =	sdelay $0x3  }
0x31c: {  	v58 =	vor.u32 $0x10, v48;
	[tilespmem:v57+s24+$0x0] =	vst.idx.msk $0xffff, v50  }
0x31d: {  	v49 =	vor.u32 v31, v49;
	v50 =	vld.idx.msk [tilespmem:v51+s18+$0x0], $0xffff;
	v51 =	vand.u32 $0x1F, v58  }
0x31e: {  	v59 =	vor.u32 v14, v51;
	_ =	sdelay $0x1  }
0x31f: {  	v48 =	vshll.u32 v58, $0x7  }
0x320: {  	v53 =	vand.u32 $0x380, v53;
	v48 =	vand.u32 $0xC00, v48  }
0x321: {  	v48 =	vor.u32 v53, v48;
	[tilespmem:v49+s24+$0x0] =	vst.idx.msk $0xffff, v50  }
0x322: {  	v60 =	vor.u32 v0, v48;
	v49 =	vld.idx.msk [tilespmem:v59+s18+$0x0], $0xffff  }
0x323: {  	v61 =	vor.u32 v18, v51;
	_ =	sdelay $0x3  }
0x324: {  	[tilespmem:v60+s24+$0x0] =	vst.idx.msk $0xffff, v49  }
0x325: {  	v62 =	vor.u32 v19, v48;
	v49 =	vld.idx.msk [tilespmem:v61+s18+$0x0], $0xffff  }
0x326: {  	v63 =	vor.u32 v20, v51;
	_ =	sdelay $0x3  }
0x327: {  	[tilespmem:v62+s24+$0x0] =	vst.idx.msk $0xffff, v49  }
0x328: {  	v56 =	vor.u32 v21, v48;
	v49 =	vld.idx.msk [tilespmem:v63+s18+$0x0], $0xffff  }
0x329: {  	v57 =	vor.u32 v22, v51;
	_ =	sdelay $0x3  }
0x32a: {  	[tilespmem:v56+s24+$0x0] =	vst.idx.msk $0xffff, v49  }
0x32b: {  	v58 =	vor.u32 v23, v48;
	v49 =	vld.idx.msk [tilespmem:v57+s18+$0x0], $0xffff  }
0x32c: {  	v59 =	vor.u32 v24, v51;
	_ =	sdelay $0x3  }
0x32d: {  	[tilespmem:v58+s24+$0x0] =	vst.idx.msk $0xffff, v49  }
0x32e: {  	v60 =	vor.u32 v25, v48;
	v49 =	vld.idx.msk [tilespmem:v59+s18+$0x0], $0xffff  }
0x32f: {  	v61 =	vor.u32 v26, v51;
	_ =	sdelay $0x3  }
0x330: {  	[tilespmem:v60+s24+$0x0] =	vst.idx.msk $0xffff, v49  }
0x331: {  	v62 =	vor.u32 v27, v48;
	v49 =	vld.idx.msk [tilespmem:v61+s18+$0x0], $0xffff  }
0x332: {  	v63 =	vor.u32 v28, v51;
	_ =	sdelay $0x3  }
0x333: {  	[tilespmem:v62+s24+$0x0] =	vst.idx.msk $0xffff, v49  }
0x334: {  	v55 =	vor.u32 v29, v48;
	v49 =	vld.idx.msk [tilespmem:v63+s18+$0x0], $0xffff  }
0x335: {  	v51 =	vor.u32 v30, v51;
	_ =	sdelay $0x1  }
0x336: {  	s1 =	sadd.s32 $0x3, s30  }
0x337: {  	s5 =	sand.u32 $0x3, s1  }
0x338: {  	s5 =	smul.u32 $0xD00, s5;
	[tilespmem:v55+s24+$0x0] =	vst.idx.msk $0xffff, v49  }
0x339: {  	s1 =	sshrl.u32 s1, $0x2;
	v48 =	vor.u32 v31, v48;
	v49 =	vld.idx.msk [tilespmem:v51+s18+$0x0], $0xffff  }
0x33a: {  	s1 =	sadd.s32 s1, s5  }
0x33b: {  	v56 =	vadd.s32 s1, v1;
	_ =	sdelay $0x2  }
0x33c: {  	[tilespmem:v48+s24+$0x0] =	vst.idx.msk $0xffff, v49  }
0x33d: {  	[hbm4b:s0+s21] =	stream.strided.scatter [tilespmem:s24], [sflag:$0x4], $0x1000, s22, s21, $0x38;
	[tilespmem:$0x7500] =	vst v63  }
0x33e: {  	s8 =	sadd.s32 $0x1A0, s1;
	v48 =	vld.idx.msk [tilespmem:v56+s3+$0x0], $0xffff  }
0x33f: {  	v57 =	vadd.s32 s8, v1;
	_ =	sdelay $0x3  }
0x340: {  	[tilespmem:$0x3480] =	vst v48  }
0x341: {  	s30 =	sadd.s32 $0x340, s1;
	v48 =	vld.idx.msk [tilespmem:v57+s3+$0x0], $0xffff  }
0x342: {  	v58 =	vadd.s32 s30, v1;
	_ =	sdelay $0x3  }
0x343: {  	[tilespmem:$0x3490] =	vst v48  }
0x344: {  	s31 =	sadd.s32 $0x4E0, s1;
	v48 =	vld.idx.msk [tilespmem:v58+s3+$0x0], $0xffff  }
0x345: {  	v59 =	vadd.s32 s31, v1;
	_ =	sdelay $0x3  }
0x346: {  	[tilespmem:$0x34A0] =	vst v48  }
0x347: {  	s5 =	sadd.s32 $0x680, s1;
	v48 =	vld.idx.msk [tilespmem:v59+s3+$0x0], $0xffff  }
0x348: {  	v60 =	vadd.s32 s5, v1;
	_ =	sdelay $0x3  }
0x349: {  	[tilespmem:$0x34B0] =	vst v48  }
0x34a: {  	s8 =	sadd.s32 $0x820, s1;
	v48 =	vld.idx.msk [tilespmem:v60+s3+$0x0], $0xffff  }
0x34b: {  	v61 =	vadd.s32 s8, v1;
	_ =	sdelay $0x3  }
0x34c: {  	[tilespmem:$0x34C0] =	vst v48  }
0x34d: {  	s30 =	sadd.s32 $0x9C0, s1;
	v48 =	vld.idx.msk [tilespmem:v61+s3+$0x0], $0xffff  }
0x34e: {  	v62 =	vadd.s32 s30, v1;
	_ =	sdelay $0x3  }
0x34f: {  	[tilespmem:$0x34D0] =	vst v48  }
0x350: {  	s31 =	sadd.s32 $0xB60, s1;
	v48 =	vld.idx.msk [tilespmem:v62+s3+$0x0], $0xffff  }
0x351: {  	v63 =	vadd.s32 s31, v1;
	_ =	sdelay $0x3  }
0x352: {  	[tilespmem:$0x34E0] =	vst v48  }
0x353: {  	s29 =	sadd.s32 $0x1, s29;
	v48 =	vld.idx.msk [tilespmem:v63+s3+$0x0], $0xffff  }
0x354: {  	p0 =	sne.s32 s29, $0x33  }
.Ltmp4:
0x355: {  	_ = 	snop;
	(pc) =	sbr.rel @p0 .LBB2_6-.Ltmp4, $3  }
0x356: {  	_ =	sdelay $0x1  }
0x357: {  	[tilespmem:$0x34F0] =	vst v48  }
0x358: {  	[tilespmem:s18], [sflag:$0x2] =	stream.indirect.gather [hbm4b:s4+s14], $0x20, s17, s14, $0xb8;
	[tilespmem:$0x7500] =	vst v63  }
0x359: {  	s0 =	simm.s32 $0x0  }
0x35a: {  	v48 =	vadd.s32 s0, v0  }
0x35b: {  	_ =	swait.ge [sflag:s19], $0x1000;
	v49 =	vand.u32 $0xF, v48  }
0x35c: {  	[sflag:s19] =	ssyncset.done $0x0;
	v50 =	vor.u32 v14, v49  }
0x35d: {  	[sflag:s19] =	ssyncadd.s32 $0xFFFFF000  }
0x35e: {  	_ =	swait.ge [sflag:s25], $0x1000  }
0x35f: {  	v51 =	vshll.u32 v48, $0x7;
	[sflag:s25] =	ssyncset.done $0x0  }
0x360: {  	v52 =	vand.u32 $0x780, v51;
	[sflag:s25] =	ssyncadd.s32 $0xFFFFF000  }
0x361: {  	v53 =	vor.u32 v0, v52;
	v50 =	vld.idx.msk [tilespmem:v50+s16+$0x0], $0xffff  }
0x362: {  	v54 =	vor.u32 v18, v49;
	_ =	sdelay $0x3  }
0x363: {  	[tilespmem:v53+s20+$0x0] =	vst.idx.msk $0xffff, v50  }
0x364: {  	v61 =	vor.u32 v19, v52;
	v50 =	vld.idx.msk [tilespmem:v54+s16+$0x0], $0xffff  }
0x365: {  	v62 =	vor.u32 v20, v49;
	_ =	sdelay $0x3  }
0x366: {  	[tilespmem:v61+s20+$0x0] =	vst.idx.msk $0xffff, v50  }
0x367: {  	v63 =	vor.u32 v21, v52;
	v50 =	vld.idx.msk [tilespmem:v62+s16+$0x0], $0xffff  }
0x368: {  	v57 =	vor.u32 v22, v49;
	_ =	sdelay $0x3  }
0x369: {  	[tilespmem:v63+s20+$0x0] =	vst.idx.msk $0xffff, v50  }
0x36a: {  	v58 =	vor.u32 v23, v52;
	v50 =	vld.idx.msk [tilespmem:v57+s16+$0x0], $0xffff  }
0x36b: {  	v59 =	vor.u32 v24, v49;
	_ =	sdelay $0x3  }
0x36c: {  	[tilespmem:v58+s20+$0x0] =	vst.idx.msk $0xffff, v50  }
0x36d: {  	v60 =	vor.u32 v25, v52;
	v50 =	vld.idx.msk [tilespmem:v59+s16+$0x0], $0xffff  }
0x36e: {  	v61 =	vor.u32 v26, v49;
	_ =	sdelay $0x3  }
0x36f: {  	[tilespmem:v60+s20+$0x0] =	vst.idx.msk $0xffff, v50  }
0x370: {  	v62 =	vor.u32 v27, v52;
	v50 =	vld.idx.msk [tilespmem:v61+s16+$0x0], $0xffff  }
0x371: {  	v63 =	vor.u32 v28, v49;
	_ =	sdelay $0x3  }
0x372: {  	[tilespmem:v62+s20+$0x0] =	vst.idx.msk $0xffff, v50  }
0x373: {  	v56 =	vor.u32 v29, v52;
	v50 =	vld.idx.msk [tilespmem:v63+s16+$0x0], $0xffff  }
0x374: {  	v49 =	vor.u32 v30, v49;
	_ =	sdelay $0x3  }
0x375: {  	v48 =	vor.u32 $0x10, v48;
	[tilespmem:v56+s20+$0x0] =	vst.idx.msk $0xffff, v50  }
0x376: {  	v57 =	vor.u32 v31, v52;
	v52 =	vand.u32 $0x1F, v48;
	v49 =	vld.idx.msk [tilespmem:v49+s16+$0x0], $0xffff  }
0x377: {  	v58 =	vor.u32 v14, v52;
	_ =	sdelay $0x1  }
0x378: {  	v48 =	vshll.u32 v48, $0x7  }
0x379: {  	v51 =	vand.u32 $0x380, v51;
	v48 =	vand.u32 $0xC00, v48  }
0x37a: {  	[tilespmem:v57+s20+$0x0] =	vst.idx.msk $0xffff, v49;
	v49 =	vor.u32 v51, v48  }
0x37b: {  	v59 =	vld.idx.msk [tilespmem:v58+s16+$0x0], $0xffff;
	v60 =	vor.u32 v0, v49  }
0x37c: {  	v61 =	vor.u32 v18, v52;
	_ =	sdelay $0x3  }
0x37d: {  	[tilespmem:v60+s20+$0x0] =	vst.idx.msk $0xffff, v59  }
0x37e: {  	v62 =	vor.u32 v19, v49;
	v48 =	vld.idx.msk [tilespmem:v61+s16+$0x0], $0xffff  }
0x37f: {  	v63 =	vor.u32 v20, v52;
	_ =	sdelay $0x3  }
0x380: {  	[tilespmem:v62+s20+$0x0] =	vst.idx.msk $0xffff, v48  }
0x381: {  	v54 =	vor.u32 v21, v49;
	v48 =	vld.idx.msk [tilespmem:v63+s16+$0x0], $0xffff  }
0x382: {  	v55 =	vor.u32 v22, v52;
	_ =	sdelay $0x3  }
0x383: {  	[tilespmem:v54+s20+$0x0] =	vst.idx.msk $0xffff, v48  }
0x384: {  	v56 =	vor.u32 v23, v49;
	v48 =	vld.idx.msk [tilespmem:v55+s16+$0x0], $0xffff  }
0x385: {  	v57 =	vor.u32 v24, v52;
	_ =	sdelay $0x3  }
0x386: {  	[tilespmem:v56+s20+$0x0] =	vst.idx.msk $0xffff, v48  }
0x387: {  	v58 =	vor.u32 v25, v49;
	v48 =	vld.idx.msk [tilespmem:v57+s16+$0x0], $0xffff  }
0x388: {  	v59 =	vor.u32 v26, v52;
	_ =	sdelay $0x3  }
0x389: {  	[tilespmem:v58+s20+$0x0] =	vst.idx.msk $0xffff, v48  }
0x38a: {  	v60 =	vor.u32 v27, v49;
	v48 =	vld.idx.msk [tilespmem:v59+s16+$0x0], $0xffff  }
0x38b: {  	v61 =	vor.u32 v28, v52;
	_ =	sdelay $0x3  }
0x38c: {  	[tilespmem:v60+s20+$0x0] =	vst.idx.msk $0xffff, v48  }
0x38d: {  	v62 =	vor.u32 v29, v49;
	v48 =	vld.idx.msk [tilespmem:v61+s16+$0x0], $0xffff  }
0x38e: {  	v63 =	vor.u32 v30, v52;
	_ =	sdelay $0x3  }
0x38f: {  	s31 =	simm.s32 $0x1;
	[tilespmem:v62+s20+$0x0] =	vst.idx.msk $0xffff, v48  }
0x390: {  	s0 =	simm.s32 $0x2;
	v48 =	vadd.s32 s31, v0;
	v50 =	vld.idx.msk [tilespmem:v63+s16+$0x0], $0xffff  }
.LBB2_12:
0x391: {  	p0 =	sne.s32 s0, $0xF;
	v51 =	vand.u32 $0xF, v48;
	v49 =	vor.u32 v31, v49  }
0x392: {  	v52 =	vor.u32 v14, v51;
	_ =	sdelay $0x3  }
0x393: {  	v53 =	vshll.u32 v48, $0x7;
	[tilespmem:v49+s20+$0x0] =	vst.idx.msk $0xffff, v50  }
0x394: {  	v50 =	vand.u32 $0x780, v53;
	v49 =	vld.idx.msk [tilespmem:v52+s16+$0x0], $0xffff  }
0x395: {  	v52 =	vor.u32 v0, v50  }
0x396: {  	v54 =	vor.u32 v18, v51;
	_ =	sdelay $0x3  }
0x397: {  	[tilespmem:v52+s20+$0x0] =	vst.idx.msk $0xffff, v49  }
0x398: {  	v49 =	vld.idx.msk [tilespmem:v54+s16+$0x0], $0xffff  }
0x399: {  	v52 =	vor.u32 v19, v50  }
0x39a: {  	v54 =	vor.u32 v20, v51;
	_ =	sdelay $0x3  }
0x39b: {  	[tilespmem:v52+s20+$0x0] =	vst.idx.msk $0xffff, v49  }
0x39c: {  	v49 =	vld.idx.msk [tilespmem:v54+s16+$0x0], $0xffff  }
0x39d: {  	v52 =	vor.u32 v21, v50  }
0x39e: {  	v54 =	vor.u32 v22, v51;
	_ =	sdelay $0x3  }
0x39f: {  	[tilespmem:v52+s20+$0x0] =	vst.idx.msk $0xffff, v49  }
0x3a0: {  	v49 =	vld.idx.msk [tilespmem:v54+s16+$0x0], $0xffff  }
0x3a1: {  	v52 =	vor.u32 v23, v50  }
0x3a2: {  	v54 =	vor.u32 v24, v51;
	_ =	sdelay $0x3  }
0x3a3: {  	[tilespmem:v52+s20+$0x0] =	vst.idx.msk $0xffff, v49  }
0x3a4: {  	v49 =	vld.idx.msk [tilespmem:v54+s16+$0x0], $0xffff  }
0x3a5: {  	v52 =	vor.u32 v25, v50  }
0x3a6: {  	v54 =	vor.u32 v26, v51;
	_ =	sdelay $0x3  }
0x3a7: {  	[tilespmem:v52+s20+$0x0] =	vst.idx.msk $0xffff, v49  }
0x3a8: {  	v49 =	vld.idx.msk [tilespmem:v54+s16+$0x0], $0xffff  }
0x3a9: {  	v52 =	vor.u32 v27, v50  }
0x3aa: {  	v54 =	vor.u32 v28, v51;
	_ =	sdelay $0x3  }
0x3ab: {  	[tilespmem:v52+s20+$0x0] =	vst.idx.msk $0xffff, v49  }
0x3ac: {  	v49 =	vld.idx.msk [tilespmem:v54+s16+$0x0], $0xffff  }
0x3ad: {  	v52 =	vor.u32 v29, v50  }
0x3ae: {  	v51 =	vor.u32 v30, v51;
	_ =	sdelay $0x3  }
0x3af: {  	[tilespmem:v52+s20+$0x0] =	vst.idx.msk $0xffff, v49  }
0x3b0: {  	v48 =	vor.u32 $0x10, v48;
	v49 =	vld.idx.msk [tilespmem:v51+s16+$0x0], $0xffff  }
0x3b1: {  	v50 =	vor.u32 v31, v50;
	v51 =	vand.u32 $0x1F, v48  }
0x3b2: {  	v52 =	vor.u32 v14, v51;
	_ =	sdelay $0x2  }
0x3b3: {  	v48 =	vshll.u32 v48, $0x7  }
0x3b4: {  	v53 =	vand.u32 $0x380, v53;
	v48 =	vand.u32 $0xC00, v48;
	[tilespmem:v50+s20+$0x0] =	vst.idx.msk $0xffff, v49  }
0x3b5: {  	v49 =	vor.u32 v53, v48;
	v50 =	vld.idx.msk [tilespmem:v52+s16+$0x0], $0xffff  }
0x3b6: {  	v48 =	vor.u32 v0, v49  }
0x3b7: {  	v52 =	vor.u32 v18, v51;
	_ =	sdelay $0x3  }
0x3b8: {  	[tilespmem:v48+s20+$0x0] =	vst.idx.msk $0xffff, v50  }
0x3b9: {  	v48 =	vld.idx.msk [tilespmem:v52+s16+$0x0], $0xffff  }
0x3ba: {  	v50 =	vor.u32 v19, v49  }
0x3bb: {  	v52 =	vor.u32 v20, v51;
	_ =	sdelay $0x3  }
0x3bc: {  	[tilespmem:v50+s20+$0x0] =	vst.idx.msk $0xffff, v48  }
0x3bd: {  	v48 =	vld.idx.msk [tilespmem:v52+s16+$0x0], $0xffff  }
0x3be: {  	v50 =	vor.u32 v21, v49  }
0x3bf: {  	v52 =	vor.u32 v22, v51;
	_ =	sdelay $0x3  }
0x3c0: {  	[tilespmem:v50+s20+$0x0] =	vst.idx.msk $0xffff, v48  }
0x3c1: {  	v48 =	vld.idx.msk [tilespmem:v52+s16+$0x0], $0xffff  }
0x3c2: {  	v50 =	vor.u32 v23, v49  }
0x3c3: {  	v52 =	vor.u32 v24, v51;
	_ =	sdelay $0x3  }
0x3c4: {  	[tilespmem:v50+s20+$0x0] =	vst.idx.msk $0xffff, v48  }
0x3c5: {  	v48 =	vld.idx.msk [tilespmem:v52+s16+$0x0], $0xffff  }
0x3c6: {  	v50 =	vor.u32 v25, v49  }
0x3c7: {  	v52 =	vor.u32 v26, v51;
	_ =	sdelay $0x3  }
0x3c8: {  	[tilespmem:v50+s20+$0x0] =	vst.idx.msk $0xffff, v48  }
0x3c9: {  	v48 =	vld.idx.msk [tilespmem:v52+s16+$0x0], $0xffff  }
0x3ca: {  	v50 =	vor.u32 v27, v49  }
0x3cb: {  	v52 =	vor.u32 v28, v51;
	_ =	sdelay $0x3  }
0x3cc: {  	[tilespmem:v50+s20+$0x0] =	vst.idx.msk $0xffff, v48  }
0x3cd: {  	v48 =	vld.idx.msk [tilespmem:v52+s16+$0x0], $0xffff  }
0x3ce: {  	v50 =	vor.u32 v29, v49  }
0x3cf: {  	v51 =	vor.u32 v30, v51  }
.Ltmp5:
0x3d0: {  	(pc) =	sbr.rel @p0 .LBB2_12-.Ltmp5, $3  }
0x3d1: {  	_ =	sdelay $0x1  }
0x3d2: {  	[tilespmem:v50+s20+$0x0] =	vst.idx.msk $0xffff, v48  }
0x3d3: {  	v48 =	vadd.s32 s0, v0;
	s0 =	sadd.s32 $0x1, s0;
	v50 =	vld.idx.msk [tilespmem:v51+s16+$0x0], $0xffff  }
0x3d4: {  	v51 =	vand.u32 $0xF, v48;
	v49 =	vor.u32 v31, v49  }
0x3d5: {  	v52 =	vor.u32 v14, v51;
	_ =	sdelay $0x2  }
0x3d6: {  	v53 =	vshll.u32 v48, $0x7  }
0x3d7: {  	[tilespmem:v49+s20+$0x0] =	vst.idx.msk $0xffff, v50;
	v49 =	vand.u32 $0x780, v53  }
0x3d8: {  	v50 =	vld.idx.msk [tilespmem:v52+s16+$0x0], $0xffff;
	v61 =	vor.u32 v0, v49  }
0x3d9: {  	v54 =	vor.u32 v18, v51;
	_ =	sdelay $0x3  }
0x3da: {  	[tilespmem:v61+s20+$0x0] =	vst.idx.msk $0xffff, v50  }
0x3db: {  	v62 =	vor.u32 v19, v49;
	v50 =	vld.idx.msk [tilespmem:v54+s16+$0x0], $0xffff  }
0x3dc: {  	v63 =	vor.u32 v20, v51;
	_ =	sdelay $0x3  }
0x3dd: {  	[tilespmem:v62+s20+$0x0] =	vst.idx.msk $0xffff, v50  }
0x3de: {  	v57 =	vor.u32 v21, v49;
	v50 =	vld.idx.msk [tilespmem:v63+s16+$0x0], $0xffff  }
0x3df: {  	v58 =	vor.u32 v22, v51;
	_ =	sdelay $0x3  }
0x3e0: {  	[tilespmem:v57+s20+$0x0] =	vst.idx.msk $0xffff, v50  }
0x3e1: {  	v59 =	vor.u32 v23, v49;
	v50 =	vld.idx.msk [tilespmem:v58+s16+$0x0], $0xffff  }
0x3e2: {  	v60 =	vor.u32 v24, v51;
	_ =	sdelay $0x3  }
0x3e3: {  	[tilespmem:v59+s20+$0x0] =	vst.idx.msk $0xffff, v50  }
0x3e4: {  	v61 =	vor.u32 v25, v49;
	v50 =	vld.idx.msk [tilespmem:v60+s16+$0x0], $0xffff  }
0x3e5: {  	v62 =	vor.u32 v26, v51;
	_ =	sdelay $0x3  }
0x3e6: {  	[tilespmem:v61+s20+$0x0] =	vst.idx.msk $0xffff, v50  }
0x3e7: {  	v63 =	vor.u32 v27, v49;
	v50 =	vld.idx.msk [tilespmem:v62+s16+$0x0], $0xffff  }
0x3e8: {  	v57 =	vor.u32 v28, v51;
	_ =	sdelay $0x3  }
0x3e9: {  	[tilespmem:v63+s20+$0x0] =	vst.idx.msk $0xffff, v50  }
0x3ea: {  	v58 =	vor.u32 v29, v49;
	v50 =	vld.idx.msk [tilespmem:v57+s16+$0x0], $0xffff  }
0x3eb: {  	v51 =	vor.u32 v30, v51;
	_ =	sdelay $0x3  }
0x3ec: {  	v59 =	vor.u32 $0x10, v48;
	[tilespmem:v58+s20+$0x0] =	vst.idx.msk $0xffff, v50  }
0x3ed: {  	v49 =	vor.u32 v31, v49;
	v50 =	vld.idx.msk [tilespmem:v51+s16+$0x0], $0xffff;
	v51 =	vand.u32 $0x1F, v59  }
0x3ee: {  	v60 =	vor.u32 v14, v51;
	_ =	sdelay $0x1  }
0x3ef: {  	v48 =	vshll.u32 v59, $0x7  }
0x3f0: {  	v53 =	vand.u32 $0x380, v53;
	v48 =	vand.u32 $0xC00, v48  }
0x3f1: {  	v48 =	vor.u32 v53, v48;
	[tilespmem:v49+s20+$0x0] =	vst.idx.msk $0xffff, v50  }
0x3f2: {  	v61 =	vor.u32 v0, v48;
	v49 =	vld.idx.msk [tilespmem:v60+s16+$0x0], $0xffff  }
0x3f3: {  	v62 =	vor.u32 v18, v51;
	_ =	sdelay $0x3  }
0x3f4: {  	[tilespmem:v61+s20+$0x0] =	vst.idx.msk $0xffff, v49  }
0x3f5: {  	v63 =	vor.u32 v19, v48;
	v49 =	vld.idx.msk [tilespmem:v62+s16+$0x0], $0xffff  }
0x3f6: {  	v56 =	vor.u32 v20, v51;
	_ =	sdelay $0x3  }
0x3f7: {  	[tilespmem:v63+s20+$0x0] =	vst.idx.msk $0xffff, v49  }
0x3f8: {  	v57 =	vor.u32 v21, v48;
	v49 =	vld.idx.msk [tilespmem:v56+s16+$0x0], $0xffff  }
0x3f9: {  	v58 =	vor.u32 v22, v51;
	_ =	sdelay $0x3  }
0x3fa: {  	[tilespmem:v57+s20+$0x0] =	vst.idx.msk $0xffff, v49  }
0x3fb: {  	v59 =	vor.u32 v23, v48;
	v49 =	vld.idx.msk [tilespmem:v58+s16+$0x0], $0xffff  }
0x3fc: {  	v60 =	vor.u32 v24, v51;
	_ =	sdelay $0x3  }
0x3fd: {  	[tilespmem:v59+s20+$0x0] =	vst.idx.msk $0xffff, v49  }
0x3fe: {  	v61 =	vor.u32 v25, v48;
	v49 =	vld.idx.msk [tilespmem:v60+s16+$0x0], $0xffff  }
0x3ff: {  	v62 =	vor.u32 v26, v51;
	_ =	sdelay $0x3  }
0x400: {  	[tilespmem:v61+s20+$0x0] =	vst.idx.msk $0xffff, v49  }
0x401: {  	v63 =	vor.u32 v27, v48;
	v49 =	vld.idx.msk [tilespmem:v62+s16+$0x0], $0xffff  }
0x402: {  	v56 =	vor.u32 v28, v51;
	_ =	sdelay $0x3  }
0x403: {  	[tilespmem:v63+s20+$0x0] =	vst.idx.msk $0xffff, v49  }
0x404: {  	v57 =	vor.u32 v29, v48;
	v49 =	vld.idx.msk [tilespmem:v56+s16+$0x0], $0xffff  }
0x405: {  	v51 =	vor.u32 v30, v51;
	_ =	sdelay $0x3  }
0x406: {  	[tilespmem:v57+s20+$0x0] =	vst.idx.msk $0xffff, v49  }
0x407: {  	v48 =	vor.u32 v31, v48;
	v49 =	vld.idx.msk [tilespmem:v51+s16+$0x0], $0xffff;
	_ =	sdelay $0x4  }
0x408: {  	s0 =	simm.s32 $0x0;
	[tilespmem:v48+s20+$0x0] =	vst.idx.msk $0xffff, v49  }
0x409: {  	v48 =	vadd.s32 s0, v0;
	[hbm4b:s9+s21] =	stream.strided.scatter [tilespmem:s20], [sflag:$0x3], $0x1000, s22, s21, $0x38;
	[tilespmem:$0x7500] =	vst v63  }
0x40a: {  	v49 =	vand.u32 $0xF, v48;
	_ =	swait.ge [sflag:s23], $0x1000  }
0x40b: {  	v58 =	vor.u32 v14, v49;
	[sflag:s23] =	ssyncset.done $0x0  }
0x40c: {  	[sflag:s23] =	ssyncadd.s32 $0xFFFFF000  }
0x40d: {  	_ =	swait.ge [sflag:s26], $0x1000  }
0x40e: {  	v51 =	vshll.u32 v48, $0x7;
	[sflag:s26] =	ssyncset.done $0x0  }
0x40f: {  	v52 =	vand.u32 $0x780, v51;
	[sflag:s26] =	ssyncadd.s32 $0xFFFFF000  }
0x410: {  	v59 =	vor.u32 v0, v52;
	v50 =	vld.idx.msk [tilespmem:v58+s18+$0x0], $0xffff  }
0x411: {  	v60 =	vor.u32 v18, v49;
	_ =	sdelay $0x3  }
0x412: {  	[tilespmem:v59+s24+$0x0] =	vst.idx.msk $0xffff, v50  }
0x413: {  	v61 =	vor.u32 v19, v52;
	v50 =	vld.idx.msk [tilespmem:v60+s18+$0x0], $0xffff  }
0x414: {  	v62 =	vor.u32 v20, v49;
	_ =	sdelay $0x3  }
0x415: {  	[tilespmem:v61+s24+$0x0] =	vst.idx.msk $0xffff, v50  }
0x416: {  	v63 =	vor.u32 v21, v52;
	v50 =	vld.idx.msk [tilespmem:v62+s18+$0x0], $0xffff  }
0x417: {  	v57 =	vor.u32 v22, v49;
	_ =	sdelay $0x3  }
0x418: {  	[tilespmem:v63+s24+$0x0] =	vst.idx.msk $0xffff, v50  }
0x419: {  	v58 =	vor.u32 v23, v52;
	v50 =	vld.idx.msk [tilespmem:v57+s18+$0x0], $0xffff  }
0x41a: {  	v59 =	vor.u32 v24, v49;
	_ =	sdelay $0x3  }
0x41b: {  	[tilespmem:v58+s24+$0x0] =	vst.idx.msk $0xffff, v50  }
0x41c: {  	v60 =	vor.u32 v25, v52;
	v50 =	vld.idx.msk [tilespmem:v59+s18+$0x0], $0xffff  }
0x41d: {  	v61 =	vor.u32 v26, v49;
	_ =	sdelay $0x3  }
0x41e: {  	[tilespmem:v60+s24+$0x0] =	vst.idx.msk $0xffff, v50  }
0x41f: {  	v62 =	vor.u32 v27, v52;
	v50 =	vld.idx.msk [tilespmem:v61+s18+$0x0], $0xffff  }
0x420: {  	v63 =	vor.u32 v28, v49;
	_ =	sdelay $0x3  }
0x421: {  	[tilespmem:v62+s24+$0x0] =	vst.idx.msk $0xffff, v50  }
0x422: {  	v56 =	vor.u32 v29, v52;
	v50 =	vld.idx.msk [tilespmem:v63+s18+$0x0], $0xffff  }
0x423: {  	v49 =	vor.u32 v30, v49;
	_ =	sdelay $0x3  }
0x424: {  	v48 =	vor.u32 $0x10, v48;
	[tilespmem:v56+s24+$0x0] =	vst.idx.msk $0xffff, v50  }
0x425: {  	v57 =	vor.u32 v31, v52;
	v52 =	vand.u32 $0x1F, v48;
	v49 =	vld.idx.msk [tilespmem:v49+s18+$0x0], $0xffff  }
0x426: {  	v58 =	vor.u32 v14, v52;
	_ =	sdelay $0x1  }
0x427: {  	v48 =	vshll.u32 v48, $0x7  }
0x428: {  	v51 =	vand.u32 $0x380, v51;
	v48 =	vand.u32 $0xC00, v48  }
0x429: {  	[tilespmem:v57+s24+$0x0] =	vst.idx.msk $0xffff, v49;
	v49 =	vor.u32 v51, v48  }
0x42a: {  	v59 =	vld.idx.msk [tilespmem:v58+s18+$0x0], $0xffff;
	v60 =	vor.u32 v0, v49  }
0x42b: {  	v61 =	vor.u32 v18, v52;
	_ =	sdelay $0x3  }
0x42c: {  	[tilespmem:v60+s24+$0x0] =	vst.idx.msk $0xffff, v59  }
0x42d: {  	v62 =	vor.u32 v19, v49;
	v48 =	vld.idx.msk [tilespmem:v61+s18+$0x0], $0xffff  }
0x42e: {  	v63 =	vor.u32 v20, v52;
	_ =	sdelay $0x3  }
0x42f: {  	[tilespmem:v62+s24+$0x0] =	vst.idx.msk $0xffff, v48  }
0x430: {  	v54 =	vor.u32 v21, v49;
	v48 =	vld.idx.msk [tilespmem:v63+s18+$0x0], $0xffff  }
0x431: {  	v55 =	vor.u32 v22, v52;
	_ =	sdelay $0x3  }
0x432: {  	[tilespmem:v54+s24+$0x0] =	vst.idx.msk $0xffff, v48  }
0x433: {  	v56 =	vor.u32 v23, v49;
	v48 =	vld.idx.msk [tilespmem:v55+s18+$0x0], $0xffff  }
0x434: {  	v57 =	vor.u32 v24, v52;
	_ =	sdelay $0x3  }
0x435: {  	[tilespmem:v56+s24+$0x0] =	vst.idx.msk $0xffff, v48  }
0x436: {  	v58 =	vor.u32 v25, v49;
	v48 =	vld.idx.msk [tilespmem:v57+s18+$0x0], $0xffff  }
0x437: {  	v59 =	vor.u32 v26, v52;
	_ =	sdelay $0x3  }
0x438: {  	[tilespmem:v58+s24+$0x0] =	vst.idx.msk $0xffff, v48  }
0x439: {  	v60 =	vor.u32 v27, v49;
	v48 =	vld.idx.msk [tilespmem:v59+s18+$0x0], $0xffff  }
0x43a: {  	v61 =	vor.u32 v28, v52;
	_ =	sdelay $0x3  }
0x43b: {  	[tilespmem:v60+s24+$0x0] =	vst.idx.msk $0xffff, v48  }
0x43c: {  	v62 =	vor.u32 v29, v49;
	v48 =	vld.idx.msk [tilespmem:v61+s18+$0x0], $0xffff  }
0x43d: {  	v63 =	vor.u32 v30, v52;
	_ =	sdelay $0x3  }
0x43e: {  	s31 =	simm.s32 $0x1;
	[tilespmem:v62+s24+$0x0] =	vst.idx.msk $0xffff, v48  }
0x43f: {  	s0 =	simm.s32 $0x2;
	v48 =	vadd.s32 s31, v0;
	v50 =	vld.idx.msk [tilespmem:v63+s18+$0x0], $0xffff  }
.LBB2_14:
0x440: {  	p0 =	sne.s32 s0, $0xF;
	v51 =	vand.u32 $0xF, v48;
	v49 =	vor.u32 v31, v49  }
0x441: {  	v52 =	vor.u32 v14, v51;
	_ =	sdelay $0x3  }
0x442: {  	v53 =	vshll.u32 v48, $0x7;
	[tilespmem:v49+s24+$0x0] =	vst.idx.msk $0xffff, v50  }
0x443: {  	v50 =	vand.u32 $0x780, v53;
	v49 =	vld.idx.msk [tilespmem:v52+s18+$0x0], $0xffff  }
0x444: {  	v52 =	vor.u32 v0, v50  }
0x445: {  	v54 =	vor.u32 v18, v51;
	_ =	sdelay $0x3  }
0x446: {  	[tilespmem:v52+s24+$0x0] =	vst.idx.msk $0xffff, v49  }
0x447: {  	v49 =	vld.idx.msk [tilespmem:v54+s18+$0x0], $0xffff  }
0x448: {  	v52 =	vor.u32 v19, v50  }
0x449: {  	v54 =	vor.u32 v20, v51;
	_ =	sdelay $0x3  }
0x44a: {  	[tilespmem:v52+s24+$0x0] =	vst.idx.msk $0xffff, v49  }
0x44b: {  	v49 =	vld.idx.msk [tilespmem:v54+s18+$0x0], $0xffff  }
0x44c: {  	v52 =	vor.u32 v21, v50  }
0x44d: {  	v54 =	vor.u32 v22, v51;
	_ =	sdelay $0x3  }
0x44e: {  	[tilespmem:v52+s24+$0x0] =	vst.idx.msk $0xffff, v49  }
0x44f: {  	v49 =	vld.idx.msk [tilespmem:v54+s18+$0x0], $0xffff  }
0x450: {  	v52 =	vor.u32 v23, v50  }
0x451: {  	v54 =	vor.u32 v24, v51;
	_ =	sdelay $0x3  }
0x452: {  	[tilespmem:v52+s24+$0x0] =	vst.idx.msk $0xffff, v49  }
0x453: {  	v49 =	vld.idx.msk [tilespmem:v54+s18+$0x0], $0xffff  }
0x454: {  	v52 =	vor.u32 v25, v50  }
0x455: {  	v54 =	vor.u32 v26, v51;
	_ =	sdelay $0x3  }
0x456: {  	[tilespmem:v52+s24+$0x0] =	vst.idx.msk $0xffff, v49  }
0x457: {  	v49 =	vld.idx.msk [tilespmem:v54+s18+$0x0], $0xffff  }
0x458: {  	v52 =	vor.u32 v27, v50  }
0x459: {  	v54 =	vor.u32 v28, v51;
	_ =	sdelay $0x3  }
0x45a: {  	[tilespmem:v52+s24+$0x0] =	vst.idx.msk $0xffff, v49  }
0x45b: {  	v49 =	vld.idx.msk [tilespmem:v54+s18+$0x0], $0xffff  }
0x45c: {  	v52 =	vor.u32 v29, v50  }
0x45d: {  	v51 =	vor.u32 v30, v51;
	_ =	sdelay $0x3  }
0x45e: {  	[tilespmem:v52+s24+$0x0] =	vst.idx.msk $0xffff, v49  }
0x45f: {  	v48 =	vor.u32 $0x10, v48;
	v49 =	vld.idx.msk [tilespmem:v51+s18+$0x0], $0xffff  }
0x460: {  	v50 =	vor.u32 v31, v50;
	v51 =	vand.u32 $0x1F, v48  }
0x461: {  	v52 =	vor.u32 v14, v51;
	_ =	sdelay $0x2  }
0x462: {  	v48 =	vshll.u32 v48, $0x7  }
0x463: {  	v53 =	vand.u32 $0x380, v53;
	v48 =	vand.u32 $0xC00, v48;
	[tilespmem:v50+s24+$0x0] =	vst.idx.msk $0xffff, v49  }
0x464: {  	v49 =	vor.u32 v53, v48;
	v50 =	vld.idx.msk [tilespmem:v52+s18+$0x0], $0xffff  }
0x465: {  	v48 =	vor.u32 v0, v49  }
0x466: {  	v52 =	vor.u32 v18, v51;
	_ =	sdelay $0x3  }
0x467: {  	[tilespmem:v48+s24+$0x0] =	vst.idx.msk $0xffff, v50  }
0x468: {  	v48 =	vld.idx.msk [tilespmem:v52+s18+$0x0], $0xffff  }
0x469: {  	v50 =	vor.u32 v19, v49  }
0x46a: {  	v52 =	vor.u32 v20, v51;
	_ =	sdelay $0x3  }
0x46b: {  	[tilespmem:v50+s24+$0x0] =	vst.idx.msk $0xffff, v48  }
0x46c: {  	v48 =	vld.idx.msk [tilespmem:v52+s18+$0x0], $0xffff  }
0x46d: {  	v50 =	vor.u32 v21, v49  }
0x46e: {  	v52 =	vor.u32 v22, v51;
	_ =	sdelay $0x3  }
0x46f: {  	[tilespmem:v50+s24+$0x0] =	vst.idx.msk $0xffff, v48  }
0x470: {  	v48 =	vld.idx.msk [tilespmem:v52+s18+$0x0], $0xffff  }
0x471: {  	v50 =	vor.u32 v23, v49  }
0x472: {  	v52 =	vor.u32 v24, v51;
	_ =	sdelay $0x3  }
0x473: {  	[tilespmem:v50+s24+$0x0] =	vst.idx.msk $0xffff, v48  }
0x474: {  	v48 =	vld.idx.msk [tilespmem:v52+s18+$0x0], $0xffff  }
0x475: {  	v50 =	vor.u32 v25, v49  }
0x476: {  	v52 =	vor.u32 v26, v51;
	_ =	sdelay $0x3  }
0x477: {  	[tilespmem:v50+s24+$0x0] =	vst.idx.msk $0xffff, v48  }
0x478: {  	v48 =	vld.idx.msk [tilespmem:v52+s18+$0x0], $0xffff  }
0x479: {  	v50 =	vor.u32 v27, v49  }
0x47a: {  	v52 =	vor.u32 v28, v51;
	_ =	sdelay $0x3  }
0x47b: {  	[tilespmem:v50+s24+$0x0] =	vst.idx.msk $0xffff, v48  }
0x47c: {  	v48 =	vld.idx.msk [tilespmem:v52+s18+$0x0], $0xffff  }
0x47d: {  	v50 =	vor.u32 v29, v49  }
0x47e: {  	v51 =	vor.u32 v30, v51  }
.Ltmp6:
0x47f: {  	(pc) =	sbr.rel @p0 .LBB2_14-.Ltmp6, $3  }
0x480: {  	_ =	sdelay $0x1  }
0x481: {  	[tilespmem:v50+s24+$0x0] =	vst.idx.msk $0xffff, v48  }
0x482: {  	v48 =	vadd.s32 s0, v0;
	s0 =	sadd.s32 $0x1, s0;
	v50 =	vld.idx.msk [tilespmem:v51+s18+$0x0], $0xffff  }
0x483: {  	v51 =	vand.u32 $0xF, v48;
	v49 =	vor.u32 v31, v49  }
0x484: {  	v52 =	vor.u32 v14, v51;
	_ =	sdelay $0x2  }
0x485: {  	v53 =	vshll.u32 v48, $0x7  }
0x486: {  	[tilespmem:v49+s24+$0x0] =	vst.idx.msk $0xffff, v50;
	v49 =	vand.u32 $0x780, v53  }
0x487: {  	v50 =	vld.idx.msk [tilespmem:v52+s18+$0x0], $0xffff;
	v60 =	vor.u32 v0, v49  }
0x488: {  	v54 =	vor.u32 v18, v51;
	_ =	sdelay $0x3  }
0x489: {  	[tilespmem:v60+s24+$0x0] =	vst.idx.msk $0xffff, v50  }
0x48a: {  	v61 =	vor.u32 v19, v49;
	v50 =	vld.idx.msk [tilespmem:v54+s18+$0x0], $0xffff  }
0x48b: {  	v62 =	vor.u32 v20, v51;
	_ =	sdelay $0x3  }
0x48c: {  	[tilespmem:v61+s24+$0x0] =	vst.idx.msk $0xffff, v50  }
0x48d: {  	v63 =	vor.u32 v21, v49;
	v50 =	vld.idx.msk [tilespmem:v62+s18+$0x0], $0xffff  }
0x48e: {  	v57 =	vor.u32 v22, v51;
	_ =	sdelay $0x3  }
0x48f: {  	[tilespmem:v63+s24+$0x0] =	vst.idx.msk $0xffff, v50  }
0x490: {  	v58 =	vor.u32 v23, v49;
	v50 =	vld.idx.msk [tilespmem:v57+s18+$0x0], $0xffff  }
0x491: {  	v59 =	vor.u32 v24, v51;
	_ =	sdelay $0x3  }
0x492: {  	[tilespmem:v58+s24+$0x0] =	vst.idx.msk $0xffff, v50  }
0x493: {  	v60 =	vor.u32 v25, v49;
	v50 =	vld.idx.msk [tilespmem:v59+s18+$0x0], $0xffff  }
0x494: {  	v61 =	vor.u32 v26, v51;
	_ =	sdelay $0x3  }
0x495: {  	[tilespmem:v60+s24+$0x0] =	vst.idx.msk $0xffff, v50  }
0x496: {  	v62 =	vor.u32 v27, v49;
	v50 =	vld.idx.msk [tilespmem:v61+s18+$0x0], $0xffff  }
0x497: {  	v63 =	vor.u32 v28, v51;
	_ =	sdelay $0x3  }
0x498: {  	[tilespmem:v62+s24+$0x0] =	vst.idx.msk $0xffff, v50  }
0x499: {  	v56 =	vor.u32 v29, v49;
	v50 =	vld.idx.msk [tilespmem:v63+s18+$0x0], $0xffff  }
0x49a: {  	v51 =	vor.u32 v30, v51;
	_ =	sdelay $0x3  }
0x49b: {  	v57 =	vor.u32 $0x10, v48;
	[tilespmem:v56+s24+$0x0] =	vst.idx.msk $0xffff, v50  }
0x49c: {  	v49 =	vor.u32 v31, v49;
	v50 =	vld.idx.msk [tilespmem:v51+s18+$0x0], $0xffff;
	v51 =	vand.u32 $0x1F, v57  }
0x49d: {  	v58 =	vor.u32 v14, v51;
	_ =	sdelay $0x1  }
0x49e: {  	v48 =	vshll.u32 v57, $0x7  }
0x49f: {  	v53 =	vand.u32 $0x380, v53;
	v48 =	vand.u32 $0xC00, v48  }
0x4a0: {  	v48 =	vor.u32 v53, v48;
	[tilespmem:v49+s24+$0x0] =	vst.idx.msk $0xffff, v50  }
0x4a1: {  	v59 =	vor.u32 v0, v48;
	v49 =	vld.idx.msk [tilespmem:v58+s18+$0x0], $0xffff  }
0x4a2: {  	v60 =	vor.u32 v18, v51;
	_ =	sdelay $0x3  }
0x4a3: {  	[tilespmem:v59+s24+$0x0] =	vst.idx.msk $0xffff, v49  }
0x4a4: {  	v61 =	vor.u32 v19, v48;
	v49 =	vld.idx.msk [tilespmem:v60+s18+$0x0], $0xffff  }
0x4a5: {  	v62 =	vor.u32 v20, v51;
	_ =	sdelay $0x3  }
0x4a6: {  	[tilespmem:v61+s24+$0x0] =	vst.idx.msk $0xffff, v49  }
0x4a7: {  	v63 =	vor.u32 v21, v48;
	v49 =	vld.idx.msk [tilespmem:v62+s18+$0x0], $0xffff  }
0x4a8: {  	v56 =	vor.u32 v22, v51;
	_ =	sdelay $0x3  }
0x4a9: {  	[tilespmem:v63+s24+$0x0] =	vst.idx.msk $0xffff, v49  }
0x4aa: {  	v57 =	vor.u32 v23, v48;
	v49 =	vld.idx.msk [tilespmem:v56+s18+$0x0], $0xffff  }
0x4ab: {  	v58 =	vor.u32 v24, v51;
	_ =	sdelay $0x3  }
0x4ac: {  	[tilespmem:v57+s24+$0x0] =	vst.idx.msk $0xffff, v49  }
0x4ad: {  	v59 =	vor.u32 v25, v48;
	v49 =	vld.idx.msk [tilespmem:v58+s18+$0x0], $0xffff  }
0x4ae: {  	v60 =	vor.u32 v26, v51;
	_ =	sdelay $0x3  }
0x4af: {  	[tilespmem:v59+s24+$0x0] =	vst.idx.msk $0xffff, v49  }
0x4b0: {  	v61 =	vor.u32 v27, v48;
	v49 =	vld.idx.msk [tilespmem:v60+s18+$0x0], $0xffff  }
0x4b1: {  	v62 =	vor.u32 v28, v51;
	_ =	sdelay $0x3  }
0x4b2: {  	[tilespmem:v61+s24+$0x0] =	vst.idx.msk $0xffff, v49  }
0x4b3: {  	v63 =	vor.u32 v29, v48;
	v49 =	vld.idx.msk [tilespmem:v62+s18+$0x0], $0xffff  }
0x4b4: {  	v51 =	vor.u32 v30, v51;
	_ =	sdelay $0x3  }
0x4b5: {  	[tilespmem:v63+s24+$0x0] =	vst.idx.msk $0xffff, v49  }
0x4b6: {  	v48 =	vor.u32 v31, v48;
	v49 =	vld.idx.msk [tilespmem:v51+s18+$0x0], $0xffff;
	_ =	sdelay $0x4  }
0x4b7: {  	s28 =	sadd.s32 $0x1, s28;
	[tilespmem:v48+s24+$0x0] =	vst.idx.msk $0xffff, v49  }
0x4b8: {  	[hbm4b:s11+s21] =	stream.strided.scatter [tilespmem:s24], [sflag:$0x4], $0x1000, s22, s21, $0x38;
	[tilespmem:$0x7500] =	vst v63  }
0x4b9: {  	p0 =	sne.s32 s28, s12;
	_ =	swait.ge [sflag:s25], $0x1000  }
.Ltmp7:
0x4ba: {  	[sflag:s25] =	ssyncset.done $0x0;
	(pc) =	sbr.rel @p0 .LBB2_1-.Ltmp7, $4  }
0x4bb: {  	[sflag:s25] =	ssyncadd.s32 $0xFFFFF000  }
0x4bc: {  	_ =	swait.ge [sflag:s26], $0x1000  }
0x4bd: {  	[sflag:s26] =	ssyncset.done $0x0  }
0x4be: {  	[sflag:s26] =	ssyncadd.s32 $0xFFFFF000  }
0x4bf: {  	_ =	sfence.sel $0x180000  }
0x4c0: {  	[bflag:$0x0] =	sbarrier.arrive $0xFFFF  }
0x4c1: {  	_ =	strace $0x90000047  }
0x4c2: {  	s0 =	stileid.u32;
	[bflag:$0x2] =	sbarrier.arrive $0xFFFF  }
0x4c3: {  	p0 =	sne.s32 s0, $0x0;
	s0 =	rddreg [dreg:$0x2]  }
0x4c4: {  	s0 =	sadd.s32 @!p0 $0x100000, s0  }
0x4c5: {  	[sflag:s0] =	ssyncadd.tile.s32 @!p0 $0x1;
	_ =	shalt  }
.Lfunc_end2:
_tile_overlayer_lowered:
.L_overlay_start_2:
0x4c6: {  	(tag) =	ssettag $0x2  }
0x4c7: {  	s0 =	rddreg [dreg:$0x0];
	s2 =	stileid.u32  }
0x4c8: {  	s1 =	rddreg [dreg:$0x1];
	p0 =	sne.s32 s2, $0x0  }
0x4c9: {  	s3 =	rddreg [dreg:$0x2];
	[bflag:$0x3] =	sbarrier.arrive $0xFFFF;
	s2 =	simm.s32 @!p0 $0x1C05  }
0x4ca: {  	[timem:s3], [sflag:s2] =	dma.local @!p0 [hbm:s0], s1  }
0x4cb: {  	s0 =	simm.s32 @!p0 $0x5  }
0x4cc: {  	_ =	swait.ge @!p0 [sflag:s0], s1  }
0x4cd: {  	s1 =	ssub.s32 @!p0 $0x0, s1;
	[sflag:s0] =	ssyncset.done @!p0 $0x0  }
0x4ce: {  	[sflag:s0] =	ssyncadd.s32 @!p0 s1  }
0x4cf: {  	[bflag:$0x3] =	sbarrier.arrive $0xFFFF  }
0x4d0: {  	_ =	shalt  }

</sc_bundles>
